<compile_context>
chip_gen: v7x
topology: tpu7x:2x2x1
jax: 0.10.2.dev20260603
libtpu: 0.0.44.dev20260713+nightly
codegen_flags: <defaults>
</compile_context>

<pallas_src>
import functools

import jax
import jax.numpy as jnp
from jax import lax
from jax.experimental import pallas as pl
from jax.experimental.pallas import tpu as pltpu
from jax.experimental.pallas import tpu_sc as plsc

N = 10000
D = 128
E = 320000

C = 40
NTILES = 16
EPT = E // NTILES
CPT = EPT // C
PK = 20
BLOCKS = CPT // PK
IB = PK * C
NP = 4
ZC = 80
NZC = N // ZC
ZPT = -(-NZC // NTILES)


def _segment_sums_sc(x, ps, pd, ns, nd, zeros):
    mesh = plsc.VectorSubcoreMesh(core_axis_name="c", subcore_axis_name="s")

    @functools.partial(
        pl.kernel,
        out_type=(
            jax.ShapeDtypeStruct((N, D), jnp.float32),
            jax.ShapeDtypeStruct((N, D), jnp.float32),
        ),
        mesh=mesh,
        scratch_types=[
            pltpu.VMEM_SHARED((N, D), jnp.float32),
            pltpu.VMEM((2 * IB,), jnp.int32),
            pltpu.VMEM((2 * IB,), jnp.int32),
            pltpu.VMEM((NP, 2 * C, D), jnp.float32),
            [pltpu.SemaphoreType.DMA] * 8,
            [pltpu.SemaphoreType.DMA] * NP,
            pltpu.SemaphoreType.DMA,
        ],
    )
    def seg_kernel(x_hbm, ps_hbm, pd_hbm, ns_hbm, nd_hbm, z_hbm,
                   outp_hbm, outn_hbm,
                   acc, src_ring, dst_ring, rows, gsems, ssems, isem):
        cid = lax.axis_index("c")
        sid = lax.axis_index("s")

        def zero_body(t, carry):
            chunk = sid + t * NTILES

            @pl.when(chunk < NZC)
            def _():
                pltpu.async_copy(z_hbm, acc.at[pl.ds(chunk * ZC, ZC)], isem)

            return carry

        lax.fori_loop(0, ZPT, zero_body, 0)

        def zero_drain(t, carry):
            @pl.when(sid + t * NTILES < NZC)
            def _():
                pltpu.make_async_copy(
                    z_hbm, acc.at[pl.ds(0, ZC)], isem).wait()

            return carry

        lax.fori_loop(0, ZPT, zero_drain, 0)
        plsc.subcore_barrier()

        def run(src_hbm, dst_hbm, out_hbm):
            ebase = sid * EPT

            def load_block(b):
                off = (b % 2) * IB
                pltpu.async_copy(
                    src_hbm.at[pl.ds(ebase + b * IB, IB)],
                    src_ring.at[pl.ds(off, IB)], isem)
                pltpu.async_copy(
                    dst_hbm.at[pl.ds(ebase + b * IB, IB)],
                    dst_ring.at[pl.ds(off, IB)], isem)

            def wait_block():
                for _ in range(2):
                    pltpu.make_async_copy(
                        src_hbm.at[pl.ds(ebase, IB)],
                        src_ring.at[pl.ds(0, IB)], isem).wait()

            def idx_off(t):
                b = t // PK
                return (b % 2) * IB + (t - b * PK) * C

            load_block(0)

            def pipe_body(tt, carry):
                for u in range(8):
                    t = tt * 8 + u
                    j = lax.rem(t, PK)

                    if u % 2 == 0:
                        sp = u // 2

                        @pl.when(jnp.logical_and(j == 0, t < CPT))
                        def _():
                            wait_block()

                        @pl.when(jnp.logical_and(t >= 8, t < CPT + 8))
                        def _():
                            pltpu.make_async_copy(
                                rows.at[sp],
                                acc.at[dst_ring.at[pl.ds(0, 2 * C)]],
                                ssems[sp]).wait()

                        @pl.when(t < CPT)
                        def _():
                            pltpu.async_copy(
                                x_hbm.at[
                                    src_ring.at[pl.ds(idx_off(t), C)]],
                                rows.at[sp, pl.ds(0, C)], gsems[u])

                        sv = ((u - 6) // 2) % NP

                        @pl.when(jnp.logical_and(t >= 6, t < CPT + 6))
                        def _():
                            for w in (2, 3):
                                pltpu.make_async_copy(
                                    x_hbm.at[src_ring.at[pl.ds(0, C)]],
                                    rows.at[0, pl.ds(0, C)],
                                    gsems[(u + w) % 8]).wait()
                            pltpu.async_copy(
                                rows.at[sv],
                                acc.at[dst_ring.at[
                                    pl.ds(idx_off(t - 6), 2 * C)]],
                                ssems[sv], add=True)

                        @pl.when(jnp.logical_and(j == 8,
                                                 t // PK < BLOCKS - 1))
                        def _():
                            load_block(t // PK + 1)
                    else:
                        sp = (u - 1) // 2

                        @pl.when(t < CPT)
                        def _():
                            pltpu.async_copy(
                                x_hbm.at[
                                    src_ring.at[pl.ds(idx_off(t), C)]],
                                rows.at[sp, pl.ds(C, C)], gsems[u])

                return carry

            lax.fori_loop(0, (CPT + 8) // 8 + 1, pipe_body, 0)
            plsc.subcore_barrier()

            def out_body(t, carry):
                chunk = sid + t * NTILES

                @pl.when(chunk < NZC)
                def _():
                    r0 = chunk * ZC
                    pltpu.sync_copy(acc.at[pl.ds(r0, ZC)],
                                    out_hbm.at[pl.ds(r0, ZC)])

                return carry

            lax.fori_loop(0, ZPT, out_body, 0)

        @pl.when(cid == 0)
        def _():
            run(ps_hbm, pd_hbm, outp_hbm)

        @pl.when(cid == 1)
        def _():
            run(ns_hbm, nd_hbm, outn_hbm)

    return seg_kernel(x, ps, pd, ns, nd, zeros)


def _linear_tc(x, xp, xn, wt, b2):
    BM = 2000

    def mm(x_ref, xp_ref, xn_ref, wt_ref, b_ref, o_ref):
        acc = jnp.dot(x_ref[...], wt_ref[0:D, :],
                      preferred_element_type=jnp.float32)
        acc = acc + jnp.dot(xp_ref[...], wt_ref[D:2 * D, :],
                            preferred_element_type=jnp.float32)
        acc = acc + jnp.dot(xn_ref[...], wt_ref[2 * D:3 * D, :],
                            preferred_element_type=jnp.float32)
        o_ref[...] = acc + b_ref[...]

    return pl.pallas_call(
        mm,
        grid=(N // BM,),
        in_specs=[
            pl.BlockSpec((BM, D), lambda i: (i, 0)),
            pl.BlockSpec((BM, D), lambda i: (i, 0)),
            pl.BlockSpec((BM, D), lambda i: (i, 0)),
            pl.BlockSpec((3 * D, D), lambda i: (0, 0)),
            pl.BlockSpec((1, D), lambda i: (0, 0)),
        ],
        out_specs=pl.BlockSpec((BM, D), lambda i: (i, 0)),
        out_shape=jax.ShapeDtypeStruct((N, D), jnp.float32),
    )(x, xp, xn, wt, b2)


def _split_rows_tc(ei):

    def body(e_ref, s_ref, d_ref):
        s_ref[...] = e_ref[0, :]
        d_ref[...] = e_ref[1, :]

    return pl.pallas_call(
        body,
        out_shape=[jax.ShapeDtypeStruct((E,), jnp.int32),
                   jax.ShapeDtypeStruct((E,), jnp.int32)],
    )(ei)


def kernel(x, pos_edge_index, neg_edge_index, W, b):
    ps, pd = _split_rows_tc(pos_edge_index.astype(jnp.int32))
    ns, nd = _split_rows_tc(neg_edge_index.astype(jnp.int32))
    zeros = jnp.zeros((ZC, D), jnp.float32)
    xp, xn = _segment_sums_sc(x, ps, pd, ns, nd, zeros)
    wt = W.T.reshape(3 * D, D)
    b2 = b.reshape(1, D)
    return _linear_tc(x, xp, xn, wt, b2)

# --- scband reference (transcript-rebuilt; emitter-appended) ---
"""Pipeline reference for scband-local-layer-44942537785491 (READ-ONLY COPY).

The authoritative reference and input builder live on the scoring server;
editing this copy changes nothing except your own understanding.
"""

import jax, jax.numpy as jnp
import numpy as np

N = 10000
E = 320000
D_IN = 128
D_OUT = 128

def setup_inputs(seed: int = 0) -> dict:
    key = jax.random.key(seed)
    k_x, k_pe, k_ne, k_w, k_b = jax.random.split(key, 5)
    x = jax.random.normal(k_x, (N, D_IN), dtype=jnp.float32)
    pos_edge_index = jax.random.randint(k_pe, (2, E), 0, N, dtype=jnp.int64)
    neg_edge_index = jax.random.randint(k_ne, (2, E), 0, N, dtype=jnp.int64)
    # nn.Linear(in_channels*3, out_channels): weight [D_OUT, 3*D_IN], bias [D_OUT]
    fan_in = 3 * D_IN
    bound = 1.0 / np.sqrt(fan_in)
    W = jax.random.uniform(k_w, (D_OUT, 3 * D_IN), dtype=jnp.float32, minval=-bound, maxval=bound)
    b = jax.random.uniform(k_b, (D_OUT,), dtype=jnp.float32, minval=-bound, maxval=bound)
    return {"x": x, "pos_edge_index": pos_edge_index, "neg_edge_index": neg_edge_index, "W": W, "b": b}

def _mp_add(x, edge_index):
    # MessagePassing(aggr='add'), flow='source_to_target':
    # message x_j = x[edge_index[0]], aggregated at dst = edge_index[1]
    src = edge_index[0]
    dst = edge_index[1]
    msgs = jnp.take(x, src, axis=0)
    return jax.ops.segment_sum(msgs, dst, num_segments=x.shape[0])

def reference(x, pos_edge_index, neg_edge_index, W, b):
    x_pos = _mp_add(x, pos_edge_index)
    x_neg = _mp_add(x, neg_edge_index)
    out_cat = jnp.concatenate((x, x_pos, x_neg), axis=1)
    return out_cat @ W.T + b

if __name__ == "__main__":
    import jax
    _d = setup_inputs()
    print(jax.jit(kernel)(*tuple(_d.values())))

</pallas_src>

<mosaic_0001>
#map = affine_map<(d0, d1) -> (0, 0)>
#map1 = affine_map<(d0, d1) -> (0)>
module attributes {stable_mosaic.version = 14 : i64} {
  func.func @seg_kernel(%arg0: i32, %arg1: i32, %arg2: memref<10000x128xf32, #tpu.memory_space<hbm>>, %arg3: memref<320000xi32, #tpu.memory_space<hbm>>, %arg4: memref<320000xi32, #tpu.memory_space<hbm>>, %arg5: memref<320000xi32, #tpu.memory_space<hbm>>, %arg6: memref<320000xi32, #tpu.memory_space<hbm>>, %arg7: memref<80x128xf32, #tpu.memory_space<hbm>>, %arg8: memref<10000x128xf32, #tpu.memory_space<hbm>>, %arg9: memref<10000x128xf32, #tpu.memory_space<hbm>>, %arg10: memref<10000x128xf32, #tpu.memory_space<vmem_shared>>, %arg11: memref<1600xi32, #tpu.memory_space<vmem>>, %arg12: memref<1600xi32, #tpu.memory_space<vmem>>, %arg13: memref<4x80x128xf32, #tpu.memory_space<vmem>>, %arg14: memref<!tpu.dma_semaphore, #tpu.memory_space<semaphore_mem>>, %arg15: memref<!tpu.dma_semaphore, #tpu.memory_space<semaphore_mem>>, %arg16: memref<!tpu.dma_semaphore, #tpu.memory_space<semaphore_mem>>, %arg17: memref<!tpu.dma_semaphore, #tpu.memory_space<semaphore_mem>>, %arg18: memref<!tpu.dma_semaphore, #tpu.memory_space<semaphore_mem>>, %arg19: memref<!tpu.dma_semaphore, #tpu.memory_space<semaphore_mem>>, %arg20: memref<!tpu.dma_semaphore, #tpu.memory_space<semaphore_mem>>, %arg21: memref<!tpu.dma_semaphore, #tpu.memory_space<semaphore_mem>>, %arg22: memref<!tpu.dma_semaphore, #tpu.memory_space<semaphore_mem>>, %arg23: memref<!tpu.dma_semaphore, #tpu.memory_space<semaphore_mem>>, %arg24: memref<!tpu.dma_semaphore, #tpu.memory_space<semaphore_mem>>, %arg25: memref<!tpu.dma_semaphore, #tpu.memory_space<semaphore_mem>>, %arg26: memref<!tpu.dma_semaphore, #tpu.memory_space<semaphore_mem>>) attributes {dimension_semantics = [#tpu.dimension_semantics<core_parallel>, #tpu.dimension_semantics<subcore_parallel>], iteration_bounds = array<i64: 2, 16>, scalar_prefetch = 0 : i64, scratch_operands = 17 : i64, tpu.core_type = #tpu.core_type<sc_vector_subcore>, window_params = [{transform_indices = #map}, {transform_indices = #map1}, {transform_indices = #map1}, {transform_indices = #map1}, {transform_indices = #map1}, {transform_indices = #map}, {transform_indices = #map}, {transform_indices = #map}]} {
    %scan3A = arith.constant 0 : i32
    %scan3A_0 = arith.constant 0 : i32
    %scan3A_1 = arith.constant 8 : i32
    %scan3A_2 = arith.addi %scan3A_0, %scan3A_1 : i32
    %scan3A_3 = arith.constant 1 : i32
    scf.for %scan3A_18 = %scan3A_0 to %scan3A_2 step %scan3A_3  : i32 {
      %mul3A = arith.constant 16 : i32
      %mul3A_19 = arith.muli %scan3A_18, %mul3A : i32
      %add3A = arith.addi %arg1, %mul3A_19 : i32
      %lt3A = arith.constant 125 : i32
      %lt3A_20 = arith.cmpi slt, %add3A, %lt3A : i32
      %convert_element_type3A_21 = arith.extui %lt3A_20 : i1 to i32
      %cond3A_22 = arith.constant 0 : i32
      %cond3A_23 = arith.cmpi ne, %convert_element_type3A_21, %cond3A_22 : i32
      scf.if %cond3A_23 {
        %mul3A_24 = arith.constant 80 : i32
        %mul3A_25 = arith.muli %add3A, %mul3A_24 : i32
        %dma_start3A = arith.constant 0 : i32
        %dma_start3A_26 = tpu.memref_slice %arg10[%mul3A_25, %dma_start3A] : memref<10000x128xf32, #tpu.memory_space<vmem_shared>> -> memref<80x128xf32, #tpu.memory_space<vmem_shared>>
        tpu.enqueue_dma source(%arg7 : memref<80x128xf32, #tpu.memory_space<hbm>>) target(%dma_start3A_26 : memref<80x128xf32, #tpu.memory_space<vmem_shared>>) target_semaphore(%arg26 : memref<!tpu.dma_semaphore, #tpu.memory_space<semaphore_mem>>)
      } else {
      }
    }
    %scan3A_4 = arith.constant 8 : i32
    %scan3A_5 = arith.constant 0 : i32
    %scan3A_6 = arith.constant 0 : i32
    %scan3A_7 = arith.constant 8 : i32
    %scan3A_8 = arith.addi %scan3A_6, %scan3A_7 : i32
    %scan3A_9 = arith.constant 1 : i32
    scf.for %scan3A_18 = %scan3A_6 to %scan3A_8 step %scan3A_9  : i32 {
      %mul3A = arith.constant 16 : i32
      %mul3A_19 = arith.muli %scan3A_18, %mul3A : i32
      %add3A = arith.addi %arg1, %mul3A_19 : i32
      %lt3A = arith.constant 125 : i32
      %lt3A_20 = arith.cmpi slt, %add3A, %lt3A : i32
      %convert_element_type3A_21 = arith.extui %lt3A_20 : i1 to i32
      %cond3A_22 = arith.constant 0 : i32
      %cond3A_23 = arith.cmpi ne, %convert_element_type3A_21, %cond3A_22 : i32
      scf.if %cond3A_23 {
        %dma_wait3A = arith.constant 0 : i32
        %dma_wait3A_24 = arith.constant 0 : i32
        %dma_wait3A_25 = tpu.memref_slice %arg10[%dma_wait3A, %dma_wait3A_24] : memref<10000x128xf32, #tpu.memory_space<vmem_shared>> -> memref<80x128xf32, #tpu.memory_space<vmem_shared>>
        tpu.wait_dma2 semaphore(%arg26 : memref<!tpu.dma_semaphore, #tpu.memory_space<semaphore_mem>>) src(%arg7 : memref<80x128xf32, #tpu.memory_space<hbm>>) dst(%dma_wait3A_25 : memref<80x128xf32, #tpu.memory_space<vmem_shared>>)
      } else {
      }
    }
    %scan3A_10 = arith.constant 8 : i32
    %barrier3A = arith.constant 0 : index
    tpu.barrier barrier_id(%barrier3A)
    %eq3A = arith.constant 0 : i32
    %eq3A_11 = arith.cmpi eq, %arg0, %eq3A : i32
    %convert_element_type3A = arith.extui %eq3A_11 : i1 to i32
    %cond3A = arith.constant 0 : i32
    %cond3A_12 = arith.cmpi ne, %convert_element_type3A, %cond3A : i32
    scf.if %cond3A_12 {
      %mul3A = arith.constant 20000 : i32
      %mul3A_18 = arith.muli %arg1, %mul3A : i32
      %add3A = arith.constant 0 : i32
      %add3A_19 = arith.addi %mul3A_18, %add3A : i32
      %dma_start3A = arith.constant 0 : i32
      %dma_start3A_20 = tpu.memref_slice %arg11[%dma_start3A] : memref<1600xi32, #tpu.memory_space<vmem>> -> memref<800xi32, #tpu.memory_space<vmem>>
      %dma_start3A_21 = tpu.memref_slice %arg3[%add3A_19] : memref<320000xi32, #tpu.memory_space<hbm>> -> memref<800xi32, #tpu.memory_space<hbm>>
      %dma_start3A_22 = arith.constant 0 : i32
      %dma_start3A_23 = tpu.memref_slice %arg11[%dma_start3A_22] : memref<1600xi32, #tpu.memory_space<vmem>> -> memref<800xi32, #tpu.memory_space<vmem>>
      %dma_start3A_24 = tpu.memref_slice %arg3[%add3A_19] : memref<320000xi32, #tpu.memory_space<hbm>> -> memref<800xi32, #tpu.memory_space<hbm>>
      tpu.enqueue_dma source(%dma_start3A_24 : memref<800xi32, #tpu.memory_space<hbm>>) target(%dma_start3A_23 : memref<800xi32, #tpu.memory_space<vmem>>) target_semaphore(%arg26 : memref<!tpu.dma_semaphore, #tpu.memory_space<semaphore_mem>>)
      %add3A_25 = arith.constant 0 : i32
      %add3A_26 = arith.addi %mul3A_18, %add3A_25 : i32
      %dma_start3A_27 = arith.constant 0 : i32
      %dma_start3A_28 = tpu.memref_slice %arg12[%dma_start3A_27] : memref<1600xi32, #tpu.memory_space<vmem>> -> memref<800xi32, #tpu.memory_space<vmem>>
      %dma_start3A_29 = tpu.memref_slice %arg4[%add3A_26] : memref<320000xi32, #tpu.memory_space<hbm>> -> memref<800xi32, #tpu.memory_space<hbm>>
      %dma_start3A_30 = arith.constant 0 : i32
      %dma_start3A_31 = tpu.memref_slice %arg12[%dma_start3A_30] : memref<1600xi32, #tpu.memory_space<vmem>> -> memref<800xi32, #tpu.memory_space<vmem>>
      %dma_start3A_32 = tpu.memref_slice %arg4[%add3A_26] : memref<320000xi32, #tpu.memory_space<hbm>> -> memref<800xi32, #tpu.memory_space<hbm>>
      tpu.enqueue_dma source(%dma_start3A_32 : memref<800xi32, #tpu.memory_space<hbm>>) target(%dma_start3A_31 : memref<800xi32, #tpu.memory_space<vmem>>) target_semaphore(%arg26 : memref<!tpu.dma_semaphore, #tpu.memory_space<semaphore_mem>>)
      %scan3A_33 = arith.constant 0 : i32
      %scan3A_34 = arith.constant 0 : i32
      %scan3A_35 = arith.constant 64 : i32
      %scan3A_36 = arith.addi %scan3A_34, %scan3A_35 : i32
      %scan3A_37 = arith.constant 1 : i32
      scf.for %scan3A_46 = %scan3A_34 to %scan3A_36 step %scan3A_37  : i32 {
        %mul3A_47 = arith.constant 8 : i32
        %mul3A_48 = arith.muli %scan3A_46, %mul3A_47 : i32
        %add3A_49 = arith.constant 0 : i32
        %add3A_50 = arith.addi %mul3A_48, %add3A_49 : i32
        %rem3A = arith.constant 20 : i32
        %rem3A_51 = arith.remsi %add3A_50, %rem3A : i32
        %eq3A_52 = arith.constant 0 : i32
        %eq3A_53 = arith.cmpi eq, %rem3A_51, %eq3A_52 : i32
        %lt3A = arith.constant 500 : i32
        %lt3A_54 = arith.cmpi slt, %add3A_50, %lt3A : i32
        %and3A = arith.andi %eq3A_53, %lt3A_54 : i1
        %convert_element_type3A_55 = arith.extui %and3A : i1 to i32
        %cond3A_56 = arith.constant 0 : i32
        %cond3A_57 = arith.cmpi ne, %convert_element_type3A_55, %cond3A_56 : i32
        scf.if %cond3A_57 {
          %dma_wait3A = arith.constant 0 : i32
          %dma_wait3A_349 = tpu.memref_slice %arg11[%dma_wait3A] : memref<1600xi32, #tpu.memory_space<vmem>> -> memref<800xi32, #tpu.memory_space<vmem>>
          %dma_wait3A_350 = tpu.memref_slice %arg3[%mul3A_18] : memref<320000xi32, #tpu.memory_space<hbm>> -> memref<800xi32, #tpu.memory_space<hbm>>
          %dma_wait3A_351 = arith.constant 0 : i32
          %dma_wait3A_352 = tpu.memref_slice %arg11[%dma_wait3A_351] : memref<1600xi32, #tpu.memory_space<vmem>> -> memref<800xi32, #tpu.memory_space<vmem>>
          %dma_wait3A_353 = tpu.memref_slice %arg3[%mul3A_18] : memref<320000xi32, #tpu.memory_space<hbm>> -> memref<800xi32, #tpu.memory_space<hbm>>
          tpu.wait_dma2 semaphore(%arg26 : memref<!tpu.dma_semaphore, #tpu.memory_space<semaphore_mem>>) src(%dma_wait3A_353 : memref<800xi32, #tpu.memory_space<hbm>>) dst(%dma_wait3A_352 : memref<800xi32, #tpu.memory_space<vmem>>)
          %dma_wait3A_354 = arith.constant 0 : i32
          %dma_wait3A_355 = tpu.memref_slice %arg11[%dma_wait3A_354] : memref<1600xi32, #tpu.memory_space<vmem>> -> memref<800xi32, #tpu.memory_space<vmem>>
          %dma_wait3A_356 = tpu.memref_slice %arg3[%mul3A_18] : memref<320000xi32, #tpu.memory_space<hbm>> -> memref<800xi32, #tpu.memory_space<hbm>>
          %dma_wait3A_357 = arith.constant 0 : i32
          %dma_wait3A_358 = tpu.memref_slice %arg11[%dma_wait3A_357] : memref<1600xi32, #tpu.memory_space<vmem>> -> memref<800xi32, #tpu.memory_space<vmem>>
          %dma_wait3A_359 = tpu.memref_slice %arg3[%mul3A_18] : memref<320000xi32, #tpu.memory_space<hbm>> -> memref<800xi32, #tpu.memory_space<hbm>>
          tpu.wait_dma2 semaphore(%arg26 : memref<!tpu.dma_semaphore, #tpu.memory_space<semaphore_mem>>) src(%dma_wait3A_359 : memref<800xi32, #tpu.memory_space<hbm>>) dst(%dma_wait3A_358 : memref<800xi32, #tpu.memory_space<vmem>>)
        } else {
        }
        %ge3A = arith.constant 8 : i32
        %ge3A_58 = arith.cmpi sge, %add3A_50, %ge3A : i32
        %lt3A_59 = arith.constant 508 : i32
        %lt3A_60 = arith.cmpi slt, %add3A_50, %lt3A_59 : i32
        %and3A_61 = arith.andi %ge3A_58, %lt3A_60 : i1
        %convert_element_type3A_62 = arith.extui %and3A_61 : i1 to i32
        %cond3A_63 = arith.constant 0 : i32
        %cond3A_64 = arith.cmpi ne, %convert_element_type3A_62, %cond3A_63 : i32
        scf.if %cond3A_64 {
          %dma_wait3A = arith.constant 0 : i32
          %dma_wait3A_349 = arith.constant 0 : i32
          %dma_wait3A_350 = arith.constant 0 : i32
          %dma_wait3A_351 = tpu.memref_slice %arg13[%dma_wait3A, %dma_wait3A_349, %dma_wait3A_350] : memref<4x80x128xf32, #tpu.memory_space<vmem>> -> memref<1x80x128xf32, #tpu.memory_space<vmem>>
          %dma_wait3A_352 = tpu.memref_squeeze %dma_wait3A_351 : memref<1x80x128xf32, #tpu.memory_space<vmem>> -> memref<80x128xf32, #tpu.memory_space<vmem>>
          %dma_wait3A_353 = arith.constant 0 : i32
          %dma_wait3A_354 = tpu.memref_slice %arg12[%dma_wait3A_353] : memref<1600xi32, #tpu.memory_space<vmem>> -> memref<80xi32, #tpu.memory_space<vmem>>
          %dma_wait3A_355 = arith.constant 0 : i32
          %dma_wait3A_356 = arith.constant 0 : i32
          %dma_wait3A_357 = tpu.memref_slice %arg10[%dma_wait3A_355, %dma_wait3A_356] : memref<10000x128xf32, #tpu.memory_space<vmem_shared>> -> memref<10000x128xf32, #tpu.memory_space<vmem_shared>>
          tpu.wait_indirect_dma semaphore(%arg22 : memref<!tpu.dma_semaphore, #tpu.memory_space<semaphore_mem>>) src(%dma_wait3A_352 : memref<80x128xf32, #tpu.memory_space<vmem>>) dst(%dma_wait3A_357 : memref<10000x128xf32, #tpu.memory_space<vmem_shared>>)
        } else {
        }
        %lt3A_65 = arith.constant 500 : i32
        %lt3A_66 = arith.cmpi slt, %add3A_50, %lt3A_65 : i32
        %convert_element_type3A_67 = arith.extui %lt3A_66 : i1 to i32
        %cond3A_68 = arith.constant 0 : i32
        %cond3A_69 = arith.cmpi ne, %convert_element_type3A_67, %cond3A_68 : i32
        scf.if %cond3A_69 {
          %jit3A_349 = arith.constant 20 : i32
          %div3A_350 = arith.divsi %add3A_50, %jit3A_349 : i32
          %sign3A_351 = arith.constant 0 : i32
          %sign3A_352 = arith.cmpi sgt, %add3A_50, %sign3A_351 : i32
          %sign3A_353 = arith.extui %sign3A_352 : i1 to i32
          %sign3A_354 = arith.constant 0 : i32
          %sign3A_355 = arith.cmpi slt, %add3A_50, %sign3A_354 : i32
          %sign3A_356 = arith.extui %sign3A_355 : i1 to i32
          %sign3A_357 = arith.subi %sign3A_353, %sign3A_356 : i32
          %sign3A_358 = arith.constant 0 : i32
          %sign3A_359 = arith.cmpi sgt, %jit3A_349, %sign3A_358 : i32
          %sign3A_360 = arith.extui %sign3A_359 : i1 to i32
          %sign3A_361 = arith.constant 0 : i32
          %sign3A_362 = arith.cmpi slt, %jit3A_349, %sign3A_361 : i32
          %sign3A_363 = arith.extui %sign3A_362 : i1 to i32
          %sign3A_364 = arith.subi %sign3A_360, %sign3A_363 : i32
          %ne3A_365 = arith.cmpi ne, %sign3A_357, %sign3A_364 : i32
          %rem3A_366 = arith.remsi %add3A_50, %jit3A_349 : i32
          %ne3A_367 = arith.constant 0 : i32
          %ne3A_368 = arith.cmpi ne, %rem3A_366, %ne3A_367 : i32
          %and3A_369 = arith.andi %ne3A_365, %ne3A_368 : i1
          %sub3A_370 = arith.constant 1 : i32
          %sub3A_371 = arith.subi %div3A_350, %sub3A_370 : i32
          %select_n3A_372 = arith.select %and3A_369, %sub3A_371, %div3A_350 : i32
          %jit3A_373 = arith.constant 2 : i32
          %eq3A_374 = arith.constant 0 : i32
          %eq3A_375 = arith.cmpi eq, %jit3A_373, %eq3A_374 : i32
          %jit3A_376 = arith.constant 1 : i32
          %select_n3A_377 = arith.select %eq3A_375, %jit3A_376, %jit3A_373 : i32
          %rem3A_378 = arith.remsi %select_n3A_372, %select_n3A_377 : i32
          %ne3A_379 = arith.constant 0 : i32
          %ne3A_380 = arith.cmpi ne, %rem3A_378, %ne3A_379 : i32
          %lt3A_381 = arith.constant 0 : i32
          %lt3A_382 = arith.cmpi slt, %rem3A_378, %lt3A_381 : i32
          %lt3A_383 = arith.constant 0 : i32
          %lt3A_384 = arith.cmpi slt, %select_n3A_377, %lt3A_383 : i32
          %ne3A_385 = arith.xori %lt3A_382, %lt3A_384 : i1
          %and3A_386 = arith.andi %ne3A_385, %ne3A_380 : i1
          %add3A_387 = arith.addi %rem3A_378, %select_n3A_377 : i32
          %select_n3A_388 = arith.select %and3A_386, %add3A_387, %rem3A_378 : i32
          %mul3A_389 = arith.constant 800 : i32
          %mul3A_390 = arith.muli %select_n3A_388, %mul3A_389 : i32
          %mul3A_391 = arith.constant 20 : i32
          %mul3A_392 = arith.muli %select_n3A_372, %mul3A_391 : i32
          %sub3A_393 = arith.subi %add3A_50, %mul3A_392 : i32
          %mul3A_394 = arith.constant 40 : i32
          %mul3A_395 = arith.muli %sub3A_393, %mul3A_394 : i32
          %add3A_396 = arith.addi %mul3A_390, %mul3A_395 : i32
          %dma_start3A_397 = arith.constant 0 : i32
          %dma_start3A_398 = arith.constant 0 : i32
          %dma_start3A_399 = arith.constant 0 : i32
          %dma_start3A_400 = tpu.memref_slice %arg13[%dma_start3A_397, %dma_start3A_398, %dma_start3A_399] : memref<4x80x128xf32, #tpu.memory_space<vmem>> -> memref<1x40x128xf32, #tpu.memory_space<vmem>>
          %dma_start3A_401 = tpu.memref_squeeze %dma_start3A_400 : memref<1x40x128xf32, #tpu.memory_space<vmem>> -> memref<40x128xf32, #tpu.memory_space<vmem>>
          %dma_start3A_402 = tpu.memref_slice %arg11[%add3A_396] : memref<1600xi32, #tpu.memory_space<vmem>> -> memref<40xi32, #tpu.memory_space<vmem>>
          %dma_start3A_403 = arith.constant 0 : i32
          %dma_start3A_404 = arith.constant 0 : i32
          %dma_start3A_405 = tpu.memref_slice %arg2[%dma_start3A_403, %dma_start3A_404] : memref<10000x128xf32, #tpu.memory_space<hbm>> -> memref<10000x128xf32, #tpu.memory_space<hbm>>
          tpu.enqueue_indirect_dma source(%dma_start3A_405 : memref<10000x128xf32, #tpu.memory_space<hbm>>) target(%dma_start3A_401 : memref<40x128xf32, #tpu.memory_space<vmem>>) offsets(%dma_start3A_402 : memref<40xi32, #tpu.memory_space<vmem>>) semaphore(%arg14 : memref<!tpu.dma_semaphore, #tpu.memory_space<semaphore_mem>>)
        } else {
        }
        %ge3A_70 = arith.constant 6 : i32
        %ge3A_71 = arith.cmpi sge, %add3A_50, %ge3A_70 : i32
        %lt3A_72 = arith.constant 506 : i32
        %lt3A_73 = arith.cmpi slt, %add3A_50, %lt3A_72 : i32
        %and3A_74 = arith.andi %ge3A_71, %lt3A_73 : i1
        %convert_element_type3A_75 = arith.extui %and3A_74 : i1 to i32
        %cond3A_76 = arith.constant 0 : i32
        %cond3A_77 = arith.cmpi ne, %convert_element_type3A_75, %cond3A_76 : i32
        scf.if %cond3A_77 {
          %dma_wait3A = arith.constant 0 : i32
          %dma_wait3A_349 = arith.constant 0 : i32
          %dma_wait3A_350 = arith.constant 0 : i32
          %dma_wait3A_351 = tpu.memref_slice %arg13[%dma_wait3A, %dma_wait3A_349, %dma_wait3A_350] : memref<4x80x128xf32, #tpu.memory_space<vmem>> -> memref<1x40x128xf32, #tpu.memory_space<vmem>>
          %dma_wait3A_352 = tpu.memref_squeeze %dma_wait3A_351 : memref<1x40x128xf32, #tpu.memory_space<vmem>> -> memref<40x128xf32, #tpu.memory_space<vmem>>
          %dma_wait3A_353 = arith.constant 0 : i32
          %dma_wait3A_354 = tpu.memref_slice %arg11[%dma_wait3A_353] : memref<1600xi32, #tpu.memory_space<vmem>> -> memref<40xi32, #tpu.memory_space<vmem>>
          %dma_wait3A_355 = arith.constant 0 : i32
          %dma_wait3A_356 = arith.constant 0 : i32
          %dma_wait3A_357 = tpu.memref_slice %arg2[%dma_wait3A_355, %dma_wait3A_356] : memref<10000x128xf32, #tpu.memory_space<hbm>> -> memref<10000x128xf32, #tpu.memory_space<hbm>>
          tpu.wait_indirect_dma semaphore(%arg16 : memref<!tpu.dma_semaphore, #tpu.memory_space<semaphore_mem>>) src(%dma_wait3A_357 : memref<10000x128xf32, #tpu.memory_space<hbm>>) dst(%dma_wait3A_352 : memref<40x128xf32, #tpu.memory_space<vmem>>)
          %dma_wait3A_358 = arith.constant 0 : i32
          %dma_wait3A_359 = arith.constant 0 : i32
          %dma_wait3A_360 = arith.constant 0 : i32
          %dma_wait3A_361 = tpu.memref_slice %arg13[%dma_wait3A_358, %dma_wait3A_359, %dma_wait3A_360] : memref<4x80x128xf32, #tpu.memory_space<vmem>> -> memref<1x40x128xf32, #tpu.memory_space<vmem>>
          %dma_wait3A_362 = tpu.memref_squeeze %dma_wait3A_361 : memref<1x40x128xf32, #tpu.memory_space<vmem>> -> memref<40x128xf32, #tpu.memory_space<vmem>>
          %dma_wait3A_363 = arith.constant 0 : i32
          %dma_wait3A_364 = tpu.memref_slice %arg11[%dma_wait3A_363] : memref<1600xi32, #tpu.memory_space<vmem>> -> memref<40xi32, #tpu.memory_space<vmem>>
          %dma_wait3A_365 = arith.constant 0 : i32
          %dma_wait3A_366 = arith.constant 0 : i32
          %dma_wait3A_367 = tpu.memref_slice %arg2[%dma_wait3A_365, %dma_wait3A_366] : memref<10000x128xf32, #tpu.memory_space<hbm>> -> memref<10000x128xf32, #tpu.memory_space<hbm>>
          tpu.wait_indirect_dma semaphore(%arg17 : memref<!tpu.dma_semaphore, #tpu.memory_space<semaphore_mem>>) src(%dma_wait3A_367 : memref<10000x128xf32, #tpu.memory_space<hbm>>) dst(%dma_wait3A_362 : memref<40x128xf32, #tpu.memory_space<vmem>>)
          %sub3A_368 = arith.constant 6 : i32
          %sub3A_369 = arith.subi %add3A_50, %sub3A_368 : i32
          %jit3A_370 = arith.constant 20 : i32
          %div3A_371 = arith.divsi %sub3A_369, %jit3A_370 : i32
          %sign3A_372 = arith.constant 0 : i32
          %sign3A_373 = arith.cmpi sgt, %sub3A_369, %sign3A_372 : i32
          %sign3A_374 = arith.extui %sign3A_373 : i1 to i32
          %sign3A_375 = arith.constant 0 : i32
          %sign3A_376 = arith.cmpi slt, %sub3A_369, %sign3A_375 : i32
          %sign3A_377 = arith.extui %sign3A_376 : i1 to i32
          %sign3A_378 = arith.subi %sign3A_374, %sign3A_377 : i32
          %sign3A_379 = arith.constant 0 : i32
          %sign3A_380 = arith.cmpi sgt, %jit3A_370, %sign3A_379 : i32
          %sign3A_381 = arith.extui %sign3A_380 : i1 to i32
          %sign3A_382 = arith.constant 0 : i32
          %sign3A_383 = arith.cmpi slt, %jit3A_370, %sign3A_382 : i32
          %sign3A_384 = arith.extui %sign3A_383 : i1 to i32
          %sign3A_385 = arith.subi %sign3A_381, %sign3A_384 : i32
          %ne3A_386 = arith.cmpi ne, %sign3A_378, %sign3A_385 : i32
          %rem3A_387 = arith.remsi %sub3A_369, %jit3A_370 : i32
          %ne3A_388 = arith.constant 0 : i32
          %ne3A_389 = arith.cmpi ne, %rem3A_387, %ne3A_388 : i32
          %and3A_390 = arith.andi %ne3A_386, %ne3A_389 : i1
          %sub3A_391 = arith.constant 1 : i32
          %sub3A_392 = arith.subi %div3A_371, %sub3A_391 : i32
          %select_n3A_393 = arith.select %and3A_390, %sub3A_392, %div3A_371 : i32
          %jit3A_394 = arith.constant 2 : i32
          %eq3A_395 = arith.constant 0 : i32
          %eq3A_396 = arith.cmpi eq, %jit3A_394, %eq3A_395 : i32
          %jit3A_397 = arith.constant 1 : i32
          %select_n3A_398 = arith.select %eq3A_396, %jit3A_397, %jit3A_394 : i32
          %rem3A_399 = arith.remsi %select_n3A_393, %select_n3A_398 : i32
          %ne3A_400 = arith.constant 0 : i32
          %ne3A_401 = arith.cmpi ne, %rem3A_399, %ne3A_400 : i32
          %lt3A_402 = arith.constant 0 : i32
          %lt3A_403 = arith.cmpi slt, %rem3A_399, %lt3A_402 : i32
          %lt3A_404 = arith.constant 0 : i32
          %lt3A_405 = arith.cmpi slt, %select_n3A_398, %lt3A_404 : i32
          %ne3A_406 = arith.xori %lt3A_403, %lt3A_405 : i1
          %and3A_407 = arith.andi %ne3A_406, %ne3A_401 : i1
          %add3A_408 = arith.addi %rem3A_399, %select_n3A_398 : i32
          %select_n3A_409 = arith.select %and3A_407, %add3A_408, %rem3A_399 : i32
          %mul3A_410 = arith.constant 800 : i32
          %mul3A_411 = arith.muli %select_n3A_409, %mul3A_410 : i32
          %mul3A_412 = arith.constant 20 : i32
          %mul3A_413 = arith.muli %select_n3A_393, %mul3A_412 : i32
          %sub3A_414 = arith.subi %sub3A_369, %mul3A_413 : i32
          %mul3A_415 = arith.constant 40 : i32
          %mul3A_416 = arith.muli %sub3A_414, %mul3A_415 : i32
          %add3A_417 = arith.addi %mul3A_411, %mul3A_416 : i32
          %dma_start3A_418 = arith.constant 1 : i32
          %dma_start3A_419 = arith.constant 0 : i32
          %dma_start3A_420 = arith.constant 0 : i32
          %dma_start3A_421 = tpu.memref_slice %arg13[%dma_start3A_418, %dma_start3A_419, %dma_start3A_420] : memref<4x80x128xf32, #tpu.memory_space<vmem>> -> memref<1x80x128xf32, #tpu.memory_space<vmem>>
          %dma_start3A_422 = tpu.memref_squeeze %dma_start3A_421 : memref<1x80x128xf32, #tpu.memory_space<vmem>> -> memref<80x128xf32, #tpu.memory_space<vmem>>
          %dma_start3A_423 = tpu.memref_slice %arg12[%add3A_417] : memref<1600xi32, #tpu.memory_space<vmem>> -> memref<80xi32, #tpu.memory_space<vmem>>
          %dma_start3A_424 = arith.constant 0 : i32
          %dma_start3A_425 = arith.constant 0 : i32
          %dma_start3A_426 = tpu.memref_slice %arg10[%dma_start3A_424, %dma_start3A_425] : memref<10000x128xf32, #tpu.memory_space<vmem_shared>> -> memref<10000x128xf32, #tpu.memory_space<vmem_shared>>
          tpu.enqueue_indirect_dma source(%dma_start3A_422 : memref<80x128xf32, #tpu.memory_space<vmem>>) target(%dma_start3A_426 : memref<10000x128xf32, #tpu.memory_space<vmem_shared>>) offsets(%dma_start3A_423 : memref<80xi32, #tpu.memory_space<vmem>>) semaphore(%arg23 : memref<!tpu.dma_semaphore, #tpu.memory_space<semaphore_mem>>) {add = true}
        } else {
        }
        %eq3A_78 = arith.constant 8 : i32
        %eq3A_79 = arith.cmpi eq, %rem3A_51, %eq3A_78 : i32
        %jit3A = arith.constant 20 : i32
        %div3A = arith.divsi %add3A_50, %jit3A : i32
        %sign3A = arith.constant 0 : i32
        %sign3A_80 = arith.cmpi sgt, %add3A_50, %sign3A : i32
        %sign3A_81 = arith.extui %sign3A_80 : i1 to i32
        %sign3A_82 = arith.constant 0 : i32
        %sign3A_83 = arith.cmpi slt, %add3A_50, %sign3A_82 : i32
        %sign3A_84 = arith.extui %sign3A_83 : i1 to i32
        %sign3A_85 = arith.subi %sign3A_81, %sign3A_84 : i32
        %sign3A_86 = arith.constant 0 : i32
        %sign3A_87 = arith.cmpi sgt, %jit3A, %sign3A_86 : i32
        %sign3A_88 = arith.extui %sign3A_87 : i1 to i32
        %sign3A_89 = arith.constant 0 : i32
        %sign3A_90 = arith.cmpi slt, %jit3A, %sign3A_89 : i32
        %sign3A_91 = arith.extui %sign3A_90 : i1 to i32
        %sign3A_92 = arith.subi %sign3A_88, %sign3A_91 : i32
        %ne3A = arith.cmpi ne, %sign3A_85, %sign3A_92 : i32
        %rem3A_93 = arith.remsi %add3A_50, %jit3A : i32
        %ne3A_94 = arith.constant 0 : i32
        %ne3A_95 = arith.cmpi ne, %rem3A_93, %ne3A_94 : i32
        %and3A_96 = arith.andi %ne3A, %ne3A_95 : i1
        %sub3A = arith.constant 1 : i32
        %sub3A_97 = arith.subi %div3A, %sub3A : i32
        %select_n3A = arith.select %and3A_96, %sub3A_97, %div3A : i32
        %lt3A_98 = arith.constant 24 : i32
        %lt3A_99 = arith.cmpi slt, %select_n3A, %lt3A_98 : i32
        %and3A_100 = arith.andi %eq3A_79, %lt3A_99 : i1
        %convert_element_type3A_101 = arith.extui %and3A_100 : i1 to i32
        %cond3A_102 = arith.constant 0 : i32
        %cond3A_103 = arith.cmpi ne, %convert_element_type3A_101, %cond3A_102 : i32
        scf.if %cond3A_103 {
          %jit3A_349 = arith.constant 20 : i32
          %div3A_350 = arith.divsi %add3A_50, %jit3A_349 : i32
          %sign3A_351 = arith.constant 0 : i32
          %sign3A_352 = arith.cmpi sgt, %add3A_50, %sign3A_351 : i32
          %sign3A_353 = arith.extui %sign3A_352 : i1 to i32
          %sign3A_354 = arith.constant 0 : i32
          %sign3A_355 = arith.cmpi slt, %add3A_50, %sign3A_354 : i32
          %sign3A_356 = arith.extui %sign3A_355 : i1 to i32
          %sign3A_357 = arith.subi %sign3A_353, %sign3A_356 : i32
          %sign3A_358 = arith.constant 0 : i32
          %sign3A_359 = arith.cmpi sgt, %jit3A_349, %sign3A_358 : i32
          %sign3A_360 = arith.extui %sign3A_359 : i1 to i32
          %sign3A_361 = arith.constant 0 : i32
          %sign3A_362 = arith.cmpi slt, %jit3A_349, %sign3A_361 : i32
          %sign3A_363 = arith.extui %sign3A_362 : i1 to i32
          %sign3A_364 = arith.subi %sign3A_360, %sign3A_363 : i32
          %ne3A_365 = arith.cmpi ne, %sign3A_357, %sign3A_364 : i32
          %rem3A_366 = arith.remsi %add3A_50, %jit3A_349 : i32
          %ne3A_367 = arith.constant 0 : i32
          %ne3A_368 = arith.cmpi ne, %rem3A_366, %ne3A_367 : i32
          %and3A_369 = arith.andi %ne3A_365, %ne3A_368 : i1
          %sub3A_370 = arith.constant 1 : i32
          %sub3A_371 = arith.subi %div3A_350, %sub3A_370 : i32
          %select_n3A_372 = arith.select %and3A_369, %sub3A_371, %div3A_350 : i32
          %add3A_373 = arith.constant 1 : i32
          %add3A_374 = arith.addi %select_n3A_372, %add3A_373 : i32
          %jit3A_375 = arith.constant 2 : i32
          %eq3A_376 = arith.constant 0 : i32
          %eq3A_377 = arith.cmpi eq, %jit3A_375, %eq3A_376 : i32
          %jit3A_378 = arith.constant 1 : i32
          %select_n3A_379 = arith.select %eq3A_377, %jit3A_378, %jit3A_375 : i32
          %rem3A_380 = arith.remsi %add3A_374, %select_n3A_379 : i32
          %ne3A_381 = arith.constant 0 : i32
          %ne3A_382 = arith.cmpi ne, %rem3A_380, %ne3A_381 : i32
          %lt3A_383 = arith.constant 0 : i32
          %lt3A_384 = arith.cmpi slt, %rem3A_380, %lt3A_383 : i32
          %lt3A_385 = arith.constant 0 : i32
          %lt3A_386 = arith.cmpi slt, %select_n3A_379, %lt3A_385 : i32
          %ne3A_387 = arith.xori %lt3A_384, %lt3A_386 : i1
          %and3A_388 = arith.andi %ne3A_387, %ne3A_382 : i1
          %add3A_389 = arith.addi %rem3A_380, %select_n3A_379 : i32
          %select_n3A_390 = arith.select %and3A_388, %add3A_389, %rem3A_380 : i32
          %mul3A_391 = arith.constant 800 : i32
          %mul3A_392 = arith.muli %select_n3A_390, %mul3A_391 : i32
          %mul3A_393 = arith.constant 800 : i32
          %mul3A_394 = arith.muli %add3A_374, %mul3A_393 : i32
          %add3A_395 = arith.addi %mul3A_18, %mul3A_394 : i32
          %dma_start3A_396 = tpu.memref_slice %arg11[%mul3A_392] : memref<1600xi32, #tpu.memory_space<vmem>> -> memref<800xi32, #tpu.memory_space<vmem>>
          %dma_start3A_397 = tpu.memref_slice %arg3[%add3A_395] : memref<320000xi32, #tpu.memory_space<hbm>> -> memref<800xi32, #tpu.memory_space<hbm>>
          %dma_start3A_398 = tpu.memref_slice %arg11[%mul3A_392] : memref<1600xi32, #tpu.memory_space<vmem>> -> memref<800xi32, #tpu.memory_space<vmem>>
          %dma_start3A_399 = tpu.memref_slice %arg3[%add3A_395] : memref<320000xi32, #tpu.memory_space<hbm>> -> memref<800xi32, #tpu.memory_space<hbm>>
          tpu.enqueue_dma source(%dma_start3A_399 : memref<800xi32, #tpu.memory_space<hbm>>) target(%dma_start3A_398 : memref<800xi32, #tpu.memory_space<vmem>>) target_semaphore(%arg26 : memref<!tpu.dma_semaphore, #tpu.memory_space<semaphore_mem>>)
          %mul3A_400 = arith.constant 800 : i32
          %mul3A_401 = arith.muli %add3A_374, %mul3A_400 : i32
          %add3A_402 = arith.addi %mul3A_18, %mul3A_401 : i32
          %dma_start3A_403 = tpu.memref_slice %arg12[%mul3A_392] : memref<1600xi32, #tpu.memory_space<vmem>> -> memref<800xi32, #tpu.memory_space<vmem>>
          %dma_start3A_404 = tpu.memref_slice %arg4[%add3A_402] : memref<320000xi32, #tpu.memory_space<hbm>> -> memref<800xi32, #tpu.memory_space<hbm>>
          %dma_start3A_405 = tpu.memref_slice %arg12[%mul3A_392] : memref<1600xi32, #tpu.memory_space<vmem>> -> memref<800xi32, #tpu.memory_space<vmem>>
          %dma_start3A_406 = tpu.memref_slice %arg4[%add3A_402] : memref<320000xi32, #tpu.memory_space<hbm>> -> memref<800xi32, #tpu.memory_space<hbm>>
          tpu.enqueue_dma source(%dma_start3A_406 : memref<800xi32, #tpu.memory_space<hbm>>) target(%dma_start3A_405 : memref<800xi32, #tpu.memory_space<vmem>>) target_semaphore(%arg26 : memref<!tpu.dma_semaphore, #tpu.memory_space<semaphore_mem>>)
        } else {
        }
        %mul3A_104 = arith.constant 8 : i32
        %mul3A_105 = arith.muli %scan3A_46, %mul3A_104 : i32
        %add3A_106 = arith.constant 1 : i32
        %add3A_107 = arith.addi %mul3A_105, %add3A_106 : i32
        %rem3A_108 = arith.constant 20 : i32
        %rem3A_109 = arith.remsi %add3A_107, %rem3A_108 : i32
        %lt3A_110 = arith.constant 500 : i32
        %lt3A_111 = arith.cmpi slt, %add3A_107, %lt3A_110 : i32
        %convert_element_type3A_112 = arith.extui %lt3A_111 : i1 to i32
        %cond3A_113 = arith.constant 0 : i32
        %cond3A_114 = arith.cmpi ne, %convert_element_type3A_112, %cond3A_113 : i32
        scf.if %cond3A_114 {
          %jit3A_349 = arith.constant 20 : i32
          %div3A_350 = arith.divsi %add3A_107, %jit3A_349 : i32
          %sign3A_351 = arith.constant 0 : i32
          %sign3A_352 = arith.cmpi sgt, %add3A_107, %sign3A_351 : i32
          %sign3A_353 = arith.extui %sign3A_352 : i1 to i32
          %sign3A_354 = arith.constant 0 : i32
          %sign3A_355 = arith.cmpi slt, %add3A_107, %sign3A_354 : i32
          %sign3A_356 = arith.extui %sign3A_355 : i1 to i32
          %sign3A_357 = arith.subi %sign3A_353, %sign3A_356 : i32
          %sign3A_358 = arith.constant 0 : i32
          %sign3A_359 = arith.cmpi sgt, %jit3A_349, %sign3A_358 : i32
          %sign3A_360 = arith.extui %sign3A_359 : i1 to i32
          %sign3A_361 = arith.constant 0 : i32
          %sign3A_362 = arith.cmpi slt, %jit3A_349, %sign3A_361 : i32
          %sign3A_363 = arith.extui %sign3A_362 : i1 to i32
          %sign3A_364 = arith.subi %sign3A_360, %sign3A_363 : i32
          %ne3A_365 = arith.cmpi ne, %sign3A_357, %sign3A_364 : i32
          %rem3A_366 = arith.remsi %add3A_107, %jit3A_349 : i32
          %ne3A_367 = arith.constant 0 : i32
          %ne3A_368 = arith.cmpi ne, %rem3A_366, %ne3A_367 : i32
          %and3A_369 = arith.andi %ne3A_365, %ne3A_368 : i1
          %sub3A_370 = arith.constant 1 : i32
          %sub3A_371 = arith.subi %div3A_350, %sub3A_370 : i32
          %select_n3A_372 = arith.select %and3A_369, %sub3A_371, %div3A_350 : i32
          %jit3A_373 = arith.constant 2 : i32
          %eq3A_374 = arith.constant 0 : i32
          %eq3A_375 = arith.cmpi eq, %jit3A_373, %eq3A_374 : i32
          %jit3A_376 = arith.constant 1 : i32
          %select_n3A_377 = arith.select %eq3A_375, %jit3A_376, %jit3A_373 : i32
          %rem3A_378 = arith.remsi %select_n3A_372, %select_n3A_377 : i32
          %ne3A_379 = arith.constant 0 : i32
          %ne3A_380 = arith.cmpi ne, %rem3A_378, %ne3A_379 : i32
          %lt3A_381 = arith.constant 0 : i32
          %lt3A_382 = arith.cmpi slt, %rem3A_378, %lt3A_381 : i32
          %lt3A_383 = arith.constant 0 : i32
          %lt3A_384 = arith.cmpi slt, %select_n3A_377, %lt3A_383 : i32
          %ne3A_385 = arith.xori %lt3A_382, %lt3A_384 : i1
          %and3A_386 = arith.andi %ne3A_385, %ne3A_380 : i1
          %add3A_387 = arith.addi %rem3A_378, %select_n3A_377 : i32
          %select_n3A_388 = arith.select %and3A_386, %add3A_387, %rem3A_378 : i32
          %mul3A_389 = arith.constant 800 : i32
          %mul3A_390 = arith.muli %select_n3A_388, %mul3A_389 : i32
          %mul3A_391 = arith.constant 20 : i32
          %mul3A_392 = arith.muli %select_n3A_372, %mul3A_391 : i32
          %sub3A_393 = arith.subi %add3A_107, %mul3A_392 : i32
          %mul3A_394 = arith.constant 40 : i32
          %mul3A_395 = arith.muli %sub3A_393, %mul3A_394 : i32
          %add3A_396 = arith.addi %mul3A_390, %mul3A_395 : i32
          %dma_start3A_397 = arith.constant 0 : i32
          %dma_start3A_398 = arith.constant 40 : i32
          %dma_start3A_399 = arith.constant 0 : i32
          %dma_start3A_400 = tpu.memref_slice %arg13[%dma_start3A_397, %dma_start3A_398, %dma_start3A_399] : memref<4x80x128xf32, #tpu.memory_space<vmem>> -> memref<1x40x128xf32, #tpu.memory_space<vmem>>
          %dma_start3A_401 = tpu.memref_squeeze %dma_start3A_400 : memref<1x40x128xf32, #tpu.memory_space<vmem>> -> memref<40x128xf32, #tpu.memory_space<vmem>>
          %dma_start3A_402 = tpu.memref_slice %arg11[%add3A_396] : memref<1600xi32, #tpu.memory_space<vmem>> -> memref<40xi32, #tpu.memory_space<vmem>>
          %dma_start3A_403 = arith.constant 0 : i32
          %dma_start3A_404 = arith.constant 0 : i32
          %dma_start3A_405 = tpu.memref_slice %arg2[%dma_start3A_403, %dma_start3A_404] : memref<10000x128xf32, #tpu.memory_space<hbm>> -> memref<10000x128xf32, #tpu.memory_space<hbm>>
          tpu.enqueue_indirect_dma source(%dma_start3A_405 : memref<10000x128xf32, #tpu.memory_space<hbm>>) target(%dma_start3A_401 : memref<40x128xf32, #tpu.memory_space<vmem>>) offsets(%dma_start3A_402 : memref<40xi32, #tpu.memory_space<vmem>>) semaphore(%arg15 : memref<!tpu.dma_semaphore, #tpu.memory_space<semaphore_mem>>)
        } else {
        }
        %mul3A_115 = arith.constant 8 : i32
        %mul3A_116 = arith.muli %scan3A_46, %mul3A_115 : i32
        %add3A_117 = arith.constant 2 : i32
        %add3A_118 = arith.addi %mul3A_116, %add3A_117 : i32
        %rem3A_119 = arith.constant 20 : i32
        %rem3A_120 = arith.remsi %add3A_118, %rem3A_119 : i32
        %eq3A_121 = arith.constant 0 : i32
        %eq3A_122 = arith.cmpi eq, %rem3A_120, %eq3A_121 : i32
        %lt3A_123 = arith.constant 500 : i32
        %lt3A_124 = arith.cmpi slt, %add3A_118, %lt3A_123 : i32
        %and3A_125 = arith.andi %eq3A_122, %lt3A_124 : i1
        %convert_element_type3A_126 = arith.extui %and3A_125 : i1 to i32
        %cond3A_127 = arith.constant 0 : i32
        %cond3A_128 = arith.cmpi ne, %convert_element_type3A_126, %cond3A_127 : i32
        scf.if %cond3A_128 {
          %dma_wait3A = arith.constant 0 : i32
          %dma_wait3A_349 = tpu.memref_slice %arg11[%dma_wait3A] : memref<1600xi32, #tpu.memory_space<vmem>> -> memref<800xi32, #tpu.memory_space<vmem>>
          %dma_wait3A_350 = tpu.memref_slice %arg3[%mul3A_18] : memref<320000xi32, #tpu.memory_space<hbm>> -> memref<800xi32, #tpu.memory_space<hbm>>
          %dma_wait3A_351 = arith.constant 0 : i32
          %dma_wait3A_352 = tpu.memref_slice %arg11[%dma_wait3A_351] : memref<1600xi32, #tpu.memory_space<vmem>> -> memref<800xi32, #tpu.memory_space<vmem>>
          %dma_wait3A_353 = tpu.memref_slice %arg3[%mul3A_18] : memref<320000xi32, #tpu.memory_space<hbm>> -> memref<800xi32, #tpu.memory_space<hbm>>
          tpu.wait_dma2 semaphore(%arg26 : memref<!tpu.dma_semaphore, #tpu.memory_space<semaphore_mem>>) src(%dma_wait3A_353 : memref<800xi32, #tpu.memory_space<hbm>>) dst(%dma_wait3A_352 : memref<800xi32, #tpu.memory_space<vmem>>)
          %dma_wait3A_354 = arith.constant 0 : i32
          %dma_wait3A_355 = tpu.memref_slice %arg11[%dma_wait3A_354] : memref<1600xi32, #tpu.memory_space<vmem>> -> memref<800xi32, #tpu.memory_space<vmem>>
          %dma_wait3A_356 = tpu.memref_slice %arg3[%mul3A_18] : memref<320000xi32, #tpu.memory_space<hbm>> -> memref<800xi32, #tpu.memory_space<hbm>>
          %dma_wait3A_357 = arith.constant 0 : i32
          %dma_wait3A_358 = tpu.memref_slice %arg11[%dma_wait3A_357] : memref<1600xi32, #tpu.memory_space<vmem>> -> memref<800xi32, #tpu.memory_space<vmem>>
          %dma_wait3A_359 = tpu.memref_slice %arg3[%mul3A_18] : memref<320000xi32, #tpu.memory_space<hbm>> -> memref<800xi32, #tpu.memory_space<hbm>>
          tpu.wait_dma2 semaphore(%arg26 : memref<!tpu.dma_semaphore, #tpu.memory_space<semaphore_mem>>) src(%dma_wait3A_359 : memref<800xi32, #tpu.memory_space<hbm>>) dst(%dma_wait3A_358 : memref<800xi32, #tpu.memory_space<vmem>>)
        } else {
        }
        %ge3A_129 = arith.constant 8 : i32
        %ge3A_130 = arith.cmpi sge, %add3A_118, %ge3A_129 : i32
        %lt3A_131 = arith.constant 508 : i32
        %lt3A_132 = arith.cmpi slt, %add3A_118, %lt3A_131 : i32
        %and3A_133 = arith.andi %ge3A_130, %lt3A_132 : i1
        %convert_element_type3A_134 = arith.extui %and3A_133 : i1 to i32
        %cond3A_135 = arith.constant 0 : i32
        %cond3A_136 = arith.cmpi ne, %convert_element_type3A_134, %cond3A_135 : i32
        scf.if %cond3A_136 {
          %dma_wait3A = arith.constant 1 : i32
          %dma_wait3A_349 = arith.constant 0 : i32
          %dma_wait3A_350 = arith.constant 0 : i32
          %dma_wait3A_351 = tpu.memref_slice %arg13[%dma_wait3A, %dma_wait3A_349, %dma_wait3A_350] : memref<4x80x128xf32, #tpu.memory_space<vmem>> -> memref<1x80x128xf32, #tpu.memory_space<vmem>>
          %dma_wait3A_352 = tpu.memref_squeeze %dma_wait3A_351 : memref<1x80x128xf32, #tpu.memory_space<vmem>> -> memref<80x128xf32, #tpu.memory_space<vmem>>
          %dma_wait3A_353 = arith.constant 0 : i32
          %dma_wait3A_354 = tpu.memref_slice %arg12[%dma_wait3A_353] : memref<1600xi32, #tpu.memory_space<vmem>> -> memref<80xi32, #tpu.memory_space<vmem>>
          %dma_wait3A_355 = arith.constant 0 : i32
          %dma_wait3A_356 = arith.constant 0 : i32
          %dma_wait3A_357 = tpu.memref_slice %arg10[%dma_wait3A_355, %dma_wait3A_356] : memref<10000x128xf32, #tpu.memory_space<vmem_shared>> -> memref<10000x128xf32, #tpu.memory_space<vmem_shared>>
          tpu.wait_indirect_dma semaphore(%arg23 : memref<!tpu.dma_semaphore, #tpu.memory_space<semaphore_mem>>) src(%dma_wait3A_352 : memref<80x128xf32, #tpu.memory_space<vmem>>) dst(%dma_wait3A_357 : memref<10000x128xf32, #tpu.memory_space<vmem_shared>>)
        } else {
        }
        %lt3A_137 = arith.constant 500 : i32
        %lt3A_138 = arith.cmpi slt, %add3A_118, %lt3A_137 : i32
        %convert_element_type3A_139 = arith.extui %lt3A_138 : i1 to i32
        %cond3A_140 = arith.constant 0 : i32
        %cond3A_141 = arith.cmpi ne, %convert_element_type3A_139, %cond3A_140 : i32
        scf.if %cond3A_141 {
          %jit3A_349 = arith.constant 20 : i32
          %div3A_350 = arith.divsi %add3A_118, %jit3A_349 : i32
          %sign3A_351 = arith.constant 0 : i32
          %sign3A_352 = arith.cmpi sgt, %add3A_118, %sign3A_351 : i32
          %sign3A_353 = arith.extui %sign3A_352 : i1 to i32
          %sign3A_354 = arith.constant 0 : i32
          %sign3A_355 = arith.cmpi slt, %add3A_118, %sign3A_354 : i32
          %sign3A_356 = arith.extui %sign3A_355 : i1 to i32
          %sign3A_357 = arith.subi %sign3A_353, %sign3A_356 : i32
          %sign3A_358 = arith.constant 0 : i32
          %sign3A_359 = arith.cmpi sgt, %jit3A_349, %sign3A_358 : i32
          %sign3A_360 = arith.extui %sign3A_359 : i1 to i32
          %sign3A_361 = arith.constant 0 : i32
          %sign3A_362 = arith.cmpi slt, %jit3A_349, %sign3A_361 : i32
          %sign3A_363 = arith.extui %sign3A_362 : i1 to i32
          %sign3A_364 = arith.subi %sign3A_360, %sign3A_363 : i32
          %ne3A_365 = arith.cmpi ne, %sign3A_357, %sign3A_364 : i32
          %rem3A_366 = arith.remsi %add3A_118, %jit3A_349 : i32
          %ne3A_367 = arith.constant 0 : i32
          %ne3A_368 = arith.cmpi ne, %rem3A_366, %ne3A_367 : i32
          %and3A_369 = arith.andi %ne3A_365, %ne3A_368 : i1
          %sub3A_370 = arith.constant 1 : i32
          %sub3A_371 = arith.subi %div3A_350, %sub3A_370 : i32
          %select_n3A_372 = arith.select %and3A_369, %sub3A_371, %div3A_350 : i32
          %jit3A_373 = arith.constant 2 : i32
          %eq3A_374 = arith.constant 0 : i32
          %eq3A_375 = arith.cmpi eq, %jit3A_373, %eq3A_374 : i32
          %jit3A_376 = arith.constant 1 : i32
          %select_n3A_377 = arith.select %eq3A_375, %jit3A_376, %jit3A_373 : i32
          %rem3A_378 = arith.remsi %select_n3A_372, %select_n3A_377 : i32
          %ne3A_379 = arith.constant 0 : i32
          %ne3A_380 = arith.cmpi ne, %rem3A_378, %ne3A_379 : i32
          %lt3A_381 = arith.constant 0 : i32
          %lt3A_382 = arith.cmpi slt, %rem3A_378, %lt3A_381 : i32
          %lt3A_383 = arith.constant 0 : i32
          %lt3A_384 = arith.cmpi slt, %select_n3A_377, %lt3A_383 : i32
          %ne3A_385 = arith.xori %lt3A_382, %lt3A_384 : i1
          %and3A_386 = arith.andi %ne3A_385, %ne3A_380 : i1
          %add3A_387 = arith.addi %rem3A_378, %select_n3A_377 : i32
          %select_n3A_388 = arith.select %and3A_386, %add3A_387, %rem3A_378 : i32
          %mul3A_389 = arith.constant 800 : i32
          %mul3A_390 = arith.muli %select_n3A_388, %mul3A_389 : i32
          %mul3A_391 = arith.constant 20 : i32
          %mul3A_392 = arith.muli %select_n3A_372, %mul3A_391 : i32
          %sub3A_393 = arith.subi %add3A_118, %mul3A_392 : i32
          %mul3A_394 = arith.constant 40 : i32
          %mul3A_395 = arith.muli %sub3A_393, %mul3A_394 : i32
          %add3A_396 = arith.addi %mul3A_390, %mul3A_395 : i32
          %dma_start3A_397 = arith.constant 1 : i32
          %dma_start3A_398 = arith.constant 0 : i32
          %dma_start3A_399 = arith.constant 0 : i32
          %dma_start3A_400 = tpu.memref_slice %arg13[%dma_start3A_397, %dma_start3A_398, %dma_start3A_399] : memref<4x80x128xf32, #tpu.memory_space<vmem>> -> memref<1x40x128xf32, #tpu.memory_space<vmem>>
          %dma_start3A_401 = tpu.memref_squeeze %dma_start3A_400 : memref<1x40x128xf32, #tpu.memory_space<vmem>> -> memref<40x128xf32, #tpu.memory_space<vmem>>
          %dma_start3A_402 = tpu.memref_slice %arg11[%add3A_396] : memref<1600xi32, #tpu.memory_space<vmem>> -> memref<40xi32, #tpu.memory_space<vmem>>
          %dma_start3A_403 = arith.constant 0 : i32
          %dma_start3A_404 = arith.constant 0 : i32
          %dma_start3A_405 = tpu.memref_slice %arg2[%dma_start3A_403, %dma_start3A_404] : memref<10000x128xf32, #tpu.memory_space<hbm>> -> memref<10000x128xf32, #tpu.memory_space<hbm>>
          tpu.enqueue_indirect_dma source(%dma_start3A_405 : memref<10000x128xf32, #tpu.memory_space<hbm>>) target(%dma_start3A_401 : memref<40x128xf32, #tpu.memory_space<vmem>>) offsets(%dma_start3A_402 : memref<40xi32, #tpu.memory_space<vmem>>) semaphore(%arg16 : memref<!tpu.dma_semaphore, #tpu.memory_space<semaphore_mem>>)
        } else {
        }
        %ge3A_142 = arith.constant 6 : i32
        %ge3A_143 = arith.cmpi sge, %add3A_118, %ge3A_142 : i32
        %lt3A_144 = arith.constant 506 : i32
        %lt3A_145 = arith.cmpi slt, %add3A_118, %lt3A_144 : i32
        %and3A_146 = arith.andi %ge3A_143, %lt3A_145 : i1
        %convert_element_type3A_147 = arith.extui %and3A_146 : i1 to i32
        %cond3A_148 = arith.constant 0 : i32
        %cond3A_149 = arith.cmpi ne, %convert_element_type3A_147, %cond3A_148 : i32
        scf.if %cond3A_149 {
          %dma_wait3A = arith.constant 0 : i32
          %dma_wait3A_349 = arith.constant 0 : i32
          %dma_wait3A_350 = arith.constant 0 : i32
          %dma_wait3A_351 = tpu.memref_slice %arg13[%dma_wait3A, %dma_wait3A_349, %dma_wait3A_350] : memref<4x80x128xf32, #tpu.memory_space<vmem>> -> memref<1x40x128xf32, #tpu.memory_space<vmem>>
          %dma_wait3A_352 = tpu.memref_squeeze %dma_wait3A_351 : memref<1x40x128xf32, #tpu.memory_space<vmem>> -> memref<40x128xf32, #tpu.memory_space<vmem>>
          %dma_wait3A_353 = arith.constant 0 : i32
          %dma_wait3A_354 = tpu.memref_slice %arg11[%dma_wait3A_353] : memref<1600xi32, #tpu.memory_space<vmem>> -> memref<40xi32, #tpu.memory_space<vmem>>
          %dma_wait3A_355 = arith.constant 0 : i32
          %dma_wait3A_356 = arith.constant 0 : i32
          %dma_wait3A_357 = tpu.memref_slice %arg2[%dma_wait3A_355, %dma_wait3A_356] : memref<10000x128xf32, #tpu.memory_space<hbm>> -> memref<10000x128xf32, #tpu.memory_space<hbm>>
          tpu.wait_indirect_dma semaphore(%arg18 : memref<!tpu.dma_semaphore, #tpu.memory_space<semaphore_mem>>) src(%dma_wait3A_357 : memref<10000x128xf32, #tpu.memory_space<hbm>>) dst(%dma_wait3A_352 : memref<40x128xf32, #tpu.memory_space<vmem>>)
          %dma_wait3A_358 = arith.constant 0 : i32
          %dma_wait3A_359 = arith.constant 0 : i32
          %dma_wait3A_360 = arith.constant 0 : i32
          %dma_wait3A_361 = tpu.memref_slice %arg13[%dma_wait3A_358, %dma_wait3A_359, %dma_wait3A_360] : memref<4x80x128xf32, #tpu.memory_space<vmem>> -> memref<1x40x128xf32, #tpu.memory_space<vmem>>
          %dma_wait3A_362 = tpu.memref_squeeze %dma_wait3A_361 : memref<1x40x128xf32, #tpu.memory_space<vmem>> -> memref<40x128xf32, #tpu.memory_space<vmem>>
          %dma_wait3A_363 = arith.constant 0 : i32
          %dma_wait3A_364 = tpu.memref_slice %arg11[%dma_wait3A_363] : memref<1600xi32, #tpu.memory_space<vmem>> -> memref<40xi32, #tpu.memory_space<vmem>>
          %dma_wait3A_365 = arith.constant 0 : i32
          %dma_wait3A_366 = arith.constant 0 : i32
          %dma_wait3A_367 = tpu.memref_slice %arg2[%dma_wait3A_365, %dma_wait3A_366] : memref<10000x128xf32, #tpu.memory_space<hbm>> -> memref<10000x128xf32, #tpu.memory_space<hbm>>
          tpu.wait_indirect_dma semaphore(%arg19 : memref<!tpu.dma_semaphore, #tpu.memory_space<semaphore_mem>>) src(%dma_wait3A_367 : memref<10000x128xf32, #tpu.memory_space<hbm>>) dst(%dma_wait3A_362 : memref<40x128xf32, #tpu.memory_space<vmem>>)
          %sub3A_368 = arith.constant 6 : i32
          %sub3A_369 = arith.subi %add3A_118, %sub3A_368 : i32
          %jit3A_370 = arith.constant 20 : i32
          %div3A_371 = arith.divsi %sub3A_369, %jit3A_370 : i32
          %sign3A_372 = arith.constant 0 : i32
          %sign3A_373 = arith.cmpi sgt, %sub3A_369, %sign3A_372 : i32
          %sign3A_374 = arith.extui %sign3A_373 : i1 to i32
          %sign3A_375 = arith.constant 0 : i32
          %sign3A_376 = arith.cmpi slt, %sub3A_369, %sign3A_375 : i32
          %sign3A_377 = arith.extui %sign3A_376 : i1 to i32
          %sign3A_378 = arith.subi %sign3A_374, %sign3A_377 : i32
          %sign3A_379 = arith.constant 0 : i32
          %sign3A_380 = arith.cmpi sgt, %jit3A_370, %sign3A_379 : i32
          %sign3A_381 = arith.extui %sign3A_380 : i1 to i32
          %sign3A_382 = arith.constant 0 : i32
          %sign3A_383 = arith.cmpi slt, %jit3A_370, %sign3A_382 : i32
          %sign3A_384 = arith.extui %sign3A_383 : i1 to i32
          %sign3A_385 = arith.subi %sign3A_381, %sign3A_384 : i32
          %ne3A_386 = arith.cmpi ne, %sign3A_378, %sign3A_385 : i32
          %rem3A_387 = arith.remsi %sub3A_369, %jit3A_370 : i32
          %ne3A_388 = arith.constant 0 : i32
          %ne3A_389 = arith.cmpi ne, %rem3A_387, %ne3A_388 : i32
          %and3A_390 = arith.andi %ne3A_386, %ne3A_389 : i1
          %sub3A_391 = arith.constant 1 : i32
          %sub3A_392 = arith.subi %div3A_371, %sub3A_391 : i32
          %select_n3A_393 = arith.select %and3A_390, %sub3A_392, %div3A_371 : i32
          %jit3A_394 = arith.constant 2 : i32
          %eq3A_395 = arith.constant 0 : i32
          %eq3A_396 = arith.cmpi eq, %jit3A_394, %eq3A_395 : i32
          %jit3A_397 = arith.constant 1 : i32
          %select_n3A_398 = arith.select %eq3A_396, %jit3A_397, %jit3A_394 : i32
          %rem3A_399 = arith.remsi %select_n3A_393, %select_n3A_398 : i32
          %ne3A_400 = arith.constant 0 : i32
          %ne3A_401 = arith.cmpi ne, %rem3A_399, %ne3A_400 : i32
          %lt3A_402 = arith.constant 0 : i32
          %lt3A_403 = arith.cmpi slt, %rem3A_399, %lt3A_402 : i32
          %lt3A_404 = arith.constant 0 : i32
          %lt3A_405 = arith.cmpi slt, %select_n3A_398, %lt3A_404 : i32
          %ne3A_406 = arith.xori %lt3A_403, %lt3A_405 : i1
          %and3A_407 = arith.andi %ne3A_406, %ne3A_401 : i1
          %add3A_408 = arith.addi %rem3A_399, %select_n3A_398 : i32
          %select_n3A_409 = arith.select %and3A_407, %add3A_408, %rem3A_399 : i32
          %mul3A_410 = arith.constant 800 : i32
          %mul3A_411 = arith.muli %select_n3A_409, %mul3A_410 : i32
          %mul3A_412 = arith.constant 20 : i32
          %mul3A_413 = arith.muli %select_n3A_393, %mul3A_412 : i32
          %sub3A_414 = arith.subi %sub3A_369, %mul3A_413 : i32
          %mul3A_415 = arith.constant 40 : i32
          %mul3A_416 = arith.muli %sub3A_414, %mul3A_415 : i32
          %add3A_417 = arith.addi %mul3A_411, %mul3A_416 : i32
          %dma_start3A_418 = arith.constant 2 : i32
          %dma_start3A_419 = arith.constant 0 : i32
          %dma_start3A_420 = arith.constant 0 : i32
          %dma_start3A_421 = tpu.memref_slice %arg13[%dma_start3A_418, %dma_start3A_419, %dma_start3A_420] : memref<4x80x128xf32, #tpu.memory_space<vmem>> -> memref<1x80x128xf32, #tpu.memory_space<vmem>>
          %dma_start3A_422 = tpu.memref_squeeze %dma_start3A_421 : memref<1x80x128xf32, #tpu.memory_space<vmem>> -> memref<80x128xf32, #tpu.memory_space<vmem>>
          %dma_start3A_423 = tpu.memref_slice %arg12[%add3A_417] : memref<1600xi32, #tpu.memory_space<vmem>> -> memref<80xi32, #tpu.memory_space<vmem>>
          %dma_start3A_424 = arith.constant 0 : i32
          %dma_start3A_425 = arith.constant 0 : i32
          %dma_start3A_426 = tpu.memref_slice %arg10[%dma_start3A_424, %dma_start3A_425] : memref<10000x128xf32, #tpu.memory_space<vmem_shared>> -> memref<10000x128xf32, #tpu.memory_space<vmem_shared>>
          tpu.enqueue_indirect_dma source(%dma_start3A_422 : memref<80x128xf32, #tpu.memory_space<vmem>>) target(%dma_start3A_426 : memref<10000x128xf32, #tpu.memory_space<vmem_shared>>) offsets(%dma_start3A_423 : memref<80xi32, #tpu.memory_space<vmem>>) semaphore(%arg24 : memref<!tpu.dma_semaphore, #tpu.memory_space<semaphore_mem>>) {add = true}
        } else {
        }
        %eq3A_150 = arith.constant 8 : i32
        %eq3A_151 = arith.cmpi eq, %rem3A_120, %eq3A_150 : i32
        %jit3A_152 = arith.constant 20 : i32
        %div3A_153 = arith.divsi %add3A_118, %jit3A_152 : i32
        %sign3A_154 = arith.constant 0 : i32
        %sign3A_155 = arith.cmpi sgt, %add3A_118, %sign3A_154 : i32
        %sign3A_156 = arith.extui %sign3A_155 : i1 to i32
        %sign3A_157 = arith.constant 0 : i32
        %sign3A_158 = arith.cmpi slt, %add3A_118, %sign3A_157 : i32
        %sign3A_159 = arith.extui %sign3A_158 : i1 to i32
        %sign3A_160 = arith.subi %sign3A_156, %sign3A_159 : i32
        %sign3A_161 = arith.constant 0 : i32
        %sign3A_162 = arith.cmpi sgt, %jit3A_152, %sign3A_161 : i32
        %sign3A_163 = arith.extui %sign3A_162 : i1 to i32
        %sign3A_164 = arith.constant 0 : i32
        %sign3A_165 = arith.cmpi slt, %jit3A_152, %sign3A_164 : i32
        %sign3A_166 = arith.extui %sign3A_165 : i1 to i32
        %sign3A_167 = arith.subi %sign3A_163, %sign3A_166 : i32
        %ne3A_168 = arith.cmpi ne, %sign3A_160, %sign3A_167 : i32
        %rem3A_169 = arith.remsi %add3A_118, %jit3A_152 : i32
        %ne3A_170 = arith.constant 0 : i32
        %ne3A_171 = arith.cmpi ne, %rem3A_169, %ne3A_170 : i32
        %and3A_172 = arith.andi %ne3A_168, %ne3A_171 : i1
        %sub3A_173 = arith.constant 1 : i32
        %sub3A_174 = arith.subi %div3A_153, %sub3A_173 : i32
        %select_n3A_175 = arith.select %and3A_172, %sub3A_174, %div3A_153 : i32
        %lt3A_176 = arith.constant 24 : i32
        %lt3A_177 = arith.cmpi slt, %select_n3A_175, %lt3A_176 : i32
        %and3A_178 = arith.andi %eq3A_151, %lt3A_177 : i1
        %convert_element_type3A_179 = arith.extui %and3A_178 : i1 to i32
        %cond3A_180 = arith.constant 0 : i32
        %cond3A_181 = arith.cmpi ne, %convert_element_type3A_179, %cond3A_180 : i32
        scf.if %cond3A_181 {
          %jit3A_349 = arith.constant 20 : i32
          %div3A_350 = arith.divsi %add3A_118, %jit3A_349 : i32
          %sign3A_351 = arith.constant 0 : i32
          %sign3A_352 = arith.cmpi sgt, %add3A_118, %sign3A_351 : i32
          %sign3A_353 = arith.extui %sign3A_352 : i1 to i32
          %sign3A_354 = arith.constant 0 : i32
          %sign3A_355 = arith.cmpi slt, %add3A_118, %sign3A_354 : i32
          %sign3A_356 = arith.extui %sign3A_355 : i1 to i32
          %sign3A_357 = arith.subi %sign3A_353, %sign3A_356 : i32
          %sign3A_358 = arith.constant 0 : i32
          %sign3A_359 = arith.cmpi sgt, %jit3A_349, %sign3A_358 : i32
          %sign3A_360 = arith.extui %sign3A_359 : i1 to i32
          %sign3A_361 = arith.constant 0 : i32
          %sign3A_362 = arith.cmpi slt, %jit3A_349, %sign3A_361 : i32
          %sign3A_363 = arith.extui %sign3A_362 : i1 to i32
          %sign3A_364 = arith.subi %sign3A_360, %sign3A_363 : i32
          %ne3A_365 = arith.cmpi ne, %sign3A_357, %sign3A_364 : i32
          %rem3A_366 = arith.remsi %add3A_118, %jit3A_349 : i32
          %ne3A_367 = arith.constant 0 : i32
          %ne3A_368 = arith.cmpi ne, %rem3A_366, %ne3A_367 : i32
          %and3A_369 = arith.andi %ne3A_365, %ne3A_368 : i1
          %sub3A_370 = arith.constant 1 : i32
          %sub3A_371 = arith.subi %div3A_350, %sub3A_370 : i32
          %select_n3A_372 = arith.select %and3A_369, %sub3A_371, %div3A_350 : i32
          %add3A_373 = arith.constant 1 : i32
          %add3A_374 = arith.addi %select_n3A_372, %add3A_373 : i32
          %jit3A_375 = arith.constant 2 : i32
          %eq3A_376 = arith.constant 0 : i32
          %eq3A_377 = arith.cmpi eq, %jit3A_375, %eq3A_376 : i32
          %jit3A_378 = arith.constant 1 : i32
          %select_n3A_379 = arith.select %eq3A_377, %jit3A_378, %jit3A_375 : i32
          %rem3A_380 = arith.remsi %add3A_374, %select_n3A_379 : i32
          %ne3A_381 = arith.constant 0 : i32
          %ne3A_382 = arith.cmpi ne, %rem3A_380, %ne3A_381 : i32
          %lt3A_383 = arith.constant 0 : i32
          %lt3A_384 = arith.cmpi slt, %rem3A_380, %lt3A_383 : i32
          %lt3A_385 = arith.constant 0 : i32
          %lt3A_386 = arith.cmpi slt, %select_n3A_379, %lt3A_385 : i32
          %ne3A_387 = arith.xori %lt3A_384, %lt3A_386 : i1
          %and3A_388 = arith.andi %ne3A_387, %ne3A_382 : i1
          %add3A_389 = arith.addi %rem3A_380, %select_n3A_379 : i32
          %select_n3A_390 = arith.select %and3A_388, %add3A_389, %rem3A_380 : i32
          %mul3A_391 = arith.constant 800 : i32
          %mul3A_392 = arith.muli %select_n3A_390, %mul3A_391 : i32
          %mul3A_393 = arith.constant 800 : i32
          %mul3A_394 = arith.muli %add3A_374, %mul3A_393 : i32
          %add3A_395 = arith.addi %mul3A_18, %mul3A_394 : i32
          %dma_start3A_396 = tpu.memref_slice %arg11[%mul3A_392] : memref<1600xi32, #tpu.memory_space<vmem>> -> memref<800xi32, #tpu.memory_space<vmem>>
          %dma_start3A_397 = tpu.memref_slice %arg3[%add3A_395] : memref<320000xi32, #tpu.memory_space<hbm>> -> memref<800xi32, #tpu.memory_space<hbm>>
          %dma_start3A_398 = tpu.memref_slice %arg11[%mul3A_392] : memref<1600xi32, #tpu.memory_space<vmem>> -> memref<800xi32, #tpu.memory_space<vmem>>
          %dma_start3A_399 = tpu.memref_slice %arg3[%add3A_395] : memref<320000xi32, #tpu.memory_space<hbm>> -> memref<800xi32, #tpu.memory_space<hbm>>
          tpu.enqueue_dma source(%dma_start3A_399 : memref<800xi32, #tpu.memory_space<hbm>>) target(%dma_start3A_398 : memref<800xi32, #tpu.memory_space<vmem>>) target_semaphore(%arg26 : memref<!tpu.dma_semaphore, #tpu.memory_space<semaphore_mem>>)
          %mul3A_400 = arith.constant 800 : i32
          %mul3A_401 = arith.muli %add3A_374, %mul3A_400 : i32
          %add3A_402 = arith.addi %mul3A_18, %mul3A_401 : i32
          %dma_start3A_403 = tpu.memref_slice %arg12[%mul3A_392] : memref<1600xi32, #tpu.memory_space<vmem>> -> memref<800xi32, #tpu.memory_space<vmem>>
          %dma_start3A_404 = tpu.memref_slice %arg4[%add3A_402] : memref<320000xi32, #tpu.memory_space<hbm>> -> memref<800xi32, #tpu.memory_space<hbm>>
          %dma_start3A_405 = tpu.memref_slice %arg12[%mul3A_392] : memref<1600xi32, #tpu.memory_space<vmem>> -> memref<800xi32, #tpu.memory_space<vmem>>
          %dma_start3A_406 = tpu.memref_slice %arg4[%add3A_402] : memref<320000xi32, #tpu.memory_space<hbm>> -> memref<800xi32, #tpu.memory_space<hbm>>
          tpu.enqueue_dma source(%dma_start3A_406 : memref<800xi32, #tpu.memory_space<hbm>>) target(%dma_start3A_405 : memref<800xi32, #tpu.memory_space<vmem>>) target_semaphore(%arg26 : memref<!tpu.dma_semaphore, #tpu.memory_space<semaphore_mem>>)
        } else {
        }
        %mul3A_182 = arith.constant 8 : i32
        %mul3A_183 = arith.muli %scan3A_46, %mul3A_182 : i32
        %add3A_184 = arith.constant 3 : i32
        %add3A_185 = arith.addi %mul3A_183, %add3A_184 : i32
        %rem3A_186 = arith.constant 20 : i32
        %rem3A_187 = arith.remsi %add3A_185, %rem3A_186 : i32
        %lt3A_188 = arith.constant 500 : i32
        %lt3A_189 = arith.cmpi slt, %add3A_185, %lt3A_188 : i32
        %convert_element_type3A_190 = arith.extui %lt3A_189 : i1 to i32
        %cond3A_191 = arith.constant 0 : i32
        %cond3A_192 = arith.cmpi ne, %convert_element_type3A_190, %cond3A_191 : i32
        scf.if %cond3A_192 {
          %jit3A_349 = arith.constant 20 : i32
          %div3A_350 = arith.divsi %add3A_185, %jit3A_349 : i32
          %sign3A_351 = arith.constant 0 : i32
          %sign3A_352 = arith.cmpi sgt, %add3A_185, %sign3A_351 : i32
          %sign3A_353 = arith.extui %sign3A_352 : i1 to i32
          %sign3A_354 = arith.constant 0 : i32
          %sign3A_355 = arith.cmpi slt, %add3A_185, %sign3A_354 : i32
          %sign3A_356 = arith.extui %sign3A_355 : i1 to i32
          %sign3A_357 = arith.subi %sign3A_353, %sign3A_356 : i32
          %sign3A_358 = arith.constant 0 : i32
          %sign3A_359 = arith.cmpi sgt, %jit3A_349, %sign3A_358 : i32
          %sign3A_360 = arith.extui %sign3A_359 : i1 to i32
          %sign3A_361 = arith.constant 0 : i32
          %sign3A_362 = arith.cmpi slt, %jit3A_349, %sign3A_361 : i32
          %sign3A_363 = arith.extui %sign3A_362 : i1 to i32
          %sign3A_364 = arith.subi %sign3A_360, %sign3A_363 : i32
          %ne3A_365 = arith.cmpi ne, %sign3A_357, %sign3A_364 : i32
          %rem3A_366 = arith.remsi %add3A_185, %jit3A_349 : i32
          %ne3A_367 = arith.constant 0 : i32
          %ne3A_368 = arith.cmpi ne, %rem3A_366, %ne3A_367 : i32
          %and3A_369 = arith.andi %ne3A_365, %ne3A_368 : i1
          %sub3A_370 = arith.constant 1 : i32
          %sub3A_371 = arith.subi %div3A_350, %sub3A_370 : i32
          %select_n3A_372 = arith.select %and3A_369, %sub3A_371, %div3A_350 : i32
          %jit3A_373 = arith.constant 2 : i32
          %eq3A_374 = arith.constant 0 : i32
          %eq3A_375 = arith.cmpi eq, %jit3A_373, %eq3A_374 : i32
          %jit3A_376 = arith.constant 1 : i32
          %select_n3A_377 = arith.select %eq3A_375, %jit3A_376, %jit3A_373 : i32
          %rem3A_378 = arith.remsi %select_n3A_372, %select_n3A_377 : i32
          %ne3A_379 = arith.constant 0 : i32
          %ne3A_380 = arith.cmpi ne, %rem3A_378, %ne3A_379 : i32
          %lt3A_381 = arith.constant 0 : i32
          %lt3A_382 = arith.cmpi slt, %rem3A_378, %lt3A_381 : i32
          %lt3A_383 = arith.constant 0 : i32
          %lt3A_384 = arith.cmpi slt, %select_n3A_377, %lt3A_383 : i32
          %ne3A_385 = arith.xori %lt3A_382, %lt3A_384 : i1
          %and3A_386 = arith.andi %ne3A_385, %ne3A_380 : i1
          %add3A_387 = arith.addi %rem3A_378, %select_n3A_377 : i32
          %select_n3A_388 = arith.select %and3A_386, %add3A_387, %rem3A_378 : i32
          %mul3A_389 = arith.constant 800 : i32
          %mul3A_390 = arith.muli %select_n3A_388, %mul3A_389 : i32
          %mul3A_391 = arith.constant 20 : i32
          %mul3A_392 = arith.muli %select_n3A_372, %mul3A_391 : i32
          %sub3A_393 = arith.subi %add3A_185, %mul3A_392 : i32
          %mul3A_394 = arith.constant 40 : i32
          %mul3A_395 = arith.muli %sub3A_393, %mul3A_394 : i32
          %add3A_396 = arith.addi %mul3A_390, %mul3A_395 : i32
          %dma_start3A_397 = arith.constant 1 : i32
          %dma_start3A_398 = arith.constant 40 : i32
          %dma_start3A_399 = arith.constant 0 : i32
          %dma_start3A_400 = tpu.memref_slice %arg13[%dma_start3A_397, %dma_start3A_398, %dma_start3A_399] : memref<4x80x128xf32, #tpu.memory_space<vmem>> -> memref<1x40x128xf32, #tpu.memory_space<vmem>>
          %dma_start3A_401 = tpu.memref_squeeze %dma_start3A_400 : memref<1x40x128xf32, #tpu.memory_space<vmem>> -> memref<40x128xf32, #tpu.memory_space<vmem>>
          %dma_start3A_402 = tpu.memref_slice %arg11[%add3A_396] : memref<1600xi32, #tpu.memory_space<vmem>> -> memref<40xi32, #tpu.memory_space<vmem>>
          %dma_start3A_403 = arith.constant 0 : i32
          %dma_start3A_404 = arith.constant 0 : i32
          %dma_start3A_405 = tpu.memref_slice %arg2[%dma_start3A_403, %dma_start3A_404] : memref<10000x128xf32, #tpu.memory_space<hbm>> -> memref<10000x128xf32, #tpu.memory_space<hbm>>
          tpu.enqueue_indirect_dma source(%dma_start3A_405 : memref<10000x128xf32, #tpu.memory_space<hbm>>) target(%dma_start3A_401 : memref<40x128xf32, #tpu.memory_space<vmem>>) offsets(%dma_start3A_402 : memref<40xi32, #tpu.memory_space<vmem>>) semaphore(%arg17 : memref<!tpu.dma_semaphore, #tpu.memory_space<semaphore_mem>>)
        } else {
        }
        %mul3A_193 = arith.constant 8 : i32
        %mul3A_194 = arith.muli %scan3A_46, %mul3A_193 : i32
        %add3A_195 = arith.constant 4 : i32
        %add3A_196 = arith.addi %mul3A_194, %add3A_195 : i32
        %rem3A_197 = arith.constant 20 : i32
        %rem3A_198 = arith.remsi %add3A_196, %rem3A_197 : i32
        %eq3A_199 = arith.constant 0 : i32
        %eq3A_200 = arith.cmpi eq, %rem3A_198, %eq3A_199 : i32
        %lt3A_201 = arith.constant 500 : i32
        %lt3A_202 = arith.cmpi slt, %add3A_196, %lt3A_201 : i32
        %and3A_203 = arith.andi %eq3A_200, %lt3A_202 : i1
        %convert_element_type3A_204 = arith.extui %and3A_203 : i1 to i32
        %cond3A_205 = arith.constant 0 : i32
        %cond3A_206 = arith.cmpi ne, %convert_element_type3A_204, %cond3A_205 : i32
        scf.if %cond3A_206 {
          %dma_wait3A = arith.constant 0 : i32
          %dma_wait3A_349 = tpu.memref_slice %arg11[%dma_wait3A] : memref<1600xi32, #tpu.memory_space<vmem>> -> memref<800xi32, #tpu.memory_space<vmem>>
          %dma_wait3A_350 = tpu.memref_slice %arg3[%mul3A_18] : memref<320000xi32, #tpu.memory_space<hbm>> -> memref<800xi32, #tpu.memory_space<hbm>>
          %dma_wait3A_351 = arith.constant 0 : i32
          %dma_wait3A_352 = tpu.memref_slice %arg11[%dma_wait3A_351] : memref<1600xi32, #tpu.memory_space<vmem>> -> memref<800xi32, #tpu.memory_space<vmem>>
          %dma_wait3A_353 = tpu.memref_slice %arg3[%mul3A_18] : memref<320000xi32, #tpu.memory_space<hbm>> -> memref<800xi32, #tpu.memory_space<hbm>>
          tpu.wait_dma2 semaphore(%arg26 : memref<!tpu.dma_semaphore, #tpu.memory_space<semaphore_mem>>) src(%dma_wait3A_353 : memref<800xi32, #tpu.memory_space<hbm>>) dst(%dma_wait3A_352 : memref<800xi32, #tpu.memory_space<vmem>>)
          %dma_wait3A_354 = arith.constant 0 : i32
          %dma_wait3A_355 = tpu.memref_slice %arg11[%dma_wait3A_354] : memref<1600xi32, #tpu.memory_space<vmem>> -> memref<800xi32, #tpu.memory_space<vmem>>
          %dma_wait3A_356 = tpu.memref_slice %arg3[%mul3A_18] : memref<320000xi32, #tpu.memory_space<hbm>> -> memref<800xi32, #tpu.memory_space<hbm>>
          %dma_wait3A_357 = arith.constant 0 : i32
          %dma_wait3A_358 = tpu.memref_slice %arg11[%dma_wait3A_357] : memref<1600xi32, #tpu.memory_space<vmem>> -> memref<800xi32, #tpu.memory_space<vmem>>
          %dma_wait3A_359 = tpu.memref_slice %arg3[%mul3A_18] : memref<320000xi32, #tpu.memory_space<hbm>> -> memref<800xi32, #tpu.memory_space<hbm>>
          tpu.wait_dma2 semaphore(%arg26 : memref<!tpu.dma_semaphore, #tpu.memory_space<semaphore_mem>>) src(%dma_wait3A_359 : memref<800xi32, #tpu.memory_space<hbm>>) dst(%dma_wait3A_358 : memref<800xi32, #tpu.memory_space<vmem>>)
        } else {
        }
        %ge3A_207 = arith.constant 8 : i32
        %ge3A_208 = arith.cmpi sge, %add3A_196, %ge3A_207 : i32
        %lt3A_209 = arith.constant 508 : i32
        %lt3A_210 = arith.cmpi slt, %add3A_196, %lt3A_209 : i32
        %and3A_211 = arith.andi %ge3A_208, %lt3A_210 : i1
        %convert_element_type3A_212 = arith.extui %and3A_211 : i1 to i32
        %cond3A_213 = arith.constant 0 : i32
        %cond3A_214 = arith.cmpi ne, %convert_element_type3A_212, %cond3A_213 : i32
        scf.if %cond3A_214 {
          %dma_wait3A = arith.constant 2 : i32
          %dma_wait3A_349 = arith.constant 0 : i32
          %dma_wait3A_350 = arith.constant 0 : i32
          %dma_wait3A_351 = tpu.memref_slice %arg13[%dma_wait3A, %dma_wait3A_349, %dma_wait3A_350] : memref<4x80x128xf32, #tpu.memory_space<vmem>> -> memref<1x80x128xf32, #tpu.memory_space<vmem>>
          %dma_wait3A_352 = tpu.memref_squeeze %dma_wait3A_351 : memref<1x80x128xf32, #tpu.memory_space<vmem>> -> memref<80x128xf32, #tpu.memory_space<vmem>>
          %dma_wait3A_353 = arith.constant 0 : i32
          %dma_wait3A_354 = tpu.memref_slice %arg12[%dma_wait3A_353] : memref<1600xi32, #tpu.memory_space<vmem>> -> memref<80xi32, #tpu.memory_space<vmem>>
          %dma_wait3A_355 = arith.constant 0 : i32
          %dma_wait3A_356 = arith.constant 0 : i32
          %dma_wait3A_357 = tpu.memref_slice %arg10[%dma_wait3A_355, %dma_wait3A_356] : memref<10000x128xf32, #tpu.memory_space<vmem_shared>> -> memref<10000x128xf32, #tpu.memory_space<vmem_shared>>
          tpu.wait_indirect_dma semaphore(%arg24 : memref<!tpu.dma_semaphore, #tpu.memory_space<semaphore_mem>>) src(%dma_wait3A_352 : memref<80x128xf32, #tpu.memory_space<vmem>>) dst(%dma_wait3A_357 : memref<10000x128xf32, #tpu.memory_space<vmem_shared>>)
        } else {
        }
        %lt3A_215 = arith.constant 500 : i32
        %lt3A_216 = arith.cmpi slt, %add3A_196, %lt3A_215 : i32
        %convert_element_type3A_217 = arith.extui %lt3A_216 : i1 to i32
        %cond3A_218 = arith.constant 0 : i32
        %cond3A_219 = arith.cmpi ne, %convert_element_type3A_217, %cond3A_218 : i32
        scf.if %cond3A_219 {
          %jit3A_349 = arith.constant 20 : i32
          %div3A_350 = arith.divsi %add3A_196, %jit3A_349 : i32
          %sign3A_351 = arith.constant 0 : i32
          %sign3A_352 = arith.cmpi sgt, %add3A_196, %sign3A_351 : i32
          %sign3A_353 = arith.extui %sign3A_352 : i1 to i32
          %sign3A_354 = arith.constant 0 : i32
          %sign3A_355 = arith.cmpi slt, %add3A_196, %sign3A_354 : i32
          %sign3A_356 = arith.extui %sign3A_355 : i1 to i32
          %sign3A_357 = arith.subi %sign3A_353, %sign3A_356 : i32
          %sign3A_358 = arith.constant 0 : i32
          %sign3A_359 = arith.cmpi sgt, %jit3A_349, %sign3A_358 : i32
          %sign3A_360 = arith.extui %sign3A_359 : i1 to i32
          %sign3A_361 = arith.constant 0 : i32
          %sign3A_362 = arith.cmpi slt, %jit3A_349, %sign3A_361 : i32
          %sign3A_363 = arith.extui %sign3A_362 : i1 to i32
          %sign3A_364 = arith.subi %sign3A_360, %sign3A_363 : i32
          %ne3A_365 = arith.cmpi ne, %sign3A_357, %sign3A_364 : i32
          %rem3A_366 = arith.remsi %add3A_196, %jit3A_349 : i32
          %ne3A_367 = arith.constant 0 : i32
          %ne3A_368 = arith.cmpi ne, %rem3A_366, %ne3A_367 : i32
          %and3A_369 = arith.andi %ne3A_365, %ne3A_368 : i1
          %sub3A_370 = arith.constant 1 : i32
          %sub3A_371 = arith.subi %div3A_350, %sub3A_370 : i32
          %select_n3A_372 = arith.select %and3A_369, %sub3A_371, %div3A_350 : i32
          %jit3A_373 = arith.constant 2 : i32
          %eq3A_374 = arith.constant 0 : i32
          %eq3A_375 = arith.cmpi eq, %jit3A_373, %eq3A_374 : i32
          %jit3A_376 = arith.constant 1 : i32
          %select_n3A_377 = arith.select %eq3A_375, %jit3A_376, %jit3A_373 : i32
          %rem3A_378 = arith.remsi %select_n3A_372, %select_n3A_377 : i32
          %ne3A_379 = arith.constant 0 : i32
          %ne3A_380 = arith.cmpi ne, %rem3A_378, %ne3A_379 : i32
          %lt3A_381 = arith.constant 0 : i32
          %lt3A_382 = arith.cmpi slt, %rem3A_378, %lt3A_381 : i32
          %lt3A_383 = arith.constant 0 : i32
          %lt3A_384 = arith.cmpi slt, %select_n3A_377, %lt3A_383 : i32
          %ne3A_385 = arith.xori %lt3A_382, %lt3A_384 : i1
          %and3A_386 = arith.andi %ne3A_385, %ne3A_380 : i1
          %add3A_387 = arith.addi %rem3A_378, %select_n3A_377 : i32
          %select_n3A_388 = arith.select %and3A_386, %add3A_387, %rem3A_378 : i32
          %mul3A_389 = arith.constant 800 : i32
          %mul3A_390 = arith.muli %select_n3A_388, %mul3A_389 : i32
          %mul3A_391 = arith.constant 20 : i32
          %mul3A_392 = arith.muli %select_n3A_372, %mul3A_391 : i32
          %sub3A_393 = arith.subi %add3A_196, %mul3A_392 : i32
          %mul3A_394 = arith.constant 40 : i32
          %mul3A_395 = arith.muli %sub3A_393, %mul3A_394 : i32
          %add3A_396 = arith.addi %mul3A_390, %mul3A_395 : i32
          %dma_start3A_397 = arith.constant 2 : i32
          %dma_start3A_398 = arith.constant 0 : i32
          %dma_start3A_399 = arith.constant 0 : i32
          %dma_start3A_400 = tpu.memref_slice %arg13[%dma_start3A_397, %dma_start3A_398, %dma_start3A_399] : memref<4x80x128xf32, #tpu.memory_space<vmem>> -> memref<1x40x128xf32, #tpu.memory_space<vmem>>
          %dma_start3A_401 = tpu.memref_squeeze %dma_start3A_400 : memref<1x40x128xf32, #tpu.memory_space<vmem>> -> memref<40x128xf32, #tpu.memory_space<vmem>>
          %dma_start3A_402 = tpu.memref_slice %arg11[%add3A_396] : memref<1600xi32, #tpu.memory_space<vmem>> -> memref<40xi32, #tpu.memory_space<vmem>>
          %dma_start3A_403 = arith.constant 0 : i32
          %dma_start3A_404 = arith.constant 0 : i32
          %dma_start3A_405 = tpu.memref_slice %arg2[%dma_start3A_403, %dma_start3A_404] : memref<10000x128xf32, #tpu.memory_space<hbm>> -> memref<10000x128xf32, #tpu.memory_space<hbm>>
          tpu.enqueue_indirect_dma source(%dma_start3A_405 : memref<10000x128xf32, #tpu.memory_space<hbm>>) target(%dma_start3A_401 : memref<40x128xf32, #tpu.memory_space<vmem>>) offsets(%dma_start3A_402 : memref<40xi32, #tpu.memory_space<vmem>>) semaphore(%arg18 : memref<!tpu.dma_semaphore, #tpu.memory_space<semaphore_mem>>)
        } else {
        }
        %ge3A_220 = arith.constant 6 : i32
        %ge3A_221 = arith.cmpi sge, %add3A_196, %ge3A_220 : i32
        %lt3A_222 = arith.constant 506 : i32
        %lt3A_223 = arith.cmpi slt, %add3A_196, %lt3A_222 : i32
        %and3A_224 = arith.andi %ge3A_221, %lt3A_223 : i1
        %convert_element_type3A_225 = arith.extui %and3A_224 : i1 to i32
        %cond3A_226 = arith.constant 0 : i32
        %cond3A_227 = arith.cmpi ne, %convert_element_type3A_225, %cond3A_226 : i32
        scf.if %cond3A_227 {
          %dma_wait3A = arith.constant 0 : i32
          %dma_wait3A_349 = arith.constant 0 : i32
          %dma_wait3A_350 = arith.constant 0 : i32
          %dma_wait3A_351 = tpu.memref_slice %arg13[%dma_wait3A, %dma_wait3A_349, %dma_wait3A_350] : memref<4x80x128xf32, #tpu.memory_space<vmem>> -> memref<1x40x128xf32, #tpu.memory_space<vmem>>
          %dma_wait3A_352 = tpu.memref_squeeze %dma_wait3A_351 : memref<1x40x128xf32, #tpu.memory_space<vmem>> -> memref<40x128xf32, #tpu.memory_space<vmem>>
          %dma_wait3A_353 = arith.constant 0 : i32
          %dma_wait3A_354 = tpu.memref_slice %arg11[%dma_wait3A_353] : memref<1600xi32, #tpu.memory_space<vmem>> -> memref<40xi32, #tpu.memory_space<vmem>>
          %dma_wait3A_355 = arith.constant 0 : i32
          %dma_wait3A_356 = arith.constant 0 : i32
          %dma_wait3A_357 = tpu.memref_slice %arg2[%dma_wait3A_355, %dma_wait3A_356] : memref<10000x128xf32, #tpu.memory_space<hbm>> -> memref<10000x128xf32, #tpu.memory_space<hbm>>
          tpu.wait_indirect_dma semaphore(%arg20 : memref<!tpu.dma_semaphore, #tpu.memory_space<semaphore_mem>>) src(%dma_wait3A_357 : memref<10000x128xf32, #tpu.memory_space<hbm>>) dst(%dma_wait3A_352 : memref<40x128xf32, #tpu.memory_space<vmem>>)
          %dma_wait3A_358 = arith.constant 0 : i32
          %dma_wait3A_359 = arith.constant 0 : i32
          %dma_wait3A_360 = arith.constant 0 : i32
          %dma_wait3A_361 = tpu.memref_slice %arg13[%dma_wait3A_358, %dma_wait3A_359, %dma_wait3A_360] : memref<4x80x128xf32, #tpu.memory_space<vmem>> -> memref<1x40x128xf32, #tpu.memory_space<vmem>>
          %dma_wait3A_362 = tpu.memref_squeeze %dma_wait3A_361 : memref<1x40x128xf32, #tpu.memory_space<vmem>> -> memref<40x128xf32, #tpu.memory_space<vmem>>
          %dma_wait3A_363 = arith.constant 0 : i32
          %dma_wait3A_364 = tpu.memref_slice %arg11[%dma_wait3A_363] : memref<1600xi32, #tpu.memory_space<vmem>> -> memref<40xi32, #tpu.memory_space<vmem>>
          %dma_wait3A_365 = arith.constant 0 : i32
          %dma_wait3A_366 = arith.constant 0 : i32
          %dma_wait3A_367 = tpu.memref_slice %arg2[%dma_wait3A_365, %dma_wait3A_366] : memref<10000x128xf32, #tpu.memory_space<hbm>> -> memref<10000x128xf32, #tpu.memory_space<hbm>>
          tpu.wait_indirect_dma semaphore(%arg21 : memref<!tpu.dma_semaphore, #tpu.memory_space<semaphore_mem>>) src(%dma_wait3A_367 : memref<10000x128xf32, #tpu.memory_space<hbm>>) dst(%dma_wait3A_362 : memref<40x128xf32, #tpu.memory_space<vmem>>)
          %sub3A_368 = arith.constant 6 : i32
          %sub3A_369 = arith.subi %add3A_196, %sub3A_368 : i32
          %jit3A_370 = arith.constant 20 : i32
          %div3A_371 = arith.divsi %sub3A_369, %jit3A_370 : i32
          %sign3A_372 = arith.constant 0 : i32
          %sign3A_373 = arith.cmpi sgt, %sub3A_369, %sign3A_372 : i32
          %sign3A_374 = arith.extui %sign3A_373 : i1 to i32
          %sign3A_375 = arith.constant 0 : i32
          %sign3A_376 = arith.cmpi slt, %sub3A_369, %sign3A_375 : i32
          %sign3A_377 = arith.extui %sign3A_376 : i1 to i32
          %sign3A_378 = arith.subi %sign3A_374, %sign3A_377 : i32
          %sign3A_379 = arith.constant 0 : i32
          %sign3A_380 = arith.cmpi sgt, %jit3A_370, %sign3A_379 : i32
          %sign3A_381 = arith.extui %sign3A_380 : i1 to i32
          %sign3A_382 = arith.constant 0 : i32
          %sign3A_383 = arith.cmpi slt, %jit3A_370, %sign3A_382 : i32
          %sign3A_384 = arith.extui %sign3A_383 : i1 to i32
          %sign3A_385 = arith.subi %sign3A_381, %sign3A_384 : i32
          %ne3A_386 = arith.cmpi ne, %sign3A_378, %sign3A_385 : i32
          %rem3A_387 = arith.remsi %sub3A_369, %jit3A_370 : i32
          %ne3A_388 = arith.constant 0 : i32
          %ne3A_389 = arith.cmpi ne, %rem3A_387, %ne3A_388 : i32
          %and3A_390 = arith.andi %ne3A_386, %ne3A_389 : i1
          %sub3A_391 = arith.constant 1 : i32
          %sub3A_392 = arith.subi %div3A_371, %sub3A_391 : i32
          %select_n3A_393 = arith.select %and3A_390, %sub3A_392, %div3A_371 : i32
          %jit3A_394 = arith.constant 2 : i32
          %eq3A_395 = arith.constant 0 : i32
          %eq3A_396 = arith.cmpi eq, %jit3A_394, %eq3A_395 : i32
          %jit3A_397 = arith.constant 1 : i32
          %select_n3A_398 = arith.select %eq3A_396, %jit3A_397, %jit3A_394 : i32
          %rem3A_399 = arith.remsi %select_n3A_393, %select_n3A_398 : i32
          %ne3A_400 = arith.constant 0 : i32
          %ne3A_401 = arith.cmpi ne, %rem3A_399, %ne3A_400 : i32
          %lt3A_402 = arith.constant 0 : i32
          %lt3A_403 = arith.cmpi slt, %rem3A_399, %lt3A_402 : i32
          %lt3A_404 = arith.constant 0 : i32
          %lt3A_405 = arith.cmpi slt, %select_n3A_398, %lt3A_404 : i32
          %ne3A_406 = arith.xori %lt3A_403, %lt3A_405 : i1
          %and3A_407 = arith.andi %ne3A_406, %ne3A_401 : i1
          %add3A_408 = arith.addi %rem3A_399, %select_n3A_398 : i32
          %select_n3A_409 = arith.select %and3A_407, %add3A_408, %rem3A_399 : i32
          %mul3A_410 = arith.constant 800 : i32
          %mul3A_411 = arith.muli %select_n3A_409, %mul3A_410 : i32
          %mul3A_412 = arith.constant 20 : i32
          %mul3A_413 = arith.muli %select_n3A_393, %mul3A_412 : i32
          %sub3A_414 = arith.subi %sub3A_369, %mul3A_413 : i32
          %mul3A_415 = arith.constant 40 : i32
          %mul3A_416 = arith.muli %sub3A_414, %mul3A_415 : i32
          %add3A_417 = arith.addi %mul3A_411, %mul3A_416 : i32
          %dma_start3A_418 = arith.constant 3 : i32
          %dma_start3A_419 = arith.constant 0 : i32
          %dma_start3A_420 = arith.constant 0 : i32
          %dma_start3A_421 = tpu.memref_slice %arg13[%dma_start3A_418, %dma_start3A_419, %dma_start3A_420] : memref<4x80x128xf32, #tpu.memory_space<vmem>> -> memref<1x80x128xf32, #tpu.memory_space<vmem>>
          %dma_start3A_422 = tpu.memref_squeeze %dma_start3A_421 : memref<1x80x128xf32, #tpu.memory_space<vmem>> -> memref<80x128xf32, #tpu.memory_space<vmem>>
          %dma_start3A_423 = tpu.memref_slice %arg12[%add3A_417] : memref<1600xi32, #tpu.memory_space<vmem>> -> memref<80xi32, #tpu.memory_space<vmem>>
          %dma_start3A_424 = arith.constant 0 : i32
          %dma_start3A_425 = arith.constant 0 : i32
          %dma_start3A_426 = tpu.memref_slice %arg10[%dma_start3A_424, %dma_start3A_425] : memref<10000x128xf32, #tpu.memory_space<vmem_shared>> -> memref<10000x128xf32, #tpu.memory_space<vmem_shared>>
          tpu.enqueue_indirect_dma source(%dma_start3A_422 : memref<80x128xf32, #tpu.memory_space<vmem>>) target(%dma_start3A_426 : memref<10000x128xf32, #tpu.memory_space<vmem_shared>>) offsets(%dma_start3A_423 : memref<80xi32, #tpu.memory_space<vmem>>) semaphore(%arg25 : memref<!tpu.dma_semaphore, #tpu.memory_space<semaphore_mem>>) {add = true}
        } else {
        }
        %eq3A_228 = arith.constant 8 : i32
        %eq3A_229 = arith.cmpi eq, %rem3A_198, %eq3A_228 : i32
        %jit3A_230 = arith.constant 20 : i32
        %div3A_231 = arith.divsi %add3A_196, %jit3A_230 : i32
        %sign3A_232 = arith.constant 0 : i32
        %sign3A_233 = arith.cmpi sgt, %add3A_196, %sign3A_232 : i32
        %sign3A_234 = arith.extui %sign3A_233 : i1 to i32
        %sign3A_235 = arith.constant 0 : i32
        %sign3A_236 = arith.cmpi slt, %add3A_196, %sign3A_235 : i32
        %sign3A_237 = arith.extui %sign3A_236 : i1 to i32
        %sign3A_238 = arith.subi %sign3A_234, %sign3A_237 : i32
        %sign3A_239 = arith.constant 0 : i32
        %sign3A_240 = arith.cmpi sgt, %jit3A_230, %sign3A_239 : i32
        %sign3A_241 = arith.extui %sign3A_240 : i1 to i32
        %sign3A_242 = arith.constant 0 : i32
        %sign3A_243 = arith.cmpi slt, %jit3A_230, %sign3A_242 : i32
        %sign3A_244 = arith.extui %sign3A_243 : i1 to i32
        %sign3A_245 = arith.subi %sign3A_241, %sign3A_244 : i32
        %ne3A_246 = arith.cmpi ne, %sign3A_238, %sign3A_245 : i32
        %rem3A_247 = arith.remsi %add3A_196, %jit3A_230 : i32
        %ne3A_248 = arith.constant 0 : i32
        %ne3A_249 = arith.cmpi ne, %rem3A_247, %ne3A_248 : i32
        %and3A_250 = arith.andi %ne3A_246, %ne3A_249 : i1
        %sub3A_251 = arith.constant 1 : i32
        %sub3A_252 = arith.subi %div3A_231, %sub3A_251 : i32
        %select_n3A_253 = arith.select %and3A_250, %sub3A_252, %div3A_231 : i32
        %lt3A_254 = arith.constant 24 : i32
        %lt3A_255 = arith.cmpi slt, %select_n3A_253, %lt3A_254 : i32
        %and3A_256 = arith.andi %eq3A_229, %lt3A_255 : i1
        %convert_element_type3A_257 = arith.extui %and3A_256 : i1 to i32
        %cond3A_258 = arith.constant 0 : i32
        %cond3A_259 = arith.cmpi ne, %convert_element_type3A_257, %cond3A_258 : i32
        scf.if %cond3A_259 {
          %jit3A_349 = arith.constant 20 : i32
          %div3A_350 = arith.divsi %add3A_196, %jit3A_349 : i32
          %sign3A_351 = arith.constant 0 : i32
          %sign3A_352 = arith.cmpi sgt, %add3A_196, %sign3A_351 : i32
          %sign3A_353 = arith.extui %sign3A_352 : i1 to i32
          %sign3A_354 = arith.constant 0 : i32
          %sign3A_355 = arith.cmpi slt, %add3A_196, %sign3A_354 : i32
          %sign3A_356 = arith.extui %sign3A_355 : i1 to i32
          %sign3A_357 = arith.subi %sign3A_353, %sign3A_356 : i32
          %sign3A_358 = arith.constant 0 : i32
          %sign3A_359 = arith.cmpi sgt, %jit3A_349, %sign3A_358 : i32
          %sign3A_360 = arith.extui %sign3A_359 : i1 to i32
          %sign3A_361 = arith.constant 0 : i32
          %sign3A_362 = arith.cmpi slt, %jit3A_349, %sign3A_361 : i32
          %sign3A_363 = arith.extui %sign3A_362 : i1 to i32
          %sign3A_364 = arith.subi %sign3A_360, %sign3A_363 : i32
          %ne3A_365 = arith.cmpi ne, %sign3A_357, %sign3A_364 : i32
          %rem3A_366 = arith.remsi %add3A_196, %jit3A_349 : i32
          %ne3A_367 = arith.constant 0 : i32
          %ne3A_368 = arith.cmpi ne, %rem3A_366, %ne3A_367 : i32
          %and3A_369 = arith.andi %ne3A_365, %ne3A_368 : i1
          %sub3A_370 = arith.constant 1 : i32
          %sub3A_371 = arith.subi %div3A_350, %sub3A_370 : i32
          %select_n3A_372 = arith.select %and3A_369, %sub3A_371, %div3A_350 : i32
          %add3A_373 = arith.constant 1 : i32
          %add3A_374 = arith.addi %select_n3A_372, %add3A_373 : i32
          %jit3A_375 = arith.constant 2 : i32
          %eq3A_376 = arith.constant 0 : i32
          %eq3A_377 = arith.cmpi eq, %jit3A_375, %eq3A_376 : i32
          %jit3A_378 = arith.constant 1 : i32
          %select_n3A_379 = arith.select %eq3A_377, %jit3A_378, %jit3A_375 : i32
          %rem3A_380 = arith.remsi %add3A_374, %select_n3A_379 : i32
          %ne3A_381 = arith.constant 0 : i32
          %ne3A_382 = arith.cmpi ne, %rem3A_380, %ne3A_381 : i32
          %lt3A_383 = arith.constant 0 : i32
          %lt3A_384 = arith.cmpi slt, %rem3A_380, %lt3A_383 : i32
          %lt3A_385 = arith.constant 0 : i32
          %lt3A_386 = arith.cmpi slt, %select_n3A_379, %lt3A_385 : i32
          %ne3A_387 = arith.xori %lt3A_384, %lt3A_386 : i1
          %and3A_388 = arith.andi %ne3A_387, %ne3A_382 : i1
          %add3A_389 = arith.addi %rem3A_380, %select_n3A_379 : i32
          %select_n3A_390 = arith.select %and3A_388, %add3A_389, %rem3A_380 : i32
          %mul3A_391 = arith.constant 800 : i32
          %mul3A_392 = arith.muli %select_n3A_390, %mul3A_391 : i32
          %mul3A_393 = arith.constant 800 : i32
          %mul3A_394 = arith.muli %add3A_374, %mul3A_393 : i32
          %add3A_395 = arith.addi %mul3A_18, %mul3A_394 : i32
          %dma_start3A_396 = tpu.memref_slice %arg11[%mul3A_392] : memref<1600xi32, #tpu.memory_space<vmem>> -> memref<800xi32, #tpu.memory_space<vmem>>
          %dma_start3A_397 = tpu.memref_slice %arg3[%add3A_395] : memref<320000xi32, #tpu.memory_space<hbm>> -> memref<800xi32, #tpu.memory_space<hbm>>
          %dma_start3A_398 = tpu.memref_slice %arg11[%mul3A_392] : memref<1600xi32, #tpu.memory_space<vmem>> -> memref<800xi32, #tpu.memory_space<vmem>>
          %dma_start3A_399 = tpu.memref_slice %arg3[%add3A_395] : memref<320000xi32, #tpu.memory_space<hbm>> -> memref<800xi32, #tpu.memory_space<hbm>>
          tpu.enqueue_dma source(%dma_start3A_399 : memref<800xi32, #tpu.memory_space<hbm>>) target(%dma_start3A_398 : memref<800xi32, #tpu.memory_space<vmem>>) target_semaphore(%arg26 : memref<!tpu.dma_semaphore, #tpu.memory_space<semaphore_mem>>)
          %mul3A_400 = arith.constant 800 : i32
          %mul3A_401 = arith.muli %add3A_374, %mul3A_400 : i32
          %add3A_402 = arith.addi %mul3A_18, %mul3A_401 : i32
          %dma_start3A_403 = tpu.memref_slice %arg12[%mul3A_392] : memref<1600xi32, #tpu.memory_space<vmem>> -> memref<800xi32, #tpu.memory_space<vmem>>
          %dma_start3A_404 = tpu.memref_slice %arg4[%add3A_402] : memref<320000xi32, #tpu.memory_space<hbm>> -> memref<800xi32, #tpu.memory_space<hbm>>
          %dma_start3A_405 = tpu.memref_slice %arg12[%mul3A_392] : memref<1600xi32, #tpu.memory_space<vmem>> -> memref<800xi32, #tpu.memory_space<vmem>>
          %dma_start3A_406 = tpu.memref_slice %arg4[%add3A_402] : memref<320000xi32, #tpu.memory_space<hbm>> -> memref<800xi32, #tpu.memory_space<hbm>>
          tpu.enqueue_dma source(%dma_start3A_406 : memref<800xi32, #tpu.memory_space<hbm>>) target(%dma_start3A_405 : memref<800xi32, #tpu.memory_space<vmem>>) target_semaphore(%arg26 : memref<!tpu.dma_semaphore, #tpu.memory_space<semaphore_mem>>)
        } else {
        }
        %mul3A_260 = arith.constant 8 : i32
        %mul3A_261 = arith.muli %scan3A_46, %mul3A_260 : i32
        %add3A_262 = arith.constant 5 : i32
        %add3A_263 = arith.addi %mul3A_261, %add3A_262 : i32
        %rem3A_264 = arith.constant 20 : i32
        %rem3A_265 = arith.remsi %add3A_263, %rem3A_264 : i32
        %lt3A_266 = arith.constant 500 : i32
        %lt3A_267 = arith.cmpi slt, %add3A_263, %lt3A_266 : i32
        %convert_element_type3A_268 = arith.extui %lt3A_267 : i1 to i32
        %cond3A_269 = arith.constant 0 : i32
        %cond3A_270 = arith.cmpi ne, %convert_element_type3A_268, %cond3A_269 : i32
        scf.if %cond3A_270 {
          %jit3A_349 = arith.constant 20 : i32
          %div3A_350 = arith.divsi %add3A_263, %jit3A_349 : i32
          %sign3A_351 = arith.constant 0 : i32
          %sign3A_352 = arith.cmpi sgt, %add3A_263, %sign3A_351 : i32
          %sign3A_353 = arith.extui %sign3A_352 : i1 to i32
          %sign3A_354 = arith.constant 0 : i32
          %sign3A_355 = arith.cmpi slt, %add3A_263, %sign3A_354 : i32
          %sign3A_356 = arith.extui %sign3A_355 : i1 to i32
          %sign3A_357 = arith.subi %sign3A_353, %sign3A_356 : i32
          %sign3A_358 = arith.constant 0 : i32
          %sign3A_359 = arith.cmpi sgt, %jit3A_349, %sign3A_358 : i32
          %sign3A_360 = arith.extui %sign3A_359 : i1 to i32
          %sign3A_361 = arith.constant 0 : i32
          %sign3A_362 = arith.cmpi slt, %jit3A_349, %sign3A_361 : i32
          %sign3A_363 = arith.extui %sign3A_362 : i1 to i32
          %sign3A_364 = arith.subi %sign3A_360, %sign3A_363 : i32
          %ne3A_365 = arith.cmpi ne, %sign3A_357, %sign3A_364 : i32
          %rem3A_366 = arith.remsi %add3A_263, %jit3A_349 : i32
          %ne3A_367 = arith.constant 0 : i32
          %ne3A_368 = arith.cmpi ne, %rem3A_366, %ne3A_367 : i32
          %and3A_369 = arith.andi %ne3A_365, %ne3A_368 : i1
          %sub3A_370 = arith.constant 1 : i32
          %sub3A_371 = arith.subi %div3A_350, %sub3A_370 : i32
          %select_n3A_372 = arith.select %and3A_369, %sub3A_371, %div3A_350 : i32
          %jit3A_373 = arith.constant 2 : i32
          %eq3A_374 = arith.constant 0 : i32
          %eq3A_375 = arith.cmpi eq, %jit3A_373, %eq3A_374 : i32
          %jit3A_376 = arith.constant 1 : i32
          %select_n3A_377 = arith.select %eq3A_375, %jit3A_376, %jit3A_373 : i32
          %rem3A_378 = arith.remsi %select_n3A_372, %select_n3A_377 : i32
          %ne3A_379 = arith.constant 0 : i32
          %ne3A_380 = arith.cmpi ne, %rem3A_378, %ne3A_379 : i32
          %lt3A_381 = arith.constant 0 : i32
          %lt3A_382 = arith.cmpi slt, %rem3A_378, %lt3A_381 : i32
          %lt3A_383 = arith.constant 0 : i32
          %lt3A_384 = arith.cmpi slt, %select_n3A_377, %lt3A_383 : i32
          %ne3A_385 = arith.xori %lt3A_382, %lt3A_384 : i1
          %and3A_386 = arith.andi %ne3A_385, %ne3A_380 : i1
          %add3A_387 = arith.addi %rem3A_378, %select_n3A_377 : i32
          %select_n3A_388 = arith.select %and3A_386, %add3A_387, %rem3A_378 : i32
          %mul3A_389 = arith.constant 800 : i32
          %mul3A_390 = arith.muli %select_n3A_388, %mul3A_389 : i32
          %mul3A_391 = arith.constant 20 : i32
          %mul3A_392 = arith.muli %select_n3A_372, %mul3A_391 : i32
          %sub3A_393 = arith.subi %add3A_263, %mul3A_392 : i32
          %mul3A_394 = arith.constant 40 : i32
          %mul3A_395 = arith.muli %sub3A_393, %mul3A_394 : i32
          %add3A_396 = arith.addi %mul3A_390, %mul3A_395 : i32
          %dma_start3A_397 = arith.constant 2 : i32
          %dma_start3A_398 = arith.constant 40 : i32
          %dma_start3A_399 = arith.constant 0 : i32
          %dma_start3A_400 = tpu.memref_slice %arg13[%dma_start3A_397, %dma_start3A_398, %dma_start3A_399] : memref<4x80x128xf32, #tpu.memory_space<vmem>> -> memref<1x40x128xf32, #tpu.memory_space<vmem>>
          %dma_start3A_401 = tpu.memref_squeeze %dma_start3A_400 : memref<1x40x128xf32, #tpu.memory_space<vmem>> -> memref<40x128xf32, #tpu.memory_space<vmem>>
          %dma_start3A_402 = tpu.memref_slice %arg11[%add3A_396] : memref<1600xi32, #tpu.memory_space<vmem>> -> memref<40xi32, #tpu.memory_space<vmem>>
          %dma_start3A_403 = arith.constant 0 : i32
          %dma_start3A_404 = arith.constant 0 : i32
          %dma_start3A_405 = tpu.memref_slice %arg2[%dma_start3A_403, %dma_start3A_404] : memref<10000x128xf32, #tpu.memory_space<hbm>> -> memref<10000x128xf32, #tpu.memory_space<hbm>>
          tpu.enqueue_indirect_dma source(%dma_start3A_405 : memref<10000x128xf32, #tpu.memory_space<hbm>>) target(%dma_start3A_401 : memref<40x128xf32, #tpu.memory_space<vmem>>) offsets(%dma_start3A_402 : memref<40xi32, #tpu.memory_space<vmem>>) semaphore(%arg19 : memref<!tpu.dma_semaphore, #tpu.memory_space<semaphore_mem>>)
        } else {
        }
        %mul3A_271 = arith.constant 8 : i32
        %mul3A_272 = arith.muli %scan3A_46, %mul3A_271 : i32
        %add3A_273 = arith.constant 6 : i32
        %add3A_274 = arith.addi %mul3A_272, %add3A_273 : i32
        %rem3A_275 = arith.constant 20 : i32
        %rem3A_276 = arith.remsi %add3A_274, %rem3A_275 : i32
        %eq3A_277 = arith.constant 0 : i32
        %eq3A_278 = arith.cmpi eq, %rem3A_276, %eq3A_277 : i32
        %lt3A_279 = arith.constant 500 : i32
        %lt3A_280 = arith.cmpi slt, %add3A_274, %lt3A_279 : i32
        %and3A_281 = arith.andi %eq3A_278, %lt3A_280 : i1
        %convert_element_type3A_282 = arith.extui %and3A_281 : i1 to i32
        %cond3A_283 = arith.constant 0 : i32
        %cond3A_284 = arith.cmpi ne, %convert_element_type3A_282, %cond3A_283 : i32
        scf.if %cond3A_284 {
          %dma_wait3A = arith.constant 0 : i32
          %dma_wait3A_349 = tpu.memref_slice %arg11[%dma_wait3A] : memref<1600xi32, #tpu.memory_space<vmem>> -> memref<800xi32, #tpu.memory_space<vmem>>
          %dma_wait3A_350 = tpu.memref_slice %arg3[%mul3A_18] : memref<320000xi32, #tpu.memory_space<hbm>> -> memref<800xi32, #tpu.memory_space<hbm>>
          %dma_wait3A_351 = arith.constant 0 : i32
          %dma_wait3A_352 = tpu.memref_slice %arg11[%dma_wait3A_351] : memref<1600xi32, #tpu.memory_space<vmem>> -> memref<800xi32, #tpu.memory_space<vmem>>
          %dma_wait3A_353 = tpu.memref_slice %arg3[%mul3A_18] : memref<320000xi32, #tpu.memory_space<hbm>> -> memref<800xi32, #tpu.memory_space<hbm>>
          tpu.wait_dma2 semaphore(%arg26 : memref<!tpu.dma_semaphore, #tpu.memory_space<semaphore_mem>>) src(%dma_wait3A_353 : memref<800xi32, #tpu.memory_space<hbm>>) dst(%dma_wait3A_352 : memref<800xi32, #tpu.memory_space<vmem>>)
          %dma_wait3A_354 = arith.constant 0 : i32
          %dma_wait3A_355 = tpu.memref_slice %arg11[%dma_wait3A_354] : memref<1600xi32, #tpu.memory_space<vmem>> -> memref<800xi32, #tpu.memory_space<vmem>>
          %dma_wait3A_356 = tpu.memref_slice %arg3[%mul3A_18] : memref<320000xi32, #tpu.memory_space<hbm>> -> memref<800xi32, #tpu.memory_space<hbm>>
          %dma_wait3A_357 = arith.constant 0 : i32
          %dma_wait3A_358 = tpu.memref_slice %arg11[%dma_wait3A_357] : memref<1600xi32, #tpu.memory_space<vmem>> -> memref<800xi32, #tpu.memory_space<vmem>>
          %dma_wait3A_359 = tpu.memref_slice %arg3[%mul3A_18] : memref<320000xi32, #tpu.memory_space<hbm>> -> memref<800xi32, #tpu.memory_space<hbm>>
          tpu.wait_dma2 semaphore(%arg26 : memref<!tpu.dma_semaphore, #tpu.memory_space<semaphore_mem>>) src(%dma_wait3A_359 : memref<800xi32, #tpu.memory_space<hbm>>) dst(%dma_wait3A_358 : memref<800xi32, #tpu.memory_space<vmem>>)
        } else {
        }
        %ge3A_285 = arith.constant 8 : i32
        %ge3A_286 = arith.cmpi sge, %add3A_274, %ge3A_285 : i32
        %lt3A_287 = arith.constant 508 : i32
        %lt3A_288 = arith.cmpi slt, %add3A_274, %lt3A_287 : i32
        %and3A_289 = arith.andi %ge3A_286, %lt3A_288 : i1
        %convert_element_type3A_290 = arith.extui %and3A_289 : i1 to i32
        %cond3A_291 = arith.constant 0 : i32
        %cond3A_292 = arith.cmpi ne, %convert_element_type3A_290, %cond3A_291 : i32
        scf.if %cond3A_292 {
          %dma_wait3A = arith.constant 3 : i32
          %dma_wait3A_349 = arith.constant 0 : i32
          %dma_wait3A_350 = arith.constant 0 : i32
          %dma_wait3A_351 = tpu.memref_slice %arg13[%dma_wait3A, %dma_wait3A_349, %dma_wait3A_350] : memref<4x80x128xf32, #tpu.memory_space<vmem>> -> memref<1x80x128xf32, #tpu.memory_space<vmem>>
          %dma_wait3A_352 = tpu.memref_squeeze %dma_wait3A_351 : memref<1x80x128xf32, #tpu.memory_space<vmem>> -> memref<80x128xf32, #tpu.memory_space<vmem>>
          %dma_wait3A_353 = arith.constant 0 : i32
          %dma_wait3A_354 = tpu.memref_slice %arg12[%dma_wait3A_353] : memref<1600xi32, #tpu.memory_space<vmem>> -> memref<80xi32, #tpu.memory_space<vmem>>
          %dma_wait3A_355 = arith.constant 0 : i32
          %dma_wait3A_356 = arith.constant 0 : i32
          %dma_wait3A_357 = tpu.memref_slice %arg10[%dma_wait3A_355, %dma_wait3A_356] : memref<10000x128xf32, #tpu.memory_space<vmem_shared>> -> memref<10000x128xf32, #tpu.memory_space<vmem_shared>>
          tpu.wait_indirect_dma semaphore(%arg25 : memref<!tpu.dma_semaphore, #tpu.memory_space<semaphore_mem>>) src(%dma_wait3A_352 : memref<80x128xf32, #tpu.memory_space<vmem>>) dst(%dma_wait3A_357 : memref<10000x128xf32, #tpu.memory_space<vmem_shared>>)
        } else {
        }
        %lt3A_293 = arith.constant 500 : i32
        %lt3A_294 = arith.cmpi slt, %add3A_274, %lt3A_293 : i32
        %convert_element_type3A_295 = arith.extui %lt3A_294 : i1 to i32
        %cond3A_296 = arith.constant 0 : i32
        %cond3A_297 = arith.cmpi ne, %convert_element_type3A_295, %cond3A_296 : i32
        scf.if %cond3A_297 {
          %jit3A_349 = arith.constant 20 : i32
          %div3A_350 = arith.divsi %add3A_274, %jit3A_349 : i32
          %sign3A_351 = arith.constant 0 : i32
          %sign3A_352 = arith.cmpi sgt, %add3A_274, %sign3A_351 : i32
          %sign3A_353 = arith.extui %sign3A_352 : i1 to i32
          %sign3A_354 = arith.constant 0 : i32
          %sign3A_355 = arith.cmpi slt, %add3A_274, %sign3A_354 : i32
          %sign3A_356 = arith.extui %sign3A_355 : i1 to i32
          %sign3A_357 = arith.subi %sign3A_353, %sign3A_356 : i32
          %sign3A_358 = arith.constant 0 : i32
          %sign3A_359 = arith.cmpi sgt, %jit3A_349, %sign3A_358 : i32
          %sign3A_360 = arith.extui %sign3A_359 : i1 to i32
          %sign3A_361 = arith.constant 0 : i32
          %sign3A_362 = arith.cmpi slt, %jit3A_349, %sign3A_361 : i32
          %sign3A_363 = arith.extui %sign3A_362 : i1 to i32
          %sign3A_364 = arith.subi %sign3A_360, %sign3A_363 : i32
          %ne3A_365 = arith.cmpi ne, %sign3A_357, %sign3A_364 : i32
          %rem3A_366 = arith.remsi %add3A_274, %jit3A_349 : i32
          %ne3A_367 = arith.constant 0 : i32
          %ne3A_368 = arith.cmpi ne, %rem3A_366, %ne3A_367 : i32
          %and3A_369 = arith.andi %ne3A_365, %ne3A_368 : i1
          %sub3A_370 = arith.constant 1 : i32
          %sub3A_371 = arith.subi %div3A_350, %sub3A_370 : i32
          %select_n3A_372 = arith.select %and3A_369, %sub3A_371, %div3A_350 : i32
          %jit3A_373 = arith.constant 2 : i32
          %eq3A_374 = arith.constant 0 : i32
          %eq3A_375 = arith.cmpi eq, %jit3A_373, %eq3A_374 : i32
          %jit3A_376 = arith.constant 1 : i32
          %select_n3A_377 = arith.select %eq3A_375, %jit3A_376, %jit3A_373 : i32
          %rem3A_378 = arith.remsi %select_n3A_372, %select_n3A_377 : i32
          %ne3A_379 = arith.constant 0 : i32
          %ne3A_380 = arith.cmpi ne, %rem3A_378, %ne3A_379 : i32
          %lt3A_381 = arith.constant 0 : i32
          %lt3A_382 = arith.cmpi slt, %rem3A_378, %lt3A_381 : i32
          %lt3A_383 = arith.constant 0 : i32
          %lt3A_384 = arith.cmpi slt, %select_n3A_377, %lt3A_383 : i32
          %ne3A_385 = arith.xori %lt3A_382, %lt3A_384 : i1
          %and3A_386 = arith.andi %ne3A_385, %ne3A_380 : i1
          %add3A_387 = arith.addi %rem3A_378, %select_n3A_377 : i32
          %select_n3A_388 = arith.select %and3A_386, %add3A_387, %rem3A_378 : i32
          %mul3A_389 = arith.constant 800 : i32
          %mul3A_390 = arith.muli %select_n3A_388, %mul3A_389 : i32
          %mul3A_391 = arith.constant 20 : i32
          %mul3A_392 = arith.muli %select_n3A_372, %mul3A_391 : i32
          %sub3A_393 = arith.subi %add3A_274, %mul3A_392 : i32
          %mul3A_394 = arith.constant 40 : i32
          %mul3A_395 = arith.muli %sub3A_393, %mul3A_394 : i32
          %add3A_396 = arith.addi %mul3A_390, %mul3A_395 : i32
          %dma_start3A_397 = arith.constant 3 : i32
          %dma_start3A_398 = arith.constant 0 : i32
          %dma_start3A_399 = arith.constant 0 : i32
          %dma_start3A_400 = tpu.memref_slice %arg13[%dma_start3A_397, %dma_start3A_398, %dma_start3A_399] : memref<4x80x128xf32, #tpu.memory_space<vmem>> -> memref<1x40x128xf32, #tpu.memory_space<vmem>>
          %dma_start3A_401 = tpu.memref_squeeze %dma_start3A_400 : memref<1x40x128xf32, #tpu.memory_space<vmem>> -> memref<40x128xf32, #tpu.memory_space<vmem>>
          %dma_start3A_402 = tpu.memref_slice %arg11[%add3A_396] : memref<1600xi32, #tpu.memory_space<vmem>> -> memref<40xi32, #tpu.memory_space<vmem>>
          %dma_start3A_403 = arith.constant 0 : i32
          %dma_start3A_404 = arith.constant 0 : i32
          %dma_start3A_405 = tpu.memref_slice %arg2[%dma_start3A_403, %dma_start3A_404] : memref<10000x128xf32, #tpu.memory_space<hbm>> -> memref<10000x128xf32, #tpu.memory_space<hbm>>
          tpu.enqueue_indirect_dma source(%dma_start3A_405 : memref<10000x128xf32, #tpu.memory_space<hbm>>) target(%dma_start3A_401 : memref<40x128xf32, #tpu.memory_space<vmem>>) offsets(%dma_start3A_402 : memref<40xi32, #tpu.memory_space<vmem>>) semaphore(%arg20 : memref<!tpu.dma_semaphore, #tpu.memory_space<semaphore_mem>>)
        } else {
        }
        %ge3A_298 = arith.constant 6 : i32
        %ge3A_299 = arith.cmpi sge, %add3A_274, %ge3A_298 : i32
        %lt3A_300 = arith.constant 506 : i32
        %lt3A_301 = arith.cmpi slt, %add3A_274, %lt3A_300 : i32
        %and3A_302 = arith.andi %ge3A_299, %lt3A_301 : i1
        %convert_element_type3A_303 = arith.extui %and3A_302 : i1 to i32
        %cond3A_304 = arith.constant 0 : i32
        %cond3A_305 = arith.cmpi ne, %convert_element_type3A_303, %cond3A_304 : i32
        scf.if %cond3A_305 {
          %dma_wait3A = arith.constant 0 : i32
          %dma_wait3A_349 = arith.constant 0 : i32
          %dma_wait3A_350 = arith.constant 0 : i32
          %dma_wait3A_351 = tpu.memref_slice %arg13[%dma_wait3A, %dma_wait3A_349, %dma_wait3A_350] : memref<4x80x128xf32, #tpu.memory_space<vmem>> -> memref<1x40x128xf32, #tpu.memory_space<vmem>>
          %dma_wait3A_352 = tpu.memref_squeeze %dma_wait3A_351 : memref<1x40x128xf32, #tpu.memory_space<vmem>> -> memref<40x128xf32, #tpu.memory_space<vmem>>
          %dma_wait3A_353 = arith.constant 0 : i32
          %dma_wait3A_354 = tpu.memref_slice %arg11[%dma_wait3A_353] : memref<1600xi32, #tpu.memory_space<vmem>> -> memref<40xi32, #tpu.memory_space<vmem>>
          %dma_wait3A_355 = arith.constant 0 : i32
          %dma_wait3A_356 = arith.constant 0 : i32
          %dma_wait3A_357 = tpu.memref_slice %arg2[%dma_wait3A_355, %dma_wait3A_356] : memref<10000x128xf32, #tpu.memory_space<hbm>> -> memref<10000x128xf32, #tpu.memory_space<hbm>>
          tpu.wait_indirect_dma semaphore(%arg14 : memref<!tpu.dma_semaphore, #tpu.memory_space<semaphore_mem>>) src(%dma_wait3A_357 : memref<10000x128xf32, #tpu.memory_space<hbm>>) dst(%dma_wait3A_352 : memref<40x128xf32, #tpu.memory_space<vmem>>)
          %dma_wait3A_358 = arith.constant 0 : i32
          %dma_wait3A_359 = arith.constant 0 : i32
          %dma_wait3A_360 = arith.constant 0 : i32
          %dma_wait3A_361 = tpu.memref_slice %arg13[%dma_wait3A_358, %dma_wait3A_359, %dma_wait3A_360] : memref<4x80x128xf32, #tpu.memory_space<vmem>> -> memref<1x40x128xf32, #tpu.memory_space<vmem>>
          %dma_wait3A_362 = tpu.memref_squeeze %dma_wait3A_361 : memref<1x40x128xf32, #tpu.memory_space<vmem>> -> memref<40x128xf32, #tpu.memory_space<vmem>>
          %dma_wait3A_363 = arith.constant 0 : i32
          %dma_wait3A_364 = tpu.memref_slice %arg11[%dma_wait3A_363] : memref<1600xi32, #tpu.memory_space<vmem>> -> memref<40xi32, #tpu.memory_space<vmem>>
          %dma_wait3A_365 = arith.constant 0 : i32
          %dma_wait3A_366 = arith.constant 0 : i32
          %dma_wait3A_367 = tpu.memref_slice %arg2[%dma_wait3A_365, %dma_wait3A_366] : memref<10000x128xf32, #tpu.memory_space<hbm>> -> memref<10000x128xf32, #tpu.memory_space<hbm>>
          tpu.wait_indirect_dma semaphore(%arg15 : memref<!tpu.dma_semaphore, #tpu.memory_space<semaphore_mem>>) src(%dma_wait3A_367 : memref<10000x128xf32, #tpu.memory_space<hbm>>) dst(%dma_wait3A_362 : memref<40x128xf32, #tpu.memory_space<vmem>>)
          %sub3A_368 = arith.constant 6 : i32
          %sub3A_369 = arith.subi %add3A_274, %sub3A_368 : i32
          %jit3A_370 = arith.constant 20 : i32
          %div3A_371 = arith.divsi %sub3A_369, %jit3A_370 : i32
          %sign3A_372 = arith.constant 0 : i32
          %sign3A_373 = arith.cmpi sgt, %sub3A_369, %sign3A_372 : i32
          %sign3A_374 = arith.extui %sign3A_373 : i1 to i32
          %sign3A_375 = arith.constant 0 : i32
          %sign3A_376 = arith.cmpi slt, %sub3A_369, %sign3A_375 : i32
          %sign3A_377 = arith.extui %sign3A_376 : i1 to i32
          %sign3A_378 = arith.subi %sign3A_374, %sign3A_377 : i32
          %sign3A_379 = arith.constant 0 : i32
          %sign3A_380 = arith.cmpi sgt, %jit3A_370, %sign3A_379 : i32
          %sign3A_381 = arith.extui %sign3A_380 : i1 to i32
          %sign3A_382 = arith.constant 0 : i32
          %sign3A_383 = arith.cmpi slt, %jit3A_370, %sign3A_382 : i32
          %sign3A_384 = arith.extui %sign3A_383 : i1 to i32
          %sign3A_385 = arith.subi %sign3A_381, %sign3A_384 : i32
          %ne3A_386 = arith.cmpi ne, %sign3A_378, %sign3A_385 : i32
          %rem3A_387 = arith.remsi %sub3A_369, %jit3A_370 : i32
          %ne3A_388 = arith.constant 0 : i32
          %ne3A_389 = arith.cmpi ne, %rem3A_387, %ne3A_388 : i32
          %and3A_390 = arith.andi %ne3A_386, %ne3A_389 : i1
          %sub3A_391 = arith.constant 1 : i32
          %sub3A_392 = arith.subi %div3A_371, %sub3A_391 : i32
          %select_n3A_393 = arith.select %and3A_390, %sub3A_392, %div3A_371 : i32
          %jit3A_394 = arith.constant 2 : i32
          %eq3A_395 = arith.constant 0 : i32
          %eq3A_396 = arith.cmpi eq, %jit3A_394, %eq3A_395 : i32
          %jit3A_397 = arith.constant 1 : i32
          %select_n3A_398 = arith.select %eq3A_396, %jit3A_397, %jit3A_394 : i32
          %rem3A_399 = arith.remsi %select_n3A_393, %select_n3A_398 : i32
          %ne3A_400 = arith.constant 0 : i32
          %ne3A_401 = arith.cmpi ne, %rem3A_399, %ne3A_400 : i32
          %lt3A_402 = arith.constant 0 : i32
          %lt3A_403 = arith.cmpi slt, %rem3A_399, %lt3A_402 : i32
          %lt3A_404 = arith.constant 0 : i32
          %lt3A_405 = arith.cmpi slt, %select_n3A_398, %lt3A_404 : i32
          %ne3A_406 = arith.xori %lt3A_403, %lt3A_405 : i1
          %and3A_407 = arith.andi %ne3A_406, %ne3A_401 : i1
          %add3A_408 = arith.addi %rem3A_399, %select_n3A_398 : i32
          %select_n3A_409 = arith.select %and3A_407, %add3A_408, %rem3A_399 : i32
          %mul3A_410 = arith.constant 800 : i32
          %mul3A_411 = arith.muli %select_n3A_409, %mul3A_410 : i32
          %mul3A_412 = arith.constant 20 : i32
          %mul3A_413 = arith.muli %select_n3A_393, %mul3A_412 : i32
          %sub3A_414 = arith.subi %sub3A_369, %mul3A_413 : i32
          %mul3A_415 = arith.constant 40 : i32
          %mul3A_416 = arith.muli %sub3A_414, %mul3A_415 : i32
          %add3A_417 = arith.addi %mul3A_411, %mul3A_416 : i32
          %dma_start3A_418 = arith.constant 0 : i32
          %dma_start3A_419 = arith.constant 0 : i32
          %dma_start3A_420 = arith.constant 0 : i32
          %dma_start3A_421 = tpu.memref_slice %arg13[%dma_start3A_418, %dma_start3A_419, %dma_start3A_420] : memref<4x80x128xf32, #tpu.memory_space<vmem>> -> memref<1x80x128xf32, #tpu.memory_space<vmem>>
          %dma_start3A_422 = tpu.memref_squeeze %dma_start3A_421 : memref<1x80x128xf32, #tpu.memory_space<vmem>> -> memref<80x128xf32, #tpu.memory_space<vmem>>
          %dma_start3A_423 = tpu.memref_slice %arg12[%add3A_417] : memref<1600xi32, #tpu.memory_space<vmem>> -> memref<80xi32, #tpu.memory_space<vmem>>
          %dma_start3A_424 = arith.constant 0 : i32
          %dma_start3A_425 = arith.constant 0 : i32
          %dma_start3A_426 = tpu.memref_slice %arg10[%dma_start3A_424, %dma_start3A_425] : memref<10000x128xf32, #tpu.memory_space<vmem_shared>> -> memref<10000x128xf32, #tpu.memory_space<vmem_shared>>
          tpu.enqueue_indirect_dma source(%dma_start3A_422 : memref<80x128xf32, #tpu.memory_space<vmem>>) target(%dma_start3A_426 : memref<10000x128xf32, #tpu.memory_space<vmem_shared>>) offsets(%dma_start3A_423 : memref<80xi32, #tpu.memory_space<vmem>>) semaphore(%arg22 : memref<!tpu.dma_semaphore, #tpu.memory_space<semaphore_mem>>) {add = true}
        } else {
        }
        %eq3A_306 = arith.constant 8 : i32
        %eq3A_307 = arith.cmpi eq, %rem3A_276, %eq3A_306 : i32
        %jit3A_308 = arith.constant 20 : i32
        %div3A_309 = arith.divsi %add3A_274, %jit3A_308 : i32
        %sign3A_310 = arith.constant 0 : i32
        %sign3A_311 = arith.cmpi sgt, %add3A_274, %sign3A_310 : i32
        %sign3A_312 = arith.extui %sign3A_311 : i1 to i32
        %sign3A_313 = arith.constant 0 : i32
        %sign3A_314 = arith.cmpi slt, %add3A_274, %sign3A_313 : i32
        %sign3A_315 = arith.extui %sign3A_314 : i1 to i32
        %sign3A_316 = arith.subi %sign3A_312, %sign3A_315 : i32
        %sign3A_317 = arith.constant 0 : i32
        %sign3A_318 = arith.cmpi sgt, %jit3A_308, %sign3A_317 : i32
        %sign3A_319 = arith.extui %sign3A_318 : i1 to i32
        %sign3A_320 = arith.constant 0 : i32
        %sign3A_321 = arith.cmpi slt, %jit3A_308, %sign3A_320 : i32
        %sign3A_322 = arith.extui %sign3A_321 : i1 to i32
        %sign3A_323 = arith.subi %sign3A_319, %sign3A_322 : i32
        %ne3A_324 = arith.cmpi ne, %sign3A_316, %sign3A_323 : i32
        %rem3A_325 = arith.remsi %add3A_274, %jit3A_308 : i32
        %ne3A_326 = arith.constant 0 : i32
        %ne3A_327 = arith.cmpi ne, %rem3A_325, %ne3A_326 : i32
        %and3A_328 = arith.andi %ne3A_324, %ne3A_327 : i1
        %sub3A_329 = arith.constant 1 : i32
        %sub3A_330 = arith.subi %div3A_309, %sub3A_329 : i32
        %select_n3A_331 = arith.select %and3A_328, %sub3A_330, %div3A_309 : i32
        %lt3A_332 = arith.constant 24 : i32
        %lt3A_333 = arith.cmpi slt, %select_n3A_331, %lt3A_332 : i32
        %and3A_334 = arith.andi %eq3A_307, %lt3A_333 : i1
        %convert_element_type3A_335 = arith.extui %and3A_334 : i1 to i32
        %cond3A_336 = arith.constant 0 : i32
        %cond3A_337 = arith.cmpi ne, %convert_element_type3A_335, %cond3A_336 : i32
        scf.if %cond3A_337 {
          %jit3A_349 = arith.constant 20 : i32
          %div3A_350 = arith.divsi %add3A_274, %jit3A_349 : i32
          %sign3A_351 = arith.constant 0 : i32
          %sign3A_352 = arith.cmpi sgt, %add3A_274, %sign3A_351 : i32
          %sign3A_353 = arith.extui %sign3A_352 : i1 to i32
          %sign3A_354 = arith.constant 0 : i32
          %sign3A_355 = arith.cmpi slt, %add3A_274, %sign3A_354 : i32
          %sign3A_356 = arith.extui %sign3A_355 : i1 to i32
          %sign3A_357 = arith.subi %sign3A_353, %sign3A_356 : i32
          %sign3A_358 = arith.constant 0 : i32
          %sign3A_359 = arith.cmpi sgt, %jit3A_349, %sign3A_358 : i32
          %sign3A_360 = arith.extui %sign3A_359 : i1 to i32
          %sign3A_361 = arith.constant 0 : i32
          %sign3A_362 = arith.cmpi slt, %jit3A_349, %sign3A_361 : i32
          %sign3A_363 = arith.extui %sign3A_362 : i1 to i32
          %sign3A_364 = arith.subi %sign3A_360, %sign3A_363 : i32
          %ne3A_365 = arith.cmpi ne, %sign3A_357, %sign3A_364 : i32
          %rem3A_366 = arith.remsi %add3A_274, %jit3A_349 : i32
          %ne3A_367 = arith.constant 0 : i32
          %ne3A_368 = arith.cmpi ne, %rem3A_366, %ne3A_367 : i32
          %and3A_369 = arith.andi %ne3A_365, %ne3A_368 : i1
          %sub3A_370 = arith.constant 1 : i32
          %sub3A_371 = arith.subi %div3A_350, %sub3A_370 : i32
          %select_n3A_372 = arith.select %and3A_369, %sub3A_371, %div3A_350 : i32
          %add3A_373 = arith.constant 1 : i32
          %add3A_374 = arith.addi %select_n3A_372, %add3A_373 : i32
          %jit3A_375 = arith.constant 2 : i32
          %eq3A_376 = arith.constant 0 : i32
          %eq3A_377 = arith.cmpi eq, %jit3A_375, %eq3A_376 : i32
          %jit3A_378 = arith.constant 1 : i32
          %select_n3A_379 = arith.select %eq3A_377, %jit3A_378, %jit3A_375 : i32
          %rem3A_380 = arith.remsi %add3A_374, %select_n3A_379 : i32
          %ne3A_381 = arith.constant 0 : i32
          %ne3A_382 = arith.cmpi ne, %rem3A_380, %ne3A_381 : i32
          %lt3A_383 = arith.constant 0 : i32
          %lt3A_384 = arith.cmpi slt, %rem3A_380, %lt3A_383 : i32
          %lt3A_385 = arith.constant 0 : i32
          %lt3A_386 = arith.cmpi slt, %select_n3A_379, %lt3A_385 : i32
          %ne3A_387 = arith.xori %lt3A_384, %lt3A_386 : i1
          %and3A_388 = arith.andi %ne3A_387, %ne3A_382 : i1
          %add3A_389 = arith.addi %rem3A_380, %select_n3A_379 : i32
          %select_n3A_390 = arith.select %and3A_388, %add3A_389, %rem3A_380 : i32
          %mul3A_391 = arith.constant 800 : i32
          %mul3A_392 = arith.muli %select_n3A_390, %mul3A_391 : i32
          %mul3A_393 = arith.constant 800 : i32
          %mul3A_394 = arith.muli %add3A_374, %mul3A_393 : i32
          %add3A_395 = arith.addi %mul3A_18, %mul3A_394 : i32
          %dma_start3A_396 = tpu.memref_slice %arg11[%mul3A_392] : memref<1600xi32, #tpu.memory_space<vmem>> -> memref<800xi32, #tpu.memory_space<vmem>>
          %dma_start3A_397 = tpu.memref_slice %arg3[%add3A_395] : memref<320000xi32, #tpu.memory_space<hbm>> -> memref<800xi32, #tpu.memory_space<hbm>>
          %dma_start3A_398 = tpu.memref_slice %arg11[%mul3A_392] : memref<1600xi32, #tpu.memory_space<vmem>> -> memref<800xi32, #tpu.memory_space<vmem>>
          %dma_start3A_399 = tpu.memref_slice %arg3[%add3A_395] : memref<320000xi32, #tpu.memory_space<hbm>> -> memref<800xi32, #tpu.memory_space<hbm>>
          tpu.enqueue_dma source(%dma_start3A_399 : memref<800xi32, #tpu.memory_space<hbm>>) target(%dma_start3A_398 : memref<800xi32, #tpu.memory_space<vmem>>) target_semaphore(%arg26 : memref<!tpu.dma_semaphore, #tpu.memory_space<semaphore_mem>>)
          %mul3A_400 = arith.constant 800 : i32
          %mul3A_401 = arith.muli %add3A_374, %mul3A_400 : i32
          %add3A_402 = arith.addi %mul3A_18, %mul3A_401 : i32
          %dma_start3A_403 = tpu.memref_slice %arg12[%mul3A_392] : memref<1600xi32, #tpu.memory_space<vmem>> -> memref<800xi32, #tpu.memory_space<vmem>>
          %dma_start3A_404 = tpu.memref_slice %arg4[%add3A_402] : memref<320000xi32, #tpu.memory_space<hbm>> -> memref<800xi32, #tpu.memory_space<hbm>>
          %dma_start3A_405 = tpu.memref_slice %arg12[%mul3A_392] : memref<1600xi32, #tpu.memory_space<vmem>> -> memref<800xi32, #tpu.memory_space<vmem>>
          %dma_start3A_406 = tpu.memref_slice %arg4[%add3A_402] : memref<320000xi32, #tpu.memory_space<hbm>> -> memref<800xi32, #tpu.memory_space<hbm>>
          tpu.enqueue_dma source(%dma_start3A_406 : memref<800xi32, #tpu.memory_space<hbm>>) target(%dma_start3A_405 : memref<800xi32, #tpu.memory_space<vmem>>) target_semaphore(%arg26 : memref<!tpu.dma_semaphore, #tpu.memory_space<semaphore_mem>>)
        } else {
        }
        %mul3A_338 = arith.constant 8 : i32
        %mul3A_339 = arith.muli %scan3A_46, %mul3A_338 : i32
        %add3A_340 = arith.constant 7 : i32
        %add3A_341 = arith.addi %mul3A_339, %add3A_340 : i32
        %rem3A_342 = arith.constant 20 : i32
        %rem3A_343 = arith.remsi %add3A_341, %rem3A_342 : i32
        %lt3A_344 = arith.constant 500 : i32
        %lt3A_345 = arith.cmpi slt, %add3A_341, %lt3A_344 : i32
        %convert_element_type3A_346 = arith.extui %lt3A_345 : i1 to i32
        %cond3A_347 = arith.constant 0 : i32
        %cond3A_348 = arith.cmpi ne, %convert_element_type3A_346, %cond3A_347 : i32
        scf.if %cond3A_348 {
          %jit3A_349 = arith.constant 20 : i32
          %div3A_350 = arith.divsi %add3A_341, %jit3A_349 : i32
          %sign3A_351 = arith.constant 0 : i32
          %sign3A_352 = arith.cmpi sgt, %add3A_341, %sign3A_351 : i32
          %sign3A_353 = arith.extui %sign3A_352 : i1 to i32
          %sign3A_354 = arith.constant 0 : i32
          %sign3A_355 = arith.cmpi slt, %add3A_341, %sign3A_354 : i32
          %sign3A_356 = arith.extui %sign3A_355 : i1 to i32
          %sign3A_357 = arith.subi %sign3A_353, %sign3A_356 : i32
          %sign3A_358 = arith.constant 0 : i32
          %sign3A_359 = arith.cmpi sgt, %jit3A_349, %sign3A_358 : i32
          %sign3A_360 = arith.extui %sign3A_359 : i1 to i32
          %sign3A_361 = arith.constant 0 : i32
          %sign3A_362 = arith.cmpi slt, %jit3A_349, %sign3A_361 : i32
          %sign3A_363 = arith.extui %sign3A_362 : i1 to i32
          %sign3A_364 = arith.subi %sign3A_360, %sign3A_363 : i32
          %ne3A_365 = arith.cmpi ne, %sign3A_357, %sign3A_364 : i32
          %rem3A_366 = arith.remsi %add3A_341, %jit3A_349 : i32
          %ne3A_367 = arith.constant 0 : i32
          %ne3A_368 = arith.cmpi ne, %rem3A_366, %ne3A_367 : i32
          %and3A_369 = arith.andi %ne3A_365, %ne3A_368 : i1
          %sub3A_370 = arith.constant 1 : i32
          %sub3A_371 = arith.subi %div3A_350, %sub3A_370 : i32
          %select_n3A_372 = arith.select %and3A_369, %sub3A_371, %div3A_350 : i32
          %jit3A_373 = arith.constant 2 : i32
          %eq3A_374 = arith.constant 0 : i32
          %eq3A_375 = arith.cmpi eq, %jit3A_373, %eq3A_374 : i32
          %jit3A_376 = arith.constant 1 : i32
          %select_n3A_377 = arith.select %eq3A_375, %jit3A_376, %jit3A_373 : i32
          %rem3A_378 = arith.remsi %select_n3A_372, %select_n3A_377 : i32
          %ne3A_379 = arith.constant 0 : i32
          %ne3A_380 = arith.cmpi ne, %rem3A_378, %ne3A_379 : i32
          %lt3A_381 = arith.constant 0 : i32
          %lt3A_382 = arith.cmpi slt, %rem3A_378, %lt3A_381 : i32
          %lt3A_383 = arith.constant 0 : i32
          %lt3A_384 = arith.cmpi slt, %select_n3A_377, %lt3A_383 : i32
          %ne3A_385 = arith.xori %lt3A_382, %lt3A_384 : i1
          %and3A_386 = arith.andi %ne3A_385, %ne3A_380 : i1
          %add3A_387 = arith.addi %rem3A_378, %select_n3A_377 : i32
          %select_n3A_388 = arith.select %and3A_386, %add3A_387, %rem3A_378 : i32
          %mul3A_389 = arith.constant 800 : i32
          %mul3A_390 = arith.muli %select_n3A_388, %mul3A_389 : i32
          %mul3A_391 = arith.constant 20 : i32
          %mul3A_392 = arith.muli %select_n3A_372, %mul3A_391 : i32
          %sub3A_393 = arith.subi %add3A_341, %mul3A_392 : i32
          %mul3A_394 = arith.constant 40 : i32
          %mul3A_395 = arith.muli %sub3A_393, %mul3A_394 : i32
          %add3A_396 = arith.addi %mul3A_390, %mul3A_395 : i32
          %dma_start3A_397 = arith.constant 3 : i32
          %dma_start3A_398 = arith.constant 40 : i32
          %dma_start3A_399 = arith.constant 0 : i32
          %dma_start3A_400 = tpu.memref_slice %arg13[%dma_start3A_397, %dma_start3A_398, %dma_start3A_399] : memref<4x80x128xf32, #tpu.memory_space<vmem>> -> memref<1x40x128xf32, #tpu.memory_space<vmem>>
          %dma_start3A_401 = tpu.memref_squeeze %dma_start3A_400 : memref<1x40x128xf32, #tpu.memory_space<vmem>> -> memref<40x128xf32, #tpu.memory_space<vmem>>
          %dma_start3A_402 = tpu.memref_slice %arg11[%add3A_396] : memref<1600xi32, #tpu.memory_space<vmem>> -> memref<40xi32, #tpu.memory_space<vmem>>
          %dma_start3A_403 = arith.constant 0 : i32
          %dma_start3A_404 = arith.constant 0 : i32
          %dma_start3A_405 = tpu.memref_slice %arg2[%dma_start3A_403, %dma_start3A_404] : memref<10000x128xf32, #tpu.memory_space<hbm>> -> memref<10000x128xf32, #tpu.memory_space<hbm>>
          tpu.enqueue_indirect_dma source(%dma_start3A_405 : memref<10000x128xf32, #tpu.memory_space<hbm>>) target(%dma_start3A_401 : memref<40x128xf32, #tpu.memory_space<vmem>>) offsets(%dma_start3A_402 : memref<40xi32, #tpu.memory_space<vmem>>) semaphore(%arg21 : memref<!tpu.dma_semaphore, #tpu.memory_space<semaphore_mem>>)
        } else {
        }
      }
      %scan3A_38 = arith.constant 64 : i32
      %barrier3A_39 = arith.constant 0 : index
      tpu.barrier barrier_id(%barrier3A_39)
      %scan3A_40 = arith.constant 0 : i32
      %scan3A_41 = arith.constant 0 : i32
      %scan3A_42 = arith.constant 8 : i32
      %scan3A_43 = arith.addi %scan3A_41, %scan3A_42 : i32
      %scan3A_44 = arith.constant 1 : i32
      scf.for %scan3A_46 = %scan3A_41 to %scan3A_43 step %scan3A_44  : i32 {
        %mul3A_47 = arith.constant 16 : i32
        %mul3A_48 = arith.muli %scan3A_46, %mul3A_47 : i32
        %add3A_49 = arith.addi %arg1, %mul3A_48 : i32
        %lt3A = arith.constant 125 : i32
        %lt3A_50 = arith.cmpi slt, %add3A_49, %lt3A : i32
        %convert_element_type3A_51 = arith.extui %lt3A_50 : i1 to i32
        %cond3A_52 = arith.constant 0 : i32
        %cond3A_53 = arith.cmpi ne, %convert_element_type3A_51, %cond3A_52 : i32
        scf.if %cond3A_53 {
          %mul3A_54 = arith.constant 80 : i32
          %mul3A_55 = arith.muli %add3A_49, %mul3A_54 : i32
          "tpu.region"() ({
            %run_scoped3A = tpu.sem_alloc : memref<!tpu.dma_semaphore, #tpu.memory_space<semaphore_mem>>
            %dma_start3A_56 = arith.constant 0 : i32
            %dma_start3A_57 = tpu.memref_slice %arg8[%mul3A_55, %dma_start3A_56] : memref<10000x128xf32, #tpu.memory_space<hbm>> -> memref<80x128xf32, #tpu.memory_space<hbm>>
            %dma_start3A_58 = arith.constant 0 : i32
            %dma_start3A_59 = tpu.memref_slice %arg10[%mul3A_55, %dma_start3A_58] : memref<10000x128xf32, #tpu.memory_space<vmem_shared>> -> memref<80x128xf32, #tpu.memory_space<vmem_shared>>
            tpu.enqueue_dma source(%dma_start3A_59 : memref<80x128xf32, #tpu.memory_space<vmem_shared>>) target(%dma_start3A_57 : memref<80x128xf32, #tpu.memory_space<hbm>>) target_semaphore(%run_scoped3A : memref<!tpu.dma_semaphore, #tpu.memory_space<semaphore_mem>>)
            %dma_wait3A = arith.constant 0 : i32
            %dma_wait3A_60 = tpu.memref_slice %arg8[%mul3A_55, %dma_wait3A] : memref<10000x128xf32, #tpu.memory_space<hbm>> -> memref<80x128xf32, #tpu.memory_space<hbm>>
            %dma_wait3A_61 = arith.constant 0 : i32
            %dma_wait3A_62 = tpu.memref_slice %arg10[%mul3A_55, %dma_wait3A_61] : memref<10000x128xf32, #tpu.memory_space<vmem_shared>> -> memref<80x128xf32, #tpu.memory_space<vmem_shared>>
            tpu.wait_dma2 semaphore(%run_scoped3A : memref<!tpu.dma_semaphore, #tpu.memory_space<semaphore_mem>>) src(%dma_wait3A_62 : memref<80x128xf32, #tpu.memory_space<vmem_shared>>) dst(%dma_wait3A_60 : memref<80x128xf32, #tpu.memory_space<hbm>>)
            tpu.yield
          }) : () -> ()
        } else {
        }
      }
      %scan3A_45 = arith.constant 8 : i32
    } else {
    }
    %eq3A_13 = arith.constant 1 : i32
    %eq3A_14 = arith.cmpi eq, %arg0, %eq3A_13 : i32
    %convert_element_type3A_15 = arith.extui %eq3A_14 : i1 to i32
    %cond3A_16 = arith.constant 0 : i32
    %cond3A_17 = arith.cmpi ne, %convert_element_type3A_15, %cond3A_16 : i32
    scf.if %cond3A_17 {
      %mul3A = arith.constant 20000 : i32
      %mul3A_18 = arith.muli %arg1, %mul3A : i32
      %add3A = arith.constant 0 : i32
      %add3A_19 = arith.addi %mul3A_18, %add3A : i32
      %dma_start3A = arith.constant 0 : i32
      %dma_start3A_20 = tpu.memref_slice %arg11[%dma_start3A] : memref<1600xi32, #tpu.memory_space<vmem>> -> memref<800xi32, #tpu.memory_space<vmem>>
      %dma_start3A_21 = tpu.memref_slice %arg5[%add3A_19] : memref<320000xi32, #tpu.memory_space<hbm>> -> memref<800xi32, #tpu.memory_space<hbm>>
      %dma_start3A_22 = arith.constant 0 : i32
      %dma_start3A_23 = tpu.memref_slice %arg11[%dma_start3A_22] : memref<1600xi32, #tpu.memory_space<vmem>> -> memref<800xi32, #tpu.memory_space<vmem>>
      %dma_start3A_24 = tpu.memref_slice %arg5[%add3A_19] : memref<320000xi32, #tpu.memory_space<hbm>> -> memref<800xi32, #tpu.memory_space<hbm>>
      tpu.enqueue_dma source(%dma_start3A_24 : memref<800xi32, #tpu.memory_space<hbm>>) target(%dma_start3A_23 : memref<800xi32, #tpu.memory_space<vmem>>) target_semaphore(%arg26 : memref<!tpu.dma_semaphore, #tpu.memory_space<semaphore_mem>>)
      %add3A_25 = arith.constant 0 : i32
      %add3A_26 = arith.addi %mul3A_18, %add3A_25 : i32
      %dma_start3A_27 = arith.constant 0 : i32
      %dma_start3A_28 = tpu.memref_slice %arg12[%dma_start3A_27] : memref<1600xi32, #tpu.memory_space<vmem>> -> memref<800xi32, #tpu.memory_space<vmem>>
      %dma_start3A_29 = tpu.memref_slice %arg6[%add3A_26] : memref<320000xi32, #tpu.memory_space<hbm>> -> memref<800xi32, #tpu.memory_space<hbm>>
      %dma_start3A_30 = arith.constant 0 : i32
      %dma_start3A_31 = tpu.memref_slice %arg12[%dma_start3A_30] : memref<1600xi32, #tpu.memory_space<vmem>> -> memref<800xi32, #tpu.memory_space<vmem>>
      %dma_start3A_32 = tpu.memref_slice %arg6[%add3A_26] : memref<320000xi32, #tpu.memory_space<hbm>> -> memref<800xi32, #tpu.memory_space<hbm>>
      tpu.enqueue_dma source(%dma_start3A_32 : memref<800xi32, #tpu.memory_space<hbm>>) target(%dma_start3A_31 : memref<800xi32, #tpu.memory_space<vmem>>) target_semaphore(%arg26 : memref<!tpu.dma_semaphore, #tpu.memory_space<semaphore_mem>>)
      %scan3A_33 = arith.constant 0 : i32
      %scan3A_34 = arith.constant 0 : i32
      %scan3A_35 = arith.constant 64 : i32
      %scan3A_36 = arith.addi %scan3A_34, %scan3A_35 : i32
      %scan3A_37 = arith.constant 1 : i32
      scf.for %scan3A_46 = %scan3A_34 to %scan3A_36 step %scan3A_37  : i32 {
        %mul3A_47 = arith.constant 8 : i32
        %mul3A_48 = arith.muli %scan3A_46, %mul3A_47 : i32
        %add3A_49 = arith.constant 0 : i32
        %add3A_50 = arith.addi %mul3A_48, %add3A_49 : i32
        %rem3A = arith.constant 20 : i32
        %rem3A_51 = arith.remsi %add3A_50, %rem3A : i32
        %eq3A_52 = arith.constant 0 : i32
        %eq3A_53 = arith.cmpi eq, %rem3A_51, %eq3A_52 : i32
        %lt3A = arith.constant 500 : i32
        %lt3A_54 = arith.cmpi slt, %add3A_50, %lt3A : i32
        %and3A = arith.andi %eq3A_53, %lt3A_54 : i1
        %convert_element_type3A_55 = arith.extui %and3A : i1 to i32
        %cond3A_56 = arith.constant 0 : i32
        %cond3A_57 = arith.cmpi ne, %convert_element_type3A_55, %cond3A_56 : i32
        scf.if %cond3A_57 {
          %dma_wait3A = arith.constant 0 : i32
          %dma_wait3A_349 = tpu.memref_slice %arg11[%dma_wait3A] : memref<1600xi32, #tpu.memory_space<vmem>> -> memref<800xi32, #tpu.memory_space<vmem>>
          %dma_wait3A_350 = tpu.memref_slice %arg5[%mul3A_18] : memref<320000xi32, #tpu.memory_space<hbm>> -> memref<800xi32, #tpu.memory_space<hbm>>
          %dma_wait3A_351 = arith.constant 0 : i32
          %dma_wait3A_352 = tpu.memref_slice %arg11[%dma_wait3A_351] : memref<1600xi32, #tpu.memory_space<vmem>> -> memref<800xi32, #tpu.memory_space<vmem>>
          %dma_wait3A_353 = tpu.memref_slice %arg5[%mul3A_18] : memref<320000xi32, #tpu.memory_space<hbm>> -> memref<800xi32, #tpu.memory_space<hbm>>
          tpu.wait_dma2 semaphore(%arg26 : memref<!tpu.dma_semaphore, #tpu.memory_space<semaphore_mem>>) src(%dma_wait3A_353 : memref<800xi32, #tpu.memory_space<hbm>>) dst(%dma_wait3A_352 : memref<800xi32, #tpu.memory_space<vmem>>)
          %dma_wait3A_354 = arith.constant 0 : i32
          %dma_wait3A_355 = tpu.memref_slice %arg11[%dma_wait3A_354] : memref<1600xi32, #tpu.memory_space<vmem>> -> memref<800xi32, #tpu.memory_space<vmem>>
          %dma_wait3A_356 = tpu.memref_slice %arg5[%mul3A_18] : memref<320000xi32, #tpu.memory_space<hbm>> -> memref<800xi32, #tpu.memory_space<hbm>>
          %dma_wait3A_357 = arith.constant 0 : i32
          %dma_wait3A_358 = tpu.memref_slice %arg11[%dma_wait3A_357] : memref<1600xi32, #tpu.memory_space<vmem>> -> memref<800xi32, #tpu.memory_space<vmem>>
          %dma_wait3A_359 = tpu.memref_slice %arg5[%mul3A_18] : memref<320000xi32, #tpu.memory_space<hbm>> -> memref<800xi32, #tpu.memory_space<hbm>>
          tpu.wait_dma2 semaphore(%arg26 : memref<!tpu.dma_semaphore, #tpu.memory_space<semaphore_mem>>) src(%dma_wait3A_359 : memref<800xi32, #tpu.memory_space<hbm>>) dst(%dma_wait3A_358 : memref<800xi32, #tpu.memory_space<vmem>>)
        } else {
        }
        %ge3A = arith.constant 8 : i32
        %ge3A_58 = arith.cmpi sge, %add3A_50, %ge3A : i32
        %lt3A_59 = arith.constant 508 : i32
        %lt3A_60 = arith.cmpi slt, %add3A_50, %lt3A_59 : i32
        %and3A_61 = arith.andi %ge3A_58, %lt3A_60 : i1
        %convert_element_type3A_62 = arith.extui %and3A_61 : i1 to i32
        %cond3A_63 = arith.constant 0 : i32
        %cond3A_64 = arith.cmpi ne, %convert_element_type3A_62, %cond3A_63 : i32
        scf.if %cond3A_64 {
          %dma_wait3A = arith.constant 0 : i32
          %dma_wait3A_349 = arith.constant 0 : i32
          %dma_wait3A_350 = arith.constant 0 : i32
          %dma_wait3A_351 = tpu.memref_slice %arg13[%dma_wait3A, %dma_wait3A_349, %dma_wait3A_350] : memref<4x80x128xf32, #tpu.memory_space<vmem>> -> memref<1x80x128xf32, #tpu.memory_space<vmem>>
          %dma_wait3A_352 = tpu.memref_squeeze %dma_wait3A_351 : memref<1x80x128xf32, #tpu.memory_space<vmem>> -> memref<80x128xf32, #tpu.memory_space<vmem>>
          %dma_wait3A_353 = arith.constant 0 : i32
          %dma_wait3A_354 = tpu.memref_slice %arg12[%dma_wait3A_353] : memref<1600xi32, #tpu.memory_space<vmem>> -> memref<80xi32, #tpu.memory_space<vmem>>
          %dma_wait3A_355 = arith.constant 0 : i32
          %dma_wait3A_356 = arith.constant 0 : i32
          %dma_wait3A_357 = tpu.memref_slice %arg10[%dma_wait3A_355, %dma_wait3A_356] : memref<10000x128xf32, #tpu.memory_space<vmem_shared>> -> memref<10000x128xf32, #tpu.memory_space<vmem_shared>>
          tpu.wait_indirect_dma semaphore(%arg22 : memref<!tpu.dma_semaphore, #tpu.memory_space<semaphore_mem>>) src(%dma_wait3A_352 : memref<80x128xf32, #tpu.memory_space<vmem>>) dst(%dma_wait3A_357 : memref<10000x128xf32, #tpu.memory_space<vmem_shared>>)
        } else {
        }
        %lt3A_65 = arith.constant 500 : i32
        %lt3A_66 = arith.cmpi slt, %add3A_50, %lt3A_65 : i32
        %convert_element_type3A_67 = arith.extui %lt3A_66 : i1 to i32
        %cond3A_68 = arith.constant 0 : i32
        %cond3A_69 = arith.cmpi ne, %convert_element_type3A_67, %cond3A_68 : i32
        scf.if %cond3A_69 {
          %jit3A_349 = arith.constant 20 : i32
          %div3A_350 = arith.divsi %add3A_50, %jit3A_349 : i32
          %sign3A_351 = arith.constant 0 : i32
          %sign3A_352 = arith.cmpi sgt, %add3A_50, %sign3A_351 : i32
          %sign3A_353 = arith.extui %sign3A_352 : i1 to i32
          %sign3A_354 = arith.constant 0 : i32
          %sign3A_355 = arith.cmpi slt, %add3A_50, %sign3A_354 : i32
          %sign3A_356 = arith.extui %sign3A_355 : i1 to i32
          %sign3A_357 = arith.subi %sign3A_353, %sign3A_356 : i32
          %sign3A_358 = arith.constant 0 : i32
          %sign3A_359 = arith.cmpi sgt, %jit3A_349, %sign3A_358 : i32
          %sign3A_360 = arith.extui %sign3A_359 : i1 to i32
          %sign3A_361 = arith.constant 0 : i32
          %sign3A_362 = arith.cmpi slt, %jit3A_349, %sign3A_361 : i32
          %sign3A_363 = arith.extui %sign3A_362 : i1 to i32
          %sign3A_364 = arith.subi %sign3A_360, %sign3A_363 : i32
          %ne3A_365 = arith.cmpi ne, %sign3A_357, %sign3A_364 : i32
          %rem3A_366 = arith.remsi %add3A_50, %jit3A_349 : i32
          %ne3A_367 = arith.constant 0 : i32
          %ne3A_368 = arith.cmpi ne, %rem3A_366, %ne3A_367 : i32
          %and3A_369 = arith.andi %ne3A_365, %ne3A_368 : i1
          %sub3A_370 = arith.constant 1 : i32
          %sub3A_371 = arith.subi %div3A_350, %sub3A_370 : i32
          %select_n3A_372 = arith.select %and3A_369, %sub3A_371, %div3A_350 : i32
          %jit3A_373 = arith.constant 2 : i32
          %eq3A_374 = arith.constant 0 : i32
          %eq3A_375 = arith.cmpi eq, %jit3A_373, %eq3A_374 : i32
          %jit3A_376 = arith.constant 1 : i32
          %select_n3A_377 = arith.select %eq3A_375, %jit3A_376, %jit3A_373 : i32
          %rem3A_378 = arith.remsi %select_n3A_372, %select_n3A_377 : i32
          %ne3A_379 = arith.constant 0 : i32
          %ne3A_380 = arith.cmpi ne, %rem3A_378, %ne3A_379 : i32
          %lt3A_381 = arith.constant 0 : i32
          %lt3A_382 = arith.cmpi slt, %rem3A_378, %lt3A_381 : i32
          %lt3A_383 = arith.constant 0 : i32
          %lt3A_384 = arith.cmpi slt, %select_n3A_377, %lt3A_383 : i32
          %ne3A_385 = arith.xori %lt3A_382, %lt3A_384 : i1
          %and3A_386 = arith.andi %ne3A_385, %ne3A_380 : i1
          %add3A_387 = arith.addi %rem3A_378, %select_n3A_377 : i32
          %select_n3A_388 = arith.select %and3A_386, %add3A_387, %rem3A_378 : i32
          %mul3A_389 = arith.constant 800 : i32
          %mul3A_390 = arith.muli %select_n3A_388, %mul3A_389 : i32
          %mul3A_391 = arith.constant 20 : i32
          %mul3A_392 = arith.muli %select_n3A_372, %mul3A_391 : i32
          %sub3A_393 = arith.subi %add3A_50, %mul3A_392 : i32
          %mul3A_394 = arith.constant 40 : i32
          %mul3A_395 = arith.muli %sub3A_393, %mul3A_394 : i32
          %add3A_396 = arith.addi %mul3A_390, %mul3A_395 : i32
          %dma_start3A_397 = arith.constant 0 : i32
          %dma_start3A_398 = arith.constant 0 : i32
          %dma_start3A_399 = arith.constant 0 : i32
          %dma_start3A_400 = tpu.memref_slice %arg13[%dma_start3A_397, %dma_start3A_398, %dma_start3A_399] : memref<4x80x128xf32, #tpu.memory_space<vmem>> -> memref<1x40x128xf32, #tpu.memory_space<vmem>>
          %dma_start3A_401 = tpu.memref_squeeze %dma_start3A_400 : memref<1x40x128xf32, #tpu.memory_space<vmem>> -> memref<40x128xf32, #tpu.memory_space<vmem>>
          %dma_start3A_402 = tpu.memref_slice %arg11[%add3A_396] : memref<1600xi32, #tpu.memory_space<vmem>> -> memref<40xi32, #tpu.memory_space<vmem>>
          %dma_start3A_403 = arith.constant 0 : i32
          %dma_start3A_404 = arith.constant 0 : i32
          %dma_start3A_405 = tpu.memref_slice %arg2[%dma_start3A_403, %dma_start3A_404] : memref<10000x128xf32, #tpu.memory_space<hbm>> -> memref<10000x128xf32, #tpu.memory_space<hbm>>
          tpu.enqueue_indirect_dma source(%dma_start3A_405 : memref<10000x128xf32, #tpu.memory_space<hbm>>) target(%dma_start3A_401 : memref<40x128xf32, #tpu.memory_space<vmem>>) offsets(%dma_start3A_402 : memref<40xi32, #tpu.memory_space<vmem>>) semaphore(%arg14 : memref<!tpu.dma_semaphore, #tpu.memory_space<semaphore_mem>>)
        } else {
        }
        %ge3A_70 = arith.constant 6 : i32
        %ge3A_71 = arith.cmpi sge, %add3A_50, %ge3A_70 : i32
        %lt3A_72 = arith.constant 506 : i32
        %lt3A_73 = arith.cmpi slt, %add3A_50, %lt3A_72 : i32
        %and3A_74 = arith.andi %ge3A_71, %lt3A_73 : i1
        %convert_element_type3A_75 = arith.extui %and3A_74 : i1 to i32
        %cond3A_76 = arith.constant 0 : i32
        %cond3A_77 = arith.cmpi ne, %convert_element_type3A_75, %cond3A_76 : i32
        scf.if %cond3A_77 {
          %dma_wait3A = arith.constant 0 : i32
          %dma_wait3A_349 = arith.constant 0 : i32
          %dma_wait3A_350 = arith.constant 0 : i32
          %dma_wait3A_351 = tpu.memref_slice %arg13[%dma_wait3A, %dma_wait3A_349, %dma_wait3A_350] : memref<4x80x128xf32, #tpu.memory_space<vmem>> -> memref<1x40x128xf32, #tpu.memory_space<vmem>>
          %dma_wait3A_352 = tpu.memref_squeeze %dma_wait3A_351 : memref<1x40x128xf32, #tpu.memory_space<vmem>> -> memref<40x128xf32, #tpu.memory_space<vmem>>
          %dma_wait3A_353 = arith.constant 0 : i32
          %dma_wait3A_354 = tpu.memref_slice %arg11[%dma_wait3A_353] : memref<1600xi32, #tpu.memory_space<vmem>> -> memref<40xi32, #tpu.memory_space<vmem>>
          %dma_wait3A_355 = arith.constant 0 : i32
          %dma_wait3A_356 = arith.constant 0 : i32
          %dma_wait3A_357 = tpu.memref_slice %arg2[%dma_wait3A_355, %dma_wait3A_356] : memref<10000x128xf32, #tpu.memory_space<hbm>> -> memref<10000x128xf32, #tpu.memory_space<hbm>>
          tpu.wait_indirect_dma semaphore(%arg16 : memref<!tpu.dma_semaphore, #tpu.memory_space<semaphore_mem>>) src(%dma_wait3A_357 : memref<10000x128xf32, #tpu.memory_space<hbm>>) dst(%dma_wait3A_352 : memref<40x128xf32, #tpu.memory_space<vmem>>)
          %dma_wait3A_358 = arith.constant 0 : i32
          %dma_wait3A_359 = arith.constant 0 : i32
          %dma_wait3A_360 = arith.constant 0 : i32
          %dma_wait3A_361 = tpu.memref_slice %arg13[%dma_wait3A_358, %dma_wait3A_359, %dma_wait3A_360] : memref<4x80x128xf32, #tpu.memory_space<vmem>> -> memref<1x40x128xf32, #tpu.memory_space<vmem>>
          %dma_wait3A_362 = tpu.memref_squeeze %dma_wait3A_361 : memref<1x40x128xf32, #tpu.memory_space<vmem>> -> memref<40x128xf32, #tpu.memory_space<vmem>>
          %dma_wait3A_363 = arith.constant 0 : i32
          %dma_wait3A_364 = tpu.memref_slice %arg11[%dma_wait3A_363] : memref<1600xi32, #tpu.memory_space<vmem>> -> memref<40xi32, #tpu.memory_space<vmem>>
          %dma_wait3A_365 = arith.constant 0 : i32
          %dma_wait3A_366 = arith.constant 0 : i32
          %dma_wait3A_367 = tpu.memref_slice %arg2[%dma_wait3A_365, %dma_wait3A_366] : memref<10000x128xf32, #tpu.memory_space<hbm>> -> memref<10000x128xf32, #tpu.memory_space<hbm>>
          tpu.wait_indirect_dma semaphore(%arg17 : memref<!tpu.dma_semaphore, #tpu.memory_space<semaphore_mem>>) src(%dma_wait3A_367 : memref<10000x128xf32, #tpu.memory_space<hbm>>) dst(%dma_wait3A_362 : memref<40x128xf32, #tpu.memory_space<vmem>>)
          %sub3A_368 = arith.constant 6 : i32
          %sub3A_369 = arith.subi %add3A_50, %sub3A_368 : i32
          %jit3A_370 = arith.constant 20 : i32
          %div3A_371 = arith.divsi %sub3A_369, %jit3A_370 : i32
          %sign3A_372 = arith.constant 0 : i32
          %sign3A_373 = arith.cmpi sgt, %sub3A_369, %sign3A_372 : i32
          %sign3A_374 = arith.extui %sign3A_373 : i1 to i32
          %sign3A_375 = arith.constant 0 : i32
          %sign3A_376 = arith.cmpi slt, %sub3A_369, %sign3A_375 : i32
          %sign3A_377 = arith.extui %sign3A_376 : i1 to i32
          %sign3A_378 = arith.subi %sign3A_374, %sign3A_377 : i32
          %sign3A_379 = arith.constant 0 : i32
          %sign3A_380 = arith.cmpi sgt, %jit3A_370, %sign3A_379 : i32
          %sign3A_381 = arith.extui %sign3A_380 : i1 to i32
          %sign3A_382 = arith.constant 0 : i32
          %sign3A_383 = arith.cmpi slt, %jit3A_370, %sign3A_382 : i32
          %sign3A_384 = arith.extui %sign3A_383 : i1 to i32
          %sign3A_385 = arith.subi %sign3A_381, %sign3A_384 : i32
          %ne3A_386 = arith.cmpi ne, %sign3A_378, %sign3A_385 : i32
          %rem3A_387 = arith.remsi %sub3A_369, %jit3A_370 : i32
          %ne3A_388 = arith.constant 0 : i32
          %ne3A_389 = arith.cmpi ne, %rem3A_387, %ne3A_388 : i32
          %and3A_390 = arith.andi %ne3A_386, %ne3A_389 : i1
          %sub3A_391 = arith.constant 1 : i32
          %sub3A_392 = arith.subi %div3A_371, %sub3A_391 : i32
          %select_n3A_393 = arith.select %and3A_390, %sub3A_392, %div3A_371 : i32
          %jit3A_394 = arith.constant 2 : i32
          %eq3A_395 = arith.constant 0 : i32
          %eq3A_396 = arith.cmpi eq, %jit3A_394, %eq3A_395 : i32
          %jit3A_397 = arith.constant 1 : i32
          %select_n3A_398 = arith.select %eq3A_396, %jit3A_397, %jit3A_394 : i32
          %rem3A_399 = arith.remsi %select_n3A_393, %select_n3A_398 : i32
          %ne3A_400 = arith.constant 0 : i32
          %ne3A_401 = arith.cmpi ne, %rem3A_399, %ne3A_400 : i32
          %lt3A_402 = arith.constant 0 : i32
          %lt3A_403 = arith.cmpi slt, %rem3A_399, %lt3A_402 : i32
          %lt3A_404 = arith.constant 0 : i32
          %lt3A_405 = arith.cmpi slt, %select_n3A_398, %lt3A_404 : i32
          %ne3A_406 = arith.xori %lt3A_403, %lt3A_405 : i1
          %and3A_407 = arith.andi %ne3A_406, %ne3A_401 : i1
          %add3A_408 = arith.addi %rem3A_399, %select_n3A_398 : i32
          %select_n3A_409 = arith.select %and3A_407, %add3A_408, %rem3A_399 : i32
          %mul3A_410 = arith.constant 800 : i32
          %mul3A_411 = arith.muli %select_n3A_409, %mul3A_410 : i32
          %mul3A_412 = arith.constant 20 : i32
          %mul3A_413 = arith.muli %select_n3A_393, %mul3A_412 : i32
          %sub3A_414 = arith.subi %sub3A_369, %mul3A_413 : i32
          %mul3A_415 = arith.constant 40 : i32
          %mul3A_416 = arith.muli %sub3A_414, %mul3A_415 : i32
          %add3A_417 = arith.addi %mul3A_411, %mul3A_416 : i32
          %dma_start3A_418 = arith.constant 1 : i32
          %dma_start3A_419 = arith.constant 0 : i32
          %dma_start3A_420 = arith.constant 0 : i32
          %dma_start3A_421 = tpu.memref_slice %arg13[%dma_start3A_418, %dma_start3A_419, %dma_start3A_420] : memref<4x80x128xf32, #tpu.memory_space<vmem>> -> memref<1x80x128xf32, #tpu.memory_space<vmem>>
          %dma_start3A_422 = tpu.memref_squeeze %dma_start3A_421 : memref<1x80x128xf32, #tpu.memory_space<vmem>> -> memref<80x128xf32, #tpu.memory_space<vmem>>
          %dma_start3A_423 = tpu.memref_slice %arg12[%add3A_417] : memref<1600xi32, #tpu.memory_space<vmem>> -> memref<80xi32, #tpu.memory_space<vmem>>
          %dma_start3A_424 = arith.constant 0 : i32
          %dma_start3A_425 = arith.constant 0 : i32
          %dma_start3A_426 = tpu.memref_slice %arg10[%dma_start3A_424, %dma_start3A_425] : memref<10000x128xf32, #tpu.memory_space<vmem_shared>> -> memref<10000x128xf32, #tpu.memory_space<vmem_shared>>
          tpu.enqueue_indirect_dma source(%dma_start3A_422 : memref<80x128xf32, #tpu.memory_space<vmem>>) target(%dma_start3A_426 : memref<10000x128xf32, #tpu.memory_space<vmem_shared>>) offsets(%dma_start3A_423 : memref<80xi32, #tpu.memory_space<vmem>>) semaphore(%arg23 : memref<!tpu.dma_semaphore, #tpu.memory_space<semaphore_mem>>) {add = true}
        } else {
        }
        %eq3A_78 = arith.constant 8 : i32
        %eq3A_79 = arith.cmpi eq, %rem3A_51, %eq3A_78 : i32
        %jit3A = arith.constant 20 : i32
        %div3A = arith.divsi %add3A_50, %jit3A : i32
        %sign3A = arith.constant 0 : i32
        %sign3A_80 = arith.cmpi sgt, %add3A_50, %sign3A : i32
        %sign3A_81 = arith.extui %sign3A_80 : i1 to i32
        %sign3A_82 = arith.constant 0 : i32
        %sign3A_83 = arith.cmpi slt, %add3A_50, %sign3A_82 : i32
        %sign3A_84 = arith.extui %sign3A_83 : i1 to i32
        %sign3A_85 = arith.subi %sign3A_81, %sign3A_84 : i32
        %sign3A_86 = arith.constant 0 : i32
        %sign3A_87 = arith.cmpi sgt, %jit3A, %sign3A_86 : i32
        %sign3A_88 = arith.extui %sign3A_87 : i1 to i32
        %sign3A_89 = arith.constant 0 : i32
        %sign3A_90 = arith.cmpi slt, %jit3A, %sign3A_89 : i32
        %sign3A_91 = arith.extui %sign3A_90 : i1 to i32
        %sign3A_92 = arith.subi %sign3A_88, %sign3A_91 : i32
        %ne3A = arith.cmpi ne, %sign3A_85, %sign3A_92 : i32
        %rem3A_93 = arith.remsi %add3A_50, %jit3A : i32
        %ne3A_94 = arith.constant 0 : i32
        %ne3A_95 = arith.cmpi ne, %rem3A_93, %ne3A_94 : i32
        %and3A_96 = arith.andi %ne3A, %ne3A_95 : i1
        %sub3A = arith.constant 1 : i32
        %sub3A_97 = arith.subi %div3A, %sub3A : i32
        %select_n3A = arith.select %and3A_96, %sub3A_97, %div3A : i32
        %lt3A_98 = arith.constant 24 : i32
        %lt3A_99 = arith.cmpi slt, %select_n3A, %lt3A_98 : i32
        %and3A_100 = arith.andi %eq3A_79, %lt3A_99 : i1
        %convert_element_type3A_101 = arith.extui %and3A_100 : i1 to i32
        %cond3A_102 = arith.constant 0 : i32
        %cond3A_103 = arith.cmpi ne, %convert_element_type3A_101, %cond3A_102 : i32
        scf.if %cond3A_103 {
          %jit3A_349 = arith.constant 20 : i32
          %div3A_350 = arith.divsi %add3A_50, %jit3A_349 : i32
          %sign3A_351 = arith.constant 0 : i32
          %sign3A_352 = arith.cmpi sgt, %add3A_50, %sign3A_351 : i32
          %sign3A_353 = arith.extui %sign3A_352 : i1 to i32
          %sign3A_354 = arith.constant 0 : i32
          %sign3A_355 = arith.cmpi slt, %add3A_50, %sign3A_354 : i32
          %sign3A_356 = arith.extui %sign3A_355 : i1 to i32
          %sign3A_357 = arith.subi %sign3A_353, %sign3A_356 : i32
          %sign3A_358 = arith.constant 0 : i32
          %sign3A_359 = arith.cmpi sgt, %jit3A_349, %sign3A_358 : i32
          %sign3A_360 = arith.extui %sign3A_359 : i1 to i32
          %sign3A_361 = arith.constant 0 : i32
          %sign3A_362 = arith.cmpi slt, %jit3A_349, %sign3A_361 : i32
          %sign3A_363 = arith.extui %sign3A_362 : i1 to i32
          %sign3A_364 = arith.subi %sign3A_360, %sign3A_363 : i32
          %ne3A_365 = arith.cmpi ne, %sign3A_357, %sign3A_364 : i32
          %rem3A_366 = arith.remsi %add3A_50, %jit3A_349 : i32
          %ne3A_367 = arith.constant 0 : i32
          %ne3A_368 = arith.cmpi ne, %rem3A_366, %ne3A_367 : i32
          %and3A_369 = arith.andi %ne3A_365, %ne3A_368 : i1
          %sub3A_370 = arith.constant 1 : i32
          %sub3A_371 = arith.subi %div3A_350, %sub3A_370 : i32
          %select_n3A_372 = arith.select %and3A_369, %sub3A_371, %div3A_350 : i32
          %add3A_373 = arith.constant 1 : i32
          %add3A_374 = arith.addi %select_n3A_372, %add3A_373 : i32
          %jit3A_375 = arith.constant 2 : i32
          %eq3A_376 = arith.constant 0 : i32
          %eq3A_377 = arith.cmpi eq, %jit3A_375, %eq3A_376 : i32
          %jit3A_378 = arith.constant 1 : i32
          %select_n3A_379 = arith.select %eq3A_377, %jit3A_378, %jit3A_375 : i32
          %rem3A_380 = arith.remsi %add3A_374, %select_n3A_379 : i32
          %ne3A_381 = arith.constant 0 : i32
          %ne3A_382 = arith.cmpi ne, %rem3A_380, %ne3A_381 : i32
          %lt3A_383 = arith.constant 0 : i32
          %lt3A_384 = arith.cmpi slt, %rem3A_380, %lt3A_383 : i32
          %lt3A_385 = arith.constant 0 : i32
          %lt3A_386 = arith.cmpi slt, %select_n3A_379, %lt3A_385 : i32
          %ne3A_387 = arith.xori %lt3A_384, %lt3A_386 : i1
          %and3A_388 = arith.andi %ne3A_387, %ne3A_382 : i1
          %add3A_389 = arith.addi %rem3A_380, %select_n3A_379 : i32
          %select_n3A_390 = arith.select %and3A_388, %add3A_389, %rem3A_380 : i32
          %mul3A_391 = arith.constant 800 : i32
          %mul3A_392 = arith.muli %select_n3A_390, %mul3A_391 : i32
          %mul3A_393 = arith.constant 800 : i32
          %mul3A_394 = arith.muli %add3A_374, %mul3A_393 : i32
          %add3A_395 = arith.addi %mul3A_18, %mul3A_394 : i32
          %dma_start3A_396 = tpu.memref_slice %arg11[%mul3A_392] : memref<1600xi32, #tpu.memory_space<vmem>> -> memref<800xi32, #tpu.memory_space<vmem>>
          %dma_start3A_397 = tpu.memref_slice %arg5[%add3A_395] : memref<320000xi32, #tpu.memory_space<hbm>> -> memref<800xi32, #tpu.memory_space<hbm>>
          %dma_start3A_398 = tpu.memref_slice %arg11[%mul3A_392] : memref<1600xi32, #tpu.memory_space<vmem>> -> memref<800xi32, #tpu.memory_space<vmem>>
          %dma_start3A_399 = tpu.memref_slice %arg5[%add3A_395] : memref<320000xi32, #tpu.memory_space<hbm>> -> memref<800xi32, #tpu.memory_space<hbm>>
          tpu.enqueue_dma source(%dma_start3A_399 : memref<800xi32, #tpu.memory_space<hbm>>) target(%dma_start3A_398 : memref<800xi32, #tpu.memory_space<vmem>>) target_semaphore(%arg26 : memref<!tpu.dma_semaphore, #tpu.memory_space<semaphore_mem>>)
          %mul3A_400 = arith.constant 800 : i32
          %mul3A_401 = arith.muli %add3A_374, %mul3A_400 : i32
          %add3A_402 = arith.addi %mul3A_18, %mul3A_401 : i32
          %dma_start3A_403 = tpu.memref_slice %arg12[%mul3A_392] : memref<1600xi32, #tpu.memory_space<vmem>> -> memref<800xi32, #tpu.memory_space<vmem>>
          %dma_start3A_404 = tpu.memref_slice %arg6[%add3A_402] : memref<320000xi32, #tpu.memory_space<hbm>> -> memref<800xi32, #tpu.memory_space<hbm>>
          %dma_start3A_405 = tpu.memref_slice %arg12[%mul3A_392] : memref<1600xi32, #tpu.memory_space<vmem>> -> memref<800xi32, #tpu.memory_space<vmem>>
          %dma_start3A_406 = tpu.memref_slice %arg6[%add3A_402] : memref<320000xi32, #tpu.memory_space<hbm>> -> memref<800xi32, #tpu.memory_space<hbm>>
          tpu.enqueue_dma source(%dma_start3A_406 : memref<800xi32, #tpu.memory_space<hbm>>) target(%dma_start3A_405 : memref<800xi32, #tpu.memory_space<vmem>>) target_semaphore(%arg26 : memref<!tpu.dma_semaphore, #tpu.memory_space<semaphore_mem>>)
        } else {
        }
        %mul3A_104 = arith.constant 8 : i32
        %mul3A_105 = arith.muli %scan3A_46, %mul3A_104 : i32
        %add3A_106 = arith.constant 1 : i32
        %add3A_107 = arith.addi %mul3A_105, %add3A_106 : i32
        %rem3A_108 = arith.constant 20 : i32
        %rem3A_109 = arith.remsi %add3A_107, %rem3A_108 : i32
        %lt3A_110 = arith.constant 500 : i32
        %lt3A_111 = arith.cmpi slt, %add3A_107, %lt3A_110 : i32
        %convert_element_type3A_112 = arith.extui %lt3A_111 : i1 to i32
        %cond3A_113 = arith.constant 0 : i32
        %cond3A_114 = arith.cmpi ne, %convert_element_type3A_112, %cond3A_113 : i32
        scf.if %cond3A_114 {
          %jit3A_349 = arith.constant 20 : i32
          %div3A_350 = arith.divsi %add3A_107, %jit3A_349 : i32
          %sign3A_351 = arith.constant 0 : i32
          %sign3A_352 = arith.cmpi sgt, %add3A_107, %sign3A_351 : i32
          %sign3A_353 = arith.extui %sign3A_352 : i1 to i32
          %sign3A_354 = arith.constant 0 : i32
          %sign3A_355 = arith.cmpi slt, %add3A_107, %sign3A_354 : i32
          %sign3A_356 = arith.extui %sign3A_355 : i1 to i32
          %sign3A_357 = arith.subi %sign3A_353, %sign3A_356 : i32
          %sign3A_358 = arith.constant 0 : i32
          %sign3A_359 = arith.cmpi sgt, %jit3A_349, %sign3A_358 : i32
          %sign3A_360 = arith.extui %sign3A_359 : i1 to i32
          %sign3A_361 = arith.constant 0 : i32
          %sign3A_362 = arith.cmpi slt, %jit3A_349, %sign3A_361 : i32
          %sign3A_363 = arith.extui %sign3A_362 : i1 to i32
          %sign3A_364 = arith.subi %sign3A_360, %sign3A_363 : i32
          %ne3A_365 = arith.cmpi ne, %sign3A_357, %sign3A_364 : i32
          %rem3A_366 = arith.remsi %add3A_107, %jit3A_349 : i32
          %ne3A_367 = arith.constant 0 : i32
          %ne3A_368 = arith.cmpi ne, %rem3A_366, %ne3A_367 : i32
          %and3A_369 = arith.andi %ne3A_365, %ne3A_368 : i1
          %sub3A_370 = arith.constant 1 : i32
          %sub3A_371 = arith.subi %div3A_350, %sub3A_370 : i32
          %select_n3A_372 = arith.select %and3A_369, %sub3A_371, %div3A_350 : i32
          %jit3A_373 = arith.constant 2 : i32
          %eq3A_374 = arith.constant 0 : i32
          %eq3A_375 = arith.cmpi eq, %jit3A_373, %eq3A_374 : i32
          %jit3A_376 = arith.constant 1 : i32
          %select_n3A_377 = arith.select %eq3A_375, %jit3A_376, %jit3A_373 : i32
          %rem3A_378 = arith.remsi %select_n3A_372, %select_n3A_377 : i32
          %ne3A_379 = arith.constant 0 : i32
          %ne3A_380 = arith.cmpi ne, %rem3A_378, %ne3A_379 : i32
          %lt3A_381 = arith.constant 0 : i32
          %lt3A_382 = arith.cmpi slt, %rem3A_378, %lt3A_381 : i32
          %lt3A_383 = arith.constant 0 : i32
          %lt3A_384 = arith.cmpi slt, %select_n3A_377, %lt3A_383 : i32
          %ne3A_385 = arith.xori %lt3A_382, %lt3A_384 : i1
          %and3A_386 = arith.andi %ne3A_385, %ne3A_380 : i1
          %add3A_387 = arith.addi %rem3A_378, %select_n3A_377 : i32
          %select_n3A_388 = arith.select %and3A_386, %add3A_387, %rem3A_378 : i32
          %mul3A_389 = arith.constant 800 : i32
          %mul3A_390 = arith.muli %select_n3A_388, %mul3A_389 : i32
          %mul3A_391 = arith.constant 20 : i32
          %mul3A_392 = arith.muli %select_n3A_372, %mul3A_391 : i32
          %sub3A_393 = arith.subi %add3A_107, %mul3A_392 : i32
          %mul3A_394 = arith.constant 40 : i32
          %mul3A_395 = arith.muli %sub3A_393, %mul3A_394 : i32
          %add3A_396 = arith.addi %mul3A_390, %mul3A_395 : i32
          %dma_start3A_397 = arith.constant 0 : i32
          %dma_start3A_398 = arith.constant 40 : i32
          %dma_start3A_399 = arith.constant 0 : i32
          %dma_start3A_400 = tpu.memref_slice %arg13[%dma_start3A_397, %dma_start3A_398, %dma_start3A_399] : memref<4x80x128xf32, #tpu.memory_space<vmem>> -> memref<1x40x128xf32, #tpu.memory_space<vmem>>
          %dma_start3A_401 = tpu.memref_squeeze %dma_start3A_400 : memref<1x40x128xf32, #tpu.memory_space<vmem>> -> memref<40x128xf32, #tpu.memory_space<vmem>>
          %dma_start3A_402 = tpu.memref_slice %arg11[%add3A_396] : memref<1600xi32, #tpu.memory_space<vmem>> -> memref<40xi32, #tpu.memory_space<vmem>>
          %dma_start3A_403 = arith.constant 0 : i32
          %dma_start3A_404 = arith.constant 0 : i32
          %dma_start3A_405 = tpu.memref_slice %arg2[%dma_start3A_403, %dma_start3A_404] : memref<10000x128xf32, #tpu.memory_space<hbm>> -> memref<10000x128xf32, #tpu.memory_space<hbm>>
          tpu.enqueue_indirect_dma source(%dma_start3A_405 : memref<10000x128xf32, #tpu.memory_space<hbm>>) target(%dma_start3A_401 : memref<40x128xf32, #tpu.memory_space<vmem>>) offsets(%dma_start3A_402 : memref<40xi32, #tpu.memory_space<vmem>>) semaphore(%arg15 : memref<!tpu.dma_semaphore, #tpu.memory_space<semaphore_mem>>)
        } else {
        }
        %mul3A_115 = arith.constant 8 : i32
        %mul3A_116 = arith.muli %scan3A_46, %mul3A_115 : i32
        %add3A_117 = arith.constant 2 : i32
        %add3A_118 = arith.addi %mul3A_116, %add3A_117 : i32
        %rem3A_119 = arith.constant 20 : i32
        %rem3A_120 = arith.remsi %add3A_118, %rem3A_119 : i32
        %eq3A_121 = arith.constant 0 : i32
        %eq3A_122 = arith.cmpi eq, %rem3A_120, %eq3A_121 : i32
        %lt3A_123 = arith.constant 500 : i32
        %lt3A_124 = arith.cmpi slt, %add3A_118, %lt3A_123 : i32
        %and3A_125 = arith.andi %eq3A_122, %lt3A_124 : i1
        %convert_element_type3A_126 = arith.extui %and3A_125 : i1 to i32
        %cond3A_127 = arith.constant 0 : i32
        %cond3A_128 = arith.cmpi ne, %convert_element_type3A_126, %cond3A_127 : i32
        scf.if %cond3A_128 {
          %dma_wait3A = arith.constant 0 : i32
          %dma_wait3A_349 = tpu.memref_slice %arg11[%dma_wait3A] : memref<1600xi32, #tpu.memory_space<vmem>> -> memref<800xi32, #tpu.memory_space<vmem>>
          %dma_wait3A_350 = tpu.memref_slice %arg5[%mul3A_18] : memref<320000xi32, #tpu.memory_space<hbm>> -> memref<800xi32, #tpu.memory_space<hbm>>
          %dma_wait3A_351 = arith.constant 0 : i32
          %dma_wait3A_352 = tpu.memref_slice %arg11[%dma_wait3A_351] : memref<1600xi32, #tpu.memory_space<vmem>> -> memref<800xi32, #tpu.memory_space<vmem>>
          %dma_wait3A_353 = tpu.memref_slice %arg5[%mul3A_18] : memref<320000xi32, #tpu.memory_space<hbm>> -> memref<800xi32, #tpu.memory_space<hbm>>
          tpu.wait_dma2 semaphore(%arg26 : memref<!tpu.dma_semaphore, #tpu.memory_space<semaphore_mem>>) src(%dma_wait3A_353 : memref<800xi32, #tpu.memory_space<hbm>>) dst(%dma_wait3A_352 : memref<800xi32, #tpu.memory_space<vmem>>)
          %dma_wait3A_354 = arith.constant 0 : i32
          %dma_wait3A_355 = tpu.memref_slice %arg11[%dma_wait3A_354] : memref<1600xi32, #tpu.memory_space<vmem>> -> memref<800xi32, #tpu.memory_space<vmem>>
          %dma_wait3A_356 = tpu.memref_slice %arg5[%mul3A_18] : memref<320000xi32, #tpu.memory_space<hbm>> -> memref<800xi32, #tpu.memory_space<hbm>>
          %dma_wait3A_357 = arith.constant 0 : i32
          %dma_wait3A_358 = tpu.memref_slice %arg11[%dma_wait3A_357] : memref<1600xi32, #tpu.memory_space<vmem>> -> memref<800xi32, #tpu.memory_space<vmem>>
          %dma_wait3A_359 = tpu.memref_slice %arg5[%mul3A_18] : memref<320000xi32, #tpu.memory_space<hbm>> -> memref<800xi32, #tpu.memory_space<hbm>>
          tpu.wait_dma2 semaphore(%arg26 : memref<!tpu.dma_semaphore, #tpu.memory_space<semaphore_mem>>) src(%dma_wait3A_359 : memref<800xi32, #tpu.memory_space<hbm>>) dst(%dma_wait3A_358 : memref<800xi32, #tpu.memory_space<vmem>>)
        } else {
        }
        %ge3A_129 = arith.constant 8 : i32
        %ge3A_130 = arith.cmpi sge, %add3A_118, %ge3A_129 : i32
        %lt3A_131 = arith.constant 508 : i32
        %lt3A_132 = arith.cmpi slt, %add3A_118, %lt3A_131 : i32
        %and3A_133 = arith.andi %ge3A_130, %lt3A_132 : i1
        %convert_element_type3A_134 = arith.extui %and3A_133 : i1 to i32
        %cond3A_135 = arith.constant 0 : i32
        %cond3A_136 = arith.cmpi ne, %convert_element_type3A_134, %cond3A_135 : i32
        scf.if %cond3A_136 {
          %dma_wait3A = arith.constant 1 : i32
          %dma_wait3A_349 = arith.constant 0 : i32
          %dma_wait3A_350 = arith.constant 0 : i32
          %dma_wait3A_351 = tpu.memref_slice %arg13[%dma_wait3A, %dma_wait3A_349, %dma_wait3A_350] : memref<4x80x128xf32, #tpu.memory_space<vmem>> -> memref<1x80x128xf32, #tpu.memory_space<vmem>>
          %dma_wait3A_352 = tpu.memref_squeeze %dma_wait3A_351 : memref<1x80x128xf32, #tpu.memory_space<vmem>> -> memref<80x128xf32, #tpu.memory_space<vmem>>
          %dma_wait3A_353 = arith.constant 0 : i32
          %dma_wait3A_354 = tpu.memref_slice %arg12[%dma_wait3A_353] : memref<1600xi32, #tpu.memory_space<vmem>> -> memref<80xi32, #tpu.memory_space<vmem>>
          %dma_wait3A_355 = arith.constant 0 : i32
          %dma_wait3A_356 = arith.constant 0 : i32
          %dma_wait3A_357 = tpu.memref_slice %arg10[%dma_wait3A_355, %dma_wait3A_356] : memref<10000x128xf32, #tpu.memory_space<vmem_shared>> -> memref<10000x128xf32, #tpu.memory_space<vmem_shared>>
          tpu.wait_indirect_dma semaphore(%arg23 : memref<!tpu.dma_semaphore, #tpu.memory_space<semaphore_mem>>) src(%dma_wait3A_352 : memref<80x128xf32, #tpu.memory_space<vmem>>) dst(%dma_wait3A_357 : memref<10000x128xf32, #tpu.memory_space<vmem_shared>>)
        } else {
        }
        %lt3A_137 = arith.constant 500 : i32
        %lt3A_138 = arith.cmpi slt, %add3A_118, %lt3A_137 : i32
        %convert_element_type3A_139 = arith.extui %lt3A_138 : i1 to i32
        %cond3A_140 = arith.constant 0 : i32
        %cond3A_141 = arith.cmpi ne, %convert_element_type3A_139, %cond3A_140 : i32
        scf.if %cond3A_141 {
          %jit3A_349 = arith.constant 20 : i32
          %div3A_350 = arith.divsi %add3A_118, %jit3A_349 : i32
          %sign3A_351 = arith.constant 0 : i32
          %sign3A_352 = arith.cmpi sgt, %add3A_118, %sign3A_351 : i32
          %sign3A_353 = arith.extui %sign3A_352 : i1 to i32
          %sign3A_354 = arith.constant 0 : i32
          %sign3A_355 = arith.cmpi slt, %add3A_118, %sign3A_354 : i32
          %sign3A_356 = arith.extui %sign3A_355 : i1 to i32
          %sign3A_357 = arith.subi %sign3A_353, %sign3A_356 : i32
          %sign3A_358 = arith.constant 0 : i32
          %sign3A_359 = arith.cmpi sgt, %jit3A_349, %sign3A_358 : i32
          %sign3A_360 = arith.extui %sign3A_359 : i1 to i32
          %sign3A_361 = arith.constant 0 : i32
          %sign3A_362 = arith.cmpi slt, %jit3A_349, %sign3A_361 : i32
          %sign3A_363 = arith.extui %sign3A_362 : i1 to i32
          %sign3A_364 = arith.subi %sign3A_360, %sign3A_363 : i32
          %ne3A_365 = arith.cmpi ne, %sign3A_357, %sign3A_364 : i32
          %rem3A_366 = arith.remsi %add3A_118, %jit3A_349 : i32
          %ne3A_367 = arith.constant 0 : i32
          %ne3A_368 = arith.cmpi ne, %rem3A_366, %ne3A_367 : i32
          %and3A_369 = arith.andi %ne3A_365, %ne3A_368 : i1
          %sub3A_370 = arith.constant 1 : i32
          %sub3A_371 = arith.subi %div3A_350, %sub3A_370 : i32
          %select_n3A_372 = arith.select %and3A_369, %sub3A_371, %div3A_350 : i32
          %jit3A_373 = arith.constant 2 : i32
          %eq3A_374 = arith.constant 0 : i32
          %eq3A_375 = arith.cmpi eq, %jit3A_373, %eq3A_374 : i32
          %jit3A_376 = arith.constant 1 : i32
          %select_n3A_377 = arith.select %eq3A_375, %jit3A_376, %jit3A_373 : i32
          %rem3A_378 = arith.remsi %select_n3A_372, %select_n3A_377 : i32
          %ne3A_379 = arith.constant 0 : i32
          %ne3A_380 = arith.cmpi ne, %rem3A_378, %ne3A_379 : i32
          %lt3A_381 = arith.constant 0 : i32
          %lt3A_382 = arith.cmpi slt, %rem3A_378, %lt3A_381 : i32
          %lt3A_383 = arith.constant 0 : i32
          %lt3A_384 = arith.cmpi slt, %select_n3A_377, %lt3A_383 : i32
          %ne3A_385 = arith.xori %lt3A_382, %lt3A_384 : i1
          %and3A_386 = arith.andi %ne3A_385, %ne3A_380 : i1
          %add3A_387 = arith.addi %rem3A_378, %select_n3A_377 : i32
          %select_n3A_388 = arith.select %and3A_386, %add3A_387, %rem3A_378 : i32
          %mul3A_389 = arith.constant 800 : i32
          %mul3A_390 = arith.muli %select_n3A_388, %mul3A_389 : i32
          %mul3A_391 = arith.constant 20 : i32
          %mul3A_392 = arith.muli %select_n3A_372, %mul3A_391 : i32
          %sub3A_393 = arith.subi %add3A_118, %mul3A_392 : i32
          %mul3A_394 = arith.constant 40 : i32
          %mul3A_395 = arith.muli %sub3A_393, %mul3A_394 : i32
          %add3A_396 = arith.addi %mul3A_390, %mul3A_395 : i32
          %dma_start3A_397 = arith.constant 1 : i32
          %dma_start3A_398 = arith.constant 0 : i32
          %dma_start3A_399 = arith.constant 0 : i32
          %dma_start3A_400 = tpu.memref_slice %arg13[%dma_start3A_397, %dma_start3A_398, %dma_start3A_399] : memref<4x80x128xf32, #tpu.memory_space<vmem>> -> memref<1x40x128xf32, #tpu.memory_space<vmem>>
          %dma_start3A_401 = tpu.memref_squeeze %dma_start3A_400 : memref<1x40x128xf32, #tpu.memory_space<vmem>> -> memref<40x128xf32, #tpu.memory_space<vmem>>
          %dma_start3A_402 = tpu.memref_slice %arg11[%add3A_396] : memref<1600xi32, #tpu.memory_space<vmem>> -> memref<40xi32, #tpu.memory_space<vmem>>
          %dma_start3A_403 = arith.constant 0 : i32
          %dma_start3A_404 = arith.constant 0 : i32
          %dma_start3A_405 = tpu.memref_slice %arg2[%dma_start3A_403, %dma_start3A_404] : memref<10000x128xf32, #tpu.memory_space<hbm>> -> memref<10000x128xf32, #tpu.memory_space<hbm>>
          tpu.enqueue_indirect_dma source(%dma_start3A_405 : memref<10000x128xf32, #tpu.memory_space<hbm>>) target(%dma_start3A_401 : memref<40x128xf32, #tpu.memory_space<vmem>>) offsets(%dma_start3A_402 : memref<40xi32, #tpu.memory_space<vmem>>) semaphore(%arg16 : memref<!tpu.dma_semaphore, #tpu.memory_space<semaphore_mem>>)
        } else {
        }
        %ge3A_142 = arith.constant 6 : i32
        %ge3A_143 = arith.cmpi sge, %add3A_118, %ge3A_142 : i32
        %lt3A_144 = arith.constant 506 : i32
        %lt3A_145 = arith.cmpi slt, %add3A_118, %lt3A_144 : i32
        %and3A_146 = arith.andi %ge3A_143, %lt3A_145 : i1
        %convert_element_type3A_147 = arith.extui %and3A_146 : i1 to i32
        %cond3A_148 = arith.constant 0 : i32
        %cond3A_149 = arith.cmpi ne, %convert_element_type3A_147, %cond3A_148 : i32
        scf.if %cond3A_149 {
          %dma_wait3A = arith.constant 0 : i32
          %dma_wait3A_349 = arith.constant 0 : i32
          %dma_wait3A_350 = arith.constant 0 : i32
          %dma_wait3A_351 = tpu.memref_slice %arg13[%dma_wait3A, %dma_wait3A_349, %dma_wait3A_350] : memref<4x80x128xf32, #tpu.memory_space<vmem>> -> memref<1x40x128xf32, #tpu.memory_space<vmem>>
          %dma_wait3A_352 = tpu.memref_squeeze %dma_wait3A_351 : memref<1x40x128xf32, #tpu.memory_space<vmem>> -> memref<40x128xf32, #tpu.memory_space<vmem>>
          %dma_wait3A_353 = arith.constant 0 : i32
          %dma_wait3A_354 = tpu.memref_slice %arg11[%dma_wait3A_353] : memref<1600xi32, #tpu.memory_space<vmem>> -> memref<40xi32, #tpu.memory_space<vmem>>
          %dma_wait3A_355 = arith.constant 0 : i32
          %dma_wait3A_356 = arith.constant 0 : i32
          %dma_wait3A_357 = tpu.memref_slice %arg2[%dma_wait3A_355, %dma_wait3A_356] : memref<10000x128xf32, #tpu.memory_space<hbm>> -> memref<10000x128xf32, #tpu.memory_space<hbm>>
          tpu.wait_indirect_dma semaphore(%arg18 : memref<!tpu.dma_semaphore, #tpu.memory_space<semaphore_mem>>) src(%dma_wait3A_357 : memref<10000x128xf32, #tpu.memory_space<hbm>>) dst(%dma_wait3A_352 : memref<40x128xf32, #tpu.memory_space<vmem>>)
          %dma_wait3A_358 = arith.constant 0 : i32
          %dma_wait3A_359 = arith.constant 0 : i32
          %dma_wait3A_360 = arith.constant 0 : i32
          %dma_wait3A_361 = tpu.memref_slice %arg13[%dma_wait3A_358, %dma_wait3A_359, %dma_wait3A_360] : memref<4x80x128xf32, #tpu.memory_space<vmem>> -> memref<1x40x128xf32, #tpu.memory_space<vmem>>
          %dma_wait3A_362 = tpu.memref_squeeze %dma_wait3A_361 : memref<1x40x128xf32, #tpu.memory_space<vmem>> -> memref<40x128xf32, #tpu.memory_space<vmem>>
          %dma_wait3A_363 = arith.constant 0 : i32
          %dma_wait3A_364 = tpu.memref_slice %arg11[%dma_wait3A_363] : memref<1600xi32, #tpu.memory_space<vmem>> -> memref<40xi32, #tpu.memory_space<vmem>>
          %dma_wait3A_365 = arith.constant 0 : i32
          %dma_wait3A_366 = arith.constant 0 : i32
          %dma_wait3A_367 = tpu.memref_slice %arg2[%dma_wait3A_365, %dma_wait3A_366] : memref<10000x128xf32, #tpu.memory_space<hbm>> -> memref<10000x128xf32, #tpu.memory_space<hbm>>
          tpu.wait_indirect_dma semaphore(%arg19 : memref<!tpu.dma_semaphore, #tpu.memory_space<semaphore_mem>>) src(%dma_wait3A_367 : memref<10000x128xf32, #tpu.memory_space<hbm>>) dst(%dma_wait3A_362 : memref<40x128xf32, #tpu.memory_space<vmem>>)
          %sub3A_368 = arith.constant 6 : i32
          %sub3A_369 = arith.subi %add3A_118, %sub3A_368 : i32
          %jit3A_370 = arith.constant 20 : i32
          %div3A_371 = arith.divsi %sub3A_369, %jit3A_370 : i32
          %sign3A_372 = arith.constant 0 : i32
          %sign3A_373 = arith.cmpi sgt, %sub3A_369, %sign3A_372 : i32
          %sign3A_374 = arith.extui %sign3A_373 : i1 to i32
          %sign3A_375 = arith.constant 0 : i32
          %sign3A_376 = arith.cmpi slt, %sub3A_369, %sign3A_375 : i32
          %sign3A_377 = arith.extui %sign3A_376 : i1 to i32
          %sign3A_378 = arith.subi %sign3A_374, %sign3A_377 : i32
          %sign3A_379 = arith.constant 0 : i32
          %sign3A_380 = arith.cmpi sgt, %jit3A_370, %sign3A_379 : i32
          %sign3A_381 = arith.extui %sign3A_380 : i1 to i32
          %sign3A_382 = arith.constant 0 : i32
          %sign3A_383 = arith.cmpi slt, %jit3A_370, %sign3A_382 : i32
          %sign3A_384 = arith.extui %sign3A_383 : i1 to i32
          %sign3A_385 = arith.subi %sign3A_381, %sign3A_384 : i32
          %ne3A_386 = arith.cmpi ne, %sign3A_378, %sign3A_385 : i32
          %rem3A_387 = arith.remsi %sub3A_369, %jit3A_370 : i32
          %ne3A_388 = arith.constant 0 : i32
          %ne3A_389 = arith.cmpi ne, %rem3A_387, %ne3A_388 : i32
          %and3A_390 = arith.andi %ne3A_386, %ne3A_389 : i1
          %sub3A_391 = arith.constant 1 : i32
          %sub3A_392 = arith.subi %div3A_371, %sub3A_391 : i32
          %select_n3A_393 = arith.select %and3A_390, %sub3A_392, %div3A_371 : i32
          %jit3A_394 = arith.constant 2 : i32
          %eq3A_395 = arith.constant 0 : i32
          %eq3A_396 = arith.cmpi eq, %jit3A_394, %eq3A_395 : i32
          %jit3A_397 = arith.constant 1 : i32
          %select_n3A_398 = arith.select %eq3A_396, %jit3A_397, %jit3A_394 : i32
          %rem3A_399 = arith.remsi %select_n3A_393, %select_n3A_398 : i32
          %ne3A_400 = arith.constant 0 : i32
          %ne3A_401 = arith.cmpi ne, %rem3A_399, %ne3A_400 : i32
          %lt3A_402 = arith.constant 0 : i32
          %lt3A_403 = arith.cmpi slt, %rem3A_399, %lt3A_402 : i32
          %lt3A_404 = arith.constant 0 : i32
          %lt3A_405 = arith.cmpi slt, %select_n3A_398, %lt3A_404 : i32
          %ne3A_406 = arith.xori %lt3A_403, %lt3A_405 : i1
          %and3A_407 = arith.andi %ne3A_406, %ne3A_401 : i1
          %add3A_408 = arith.addi %rem3A_399, %select_n3A_398 : i32
          %select_n3A_409 = arith.select %and3A_407, %add3A_408, %rem3A_399 : i32
          %mul3A_410 = arith.constant 800 : i32
          %mul3A_411 = arith.muli %select_n3A_409, %mul3A_410 : i32
          %mul3A_412 = arith.constant 20 : i32
          %mul3A_413 = arith.muli %select_n3A_393, %mul3A_412 : i32
          %sub3A_414 = arith.subi %sub3A_369, %mul3A_413 : i32
          %mul3A_415 = arith.constant 40 : i32
          %mul3A_416 = arith.muli %sub3A_414, %mul3A_415 : i32
          %add3A_417 = arith.addi %mul3A_411, %mul3A_416 : i32
          %dma_start3A_418 = arith.constant 2 : i32
          %dma_start3A_419 = arith.constant 0 : i32
          %dma_start3A_420 = arith.constant 0 : i32
          %dma_start3A_421 = tpu.memref_slice %arg13[%dma_start3A_418, %dma_start3A_419, %dma_start3A_420] : memref<4x80x128xf32, #tpu.memory_space<vmem>> -> memref<1x80x128xf32, #tpu.memory_space<vmem>>
          %dma_start3A_422 = tpu.memref_squeeze %dma_start3A_421 : memref<1x80x128xf32, #tpu.memory_space<vmem>> -> memref<80x128xf32, #tpu.memory_space<vmem>>
          %dma_start3A_423 = tpu.memref_slice %arg12[%add3A_417] : memref<1600xi32, #tpu.memory_space<vmem>> -> memref<80xi32, #tpu.memory_space<vmem>>
          %dma_start3A_424 = arith.constant 0 : i32
          %dma_start3A_425 = arith.constant 0 : i32
          %dma_start3A_426 = tpu.memref_slice %arg10[%dma_start3A_424, %dma_start3A_425] : memref<10000x128xf32, #tpu.memory_space<vmem_shared>> -> memref<10000x128xf32, #tpu.memory_space<vmem_shared>>
          tpu.enqueue_indirect_dma source(%dma_start3A_422 : memref<80x128xf32, #tpu.memory_space<vmem>>) target(%dma_start3A_426 : memref<10000x128xf32, #tpu.memory_space<vmem_shared>>) offsets(%dma_start3A_423 : memref<80xi32, #tpu.memory_space<vmem>>) semaphore(%arg24 : memref<!tpu.dma_semaphore, #tpu.memory_space<semaphore_mem>>) {add = true}
        } else {
        }
        %eq3A_150 = arith.constant 8 : i32
        %eq3A_151 = arith.cmpi eq, %rem3A_120, %eq3A_150 : i32
        %jit3A_152 = arith.constant 20 : i32
        %div3A_153 = arith.divsi %add3A_118, %jit3A_152 : i32
        %sign3A_154 = arith.constant 0 : i32
        %sign3A_155 = arith.cmpi sgt, %add3A_118, %sign3A_154 : i32
        %sign3A_156 = arith.extui %sign3A_155 : i1 to i32
        %sign3A_157 = arith.constant 0 : i32
        %sign3A_158 = arith.cmpi slt, %add3A_118, %sign3A_157 : i32
        %sign3A_159 = arith.extui %sign3A_158 : i1 to i32
        %sign3A_160 = arith.subi %sign3A_156, %sign3A_159 : i32
        %sign3A_161 = arith.constant 0 : i32
        %sign3A_162 = arith.cmpi sgt, %jit3A_152, %sign3A_161 : i32
        %sign3A_163 = arith.extui %sign3A_162 : i1 to i32
        %sign3A_164 = arith.constant 0 : i32
        %sign3A_165 = arith.cmpi slt, %jit3A_152, %sign3A_164 : i32
        %sign3A_166 = arith.extui %sign3A_165 : i1 to i32
        %sign3A_167 = arith.subi %sign3A_163, %sign3A_166 : i32
        %ne3A_168 = arith.cmpi ne, %sign3A_160, %sign3A_167 : i32
        %rem3A_169 = arith.remsi %add3A_118, %jit3A_152 : i32
        %ne3A_170 = arith.constant 0 : i32
        %ne3A_171 = arith.cmpi ne, %rem3A_169, %ne3A_170 : i32
        %and3A_172 = arith.andi %ne3A_168, %ne3A_171 : i1
        %sub3A_173 = arith.constant 1 : i32
        %sub3A_174 = arith.subi %div3A_153, %sub3A_173 : i32
        %select_n3A_175 = arith.select %and3A_172, %sub3A_174, %div3A_153 : i32
        %lt3A_176 = arith.constant 24 : i32
        %lt3A_177 = arith.cmpi slt, %select_n3A_175, %lt3A_176 : i32
        %and3A_178 = arith.andi %eq3A_151, %lt3A_177 : i1
        %convert_element_type3A_179 = arith.extui %and3A_178 : i1 to i32
        %cond3A_180 = arith.constant 0 : i32
        %cond3A_181 = arith.cmpi ne, %convert_element_type3A_179, %cond3A_180 : i32
        scf.if %cond3A_181 {
          %jit3A_349 = arith.constant 20 : i32
          %div3A_350 = arith.divsi %add3A_118, %jit3A_349 : i32
          %sign3A_351 = arith.constant 0 : i32
          %sign3A_352 = arith.cmpi sgt, %add3A_118, %sign3A_351 : i32
          %sign3A_353 = arith.extui %sign3A_352 : i1 to i32
          %sign3A_354 = arith.constant 0 : i32
          %sign3A_355 = arith.cmpi slt, %add3A_118, %sign3A_354 : i32
          %sign3A_356 = arith.extui %sign3A_355 : i1 to i32
          %sign3A_357 = arith.subi %sign3A_353, %sign3A_356 : i32
          %sign3A_358 = arith.constant 0 : i32
          %sign3A_359 = arith.cmpi sgt, %jit3A_349, %sign3A_358 : i32
          %sign3A_360 = arith.extui %sign3A_359 : i1 to i32
          %sign3A_361 = arith.constant 0 : i32
          %sign3A_362 = arith.cmpi slt, %jit3A_349, %sign3A_361 : i32
          %sign3A_363 = arith.extui %sign3A_362 : i1 to i32
          %sign3A_364 = arith.subi %sign3A_360, %sign3A_363 : i32
          %ne3A_365 = arith.cmpi ne, %sign3A_357, %sign3A_364 : i32
          %rem3A_366 = arith.remsi %add3A_118, %jit3A_349 : i32
          %ne3A_367 = arith.constant 0 : i32
          %ne3A_368 = arith.cmpi ne, %rem3A_366, %ne3A_367 : i32
          %and3A_369 = arith.andi %ne3A_365, %ne3A_368 : i1
          %sub3A_370 = arith.constant 1 : i32
          %sub3A_371 = arith.subi %div3A_350, %sub3A_370 : i32
          %select_n3A_372 = arith.select %and3A_369, %sub3A_371, %div3A_350 : i32
          %add3A_373 = arith.constant 1 : i32
          %add3A_374 = arith.addi %select_n3A_372, %add3A_373 : i32
          %jit3A_375 = arith.constant 2 : i32
          %eq3A_376 = arith.constant 0 : i32
          %eq3A_377 = arith.cmpi eq, %jit3A_375, %eq3A_376 : i32
          %jit3A_378 = arith.constant 1 : i32
          %select_n3A_379 = arith.select %eq3A_377, %jit3A_378, %jit3A_375 : i32
          %rem3A_380 = arith.remsi %add3A_374, %select_n3A_379 : i32
          %ne3A_381 = arith.constant 0 : i32
          %ne3A_382 = arith.cmpi ne, %rem3A_380, %ne3A_381 : i32
          %lt3A_383 = arith.constant 0 : i32
          %lt3A_384 = arith.cmpi slt, %rem3A_380, %lt3A_383 : i32
          %lt3A_385 = arith.constant 0 : i32
          %lt3A_386 = arith.cmpi slt, %select_n3A_379, %lt3A_385 : i32
          %ne3A_387 = arith.xori %lt3A_384, %lt3A_386 : i1
          %and3A_388 = arith.andi %ne3A_387, %ne3A_382 : i1
          %add3A_389 = arith.addi %rem3A_380, %select_n3A_379 : i32
          %select_n3A_390 = arith.select %and3A_388, %add3A_389, %rem3A_380 : i32
          %mul3A_391 = arith.constant 800 : i32
          %mul3A_392 = arith.muli %select_n3A_390, %mul3A_391 : i32
          %mul3A_393 = arith.constant 800 : i32
          %mul3A_394 = arith.muli %add3A_374, %mul3A_393 : i32
          %add3A_395 = arith.addi %mul3A_18, %mul3A_394 : i32
          %dma_start3A_396 = tpu.memref_slice %arg11[%mul3A_392] : memref<1600xi32, #tpu.memory_space<vmem>> -> memref<800xi32, #tpu.memory_space<vmem>>
          %dma_start3A_397 = tpu.memref_slice %arg5[%add3A_395] : memref<320000xi32, #tpu.memory_space<hbm>> -> memref<800xi32, #tpu.memory_space<hbm>>
          %dma_start3A_398 = tpu.memref_slice %arg11[%mul3A_392] : memref<1600xi32, #tpu.memory_space<vmem>> -> memref<800xi32, #tpu.memory_space<vmem>>
          %dma_start3A_399 = tpu.memref_slice %arg5[%add3A_395] : memref<320000xi32, #tpu.memory_space<hbm>> -> memref<800xi32, #tpu.memory_space<hbm>>
          tpu.enqueue_dma source(%dma_start3A_399 : memref<800xi32, #tpu.memory_space<hbm>>) target(%dma_start3A_398 : memref<800xi32, #tpu.memory_space<vmem>>) target_semaphore(%arg26 : memref<!tpu.dma_semaphore, #tpu.memory_space<semaphore_mem>>)
          %mul3A_400 = arith.constant 800 : i32
          %mul3A_401 = arith.muli %add3A_374, %mul3A_400 : i32
          %add3A_402 = arith.addi %mul3A_18, %mul3A_401 : i32
          %dma_start3A_403 = tpu.memref_slice %arg12[%mul3A_392] : memref<1600xi32, #tpu.memory_space<vmem>> -> memref<800xi32, #tpu.memory_space<vmem>>
          %dma_start3A_404 = tpu.memref_slice %arg6[%add3A_402] : memref<320000xi32, #tpu.memory_space<hbm>> -> memref<800xi32, #tpu.memory_space<hbm>>
          %dma_start3A_405 = tpu.memref_slice %arg12[%mul3A_392] : memref<1600xi32, #tpu.memory_space<vmem>> -> memref<800xi32, #tpu.memory_space<vmem>>
          %dma_start3A_406 = tpu.memref_slice %arg6[%add3A_402] : memref<320000xi32, #tpu.memory_space<hbm>> -> memref<800xi32, #tpu.memory_space<hbm>>
          tpu.enqueue_dma source(%dma_start3A_406 : memref<800xi32, #tpu.memory_space<hbm>>) target(%dma_start3A_405 : memref<800xi32, #tpu.memory_space<vmem>>) target_semaphore(%arg26 : memref<!tpu.dma_semaphore, #tpu.memory_space<semaphore_mem>>)
        } else {
        }
        %mul3A_182 = arith.constant 8 : i32
        %mul3A_183 = arith.muli %scan3A_46, %mul3A_182 : i32
        %add3A_184 = arith.constant 3 : i32
        %add3A_185 = arith.addi %mul3A_183, %add3A_184 : i32
        %rem3A_186 = arith.constant 20 : i32
        %rem3A_187 = arith.remsi %add3A_185, %rem3A_186 : i32
        %lt3A_188 = arith.constant 500 : i32
        %lt3A_189 = arith.cmpi slt, %add3A_185, %lt3A_188 : i32
        %convert_element_type3A_190 = arith.extui %lt3A_189 : i1 to i32
        %cond3A_191 = arith.constant 0 : i32
        %cond3A_192 = arith.cmpi ne, %convert_element_type3A_190, %cond3A_191 : i32
        scf.if %cond3A_192 {
          %jit3A_349 = arith.constant 20 : i32
          %div3A_350 = arith.divsi %add3A_185, %jit3A_349 : i32
          %sign3A_351 = arith.constant 0 : i32
          %sign3A_352 = arith.cmpi sgt, %add3A_185, %sign3A_351 : i32
          %sign3A_353 = arith.extui %sign3A_352 : i1 to i32
          %sign3A_354 = arith.constant 0 : i32
          %sign3A_355 = arith.cmpi slt, %add3A_185, %sign3A_354 : i32
          %sign3A_356 = arith.extui %sign3A_355 : i1 to i32
          %sign3A_357 = arith.subi %sign3A_353, %sign3A_356 : i32
          %sign3A_358 = arith.constant 0 : i32
          %sign3A_359 = arith.cmpi sgt, %jit3A_349, %sign3A_358 : i32
          %sign3A_360 = arith.extui %sign3A_359 : i1 to i32
          %sign3A_361 = arith.constant 0 : i32
          %sign3A_362 = arith.cmpi slt, %jit3A_349, %sign3A_361 : i32
          %sign3A_363 = arith.extui %sign3A_362 : i1 to i32
          %sign3A_364 = arith.subi %sign3A_360, %sign3A_363 : i32
          %ne3A_365 = arith.cmpi ne, %sign3A_357, %sign3A_364 : i32
          %rem3A_366 = arith.remsi %add3A_185, %jit3A_349 : i32
          %ne3A_367 = arith.constant 0 : i32
          %ne3A_368 = arith.cmpi ne, %rem3A_366, %ne3A_367 : i32
          %and3A_369 = arith.andi %ne3A_365, %ne3A_368 : i1
          %sub3A_370 = arith.constant 1 : i32
          %sub3A_371 = arith.subi %div3A_350, %sub3A_370 : i32
          %select_n3A_372 = arith.select %and3A_369, %sub3A_371, %div3A_350 : i32
          %jit3A_373 = arith.constant 2 : i32
          %eq3A_374 = arith.constant 0 : i32
          %eq3A_375 = arith.cmpi eq, %jit3A_373, %eq3A_374 : i32
          %jit3A_376 = arith.constant 1 : i32
          %select_n3A_377 = arith.select %eq3A_375, %jit3A_376, %jit3A_373 : i32
          %rem3A_378 = arith.remsi %select_n3A_372, %select_n3A_377 : i32
          %ne3A_379 = arith.constant 0 : i32
          %ne3A_380 = arith.cmpi ne, %rem3A_378, %ne3A_379 : i32
          %lt3A_381 = arith.constant 0 : i32
          %lt3A_382 = arith.cmpi slt, %rem3A_378, %lt3A_381 : i32
          %lt3A_383 = arith.constant 0 : i32
          %lt3A_384 = arith.cmpi slt, %select_n3A_377, %lt3A_383 : i32
          %ne3A_385 = arith.xori %lt3A_382, %lt3A_384 : i1
          %and3A_386 = arith.andi %ne3A_385, %ne3A_380 : i1
          %add3A_387 = arith.addi %rem3A_378, %select_n3A_377 : i32
          %select_n3A_388 = arith.select %and3A_386, %add3A_387, %rem3A_378 : i32
          %mul3A_389 = arith.constant 800 : i32
          %mul3A_390 = arith.muli %select_n3A_388, %mul3A_389 : i32
          %mul3A_391 = arith.constant 20 : i32
          %mul3A_392 = arith.muli %select_n3A_372, %mul3A_391 : i32
          %sub3A_393 = arith.subi %add3A_185, %mul3A_392 : i32
          %mul3A_394 = arith.constant 40 : i32
          %mul3A_395 = arith.muli %sub3A_393, %mul3A_394 : i32
          %add3A_396 = arith.addi %mul3A_390, %mul3A_395 : i32
          %dma_start3A_397 = arith.constant 1 : i32
          %dma_start3A_398 = arith.constant 40 : i32
          %dma_start3A_399 = arith.constant 0 : i32
          %dma_start3A_400 = tpu.memref_slice %arg13[%dma_start3A_397, %dma_start3A_398, %dma_start3A_399] : memref<4x80x128xf32, #tpu.memory_space<vmem>> -> memref<1x40x128xf32, #tpu.memory_space<vmem>>
          %dma_start3A_401 = tpu.memref_squeeze %dma_start3A_400 : memref<1x40x128xf32, #tpu.memory_space<vmem>> -> memref<40x128xf32, #tpu.memory_space<vmem>>
          %dma_start3A_402 = tpu.memref_slice %arg11[%add3A_396] : memref<1600xi32, #tpu.memory_space<vmem>> -> memref<40xi32, #tpu.memory_space<vmem>>
          %dma_start3A_403 = arith.constant 0 : i32
          %dma_start3A_404 = arith.constant 0 : i32
          %dma_start3A_405 = tpu.memref_slice %arg2[%dma_start3A_403, %dma_start3A_404] : memref<10000x128xf32, #tpu.memory_space<hbm>> -> memref<10000x128xf32, #tpu.memory_space<hbm>>
          tpu.enqueue_indirect_dma source(%dma_start3A_405 : memref<10000x128xf32, #tpu.memory_space<hbm>>) target(%dma_start3A_401 : memref<40x128xf32, #tpu.memory_space<vmem>>) offsets(%dma_start3A_402 : memref<40xi32, #tpu.memory_space<vmem>>) semaphore(%arg17 : memref<!tpu.dma_semaphore, #tpu.memory_space<semaphore_mem>>)
        } else {
        }
        %mul3A_193 = arith.constant 8 : i32
        %mul3A_194 = arith.muli %scan3A_46, %mul3A_193 : i32
        %add3A_195 = arith.constant 4 : i32
        %add3A_196 = arith.addi %mul3A_194, %add3A_195 : i32
        %rem3A_197 = arith.constant 20 : i32
        %rem3A_198 = arith.remsi %add3A_196, %rem3A_197 : i32
        %eq3A_199 = arith.constant 0 : i32
        %eq3A_200 = arith.cmpi eq, %rem3A_198, %eq3A_199 : i32
        %lt3A_201 = arith.constant 500 : i32
        %lt3A_202 = arith.cmpi slt, %add3A_196, %lt3A_201 : i32
        %and3A_203 = arith.andi %eq3A_200, %lt3A_202 : i1
        %convert_element_type3A_204 = arith.extui %and3A_203 : i1 to i32
        %cond3A_205 = arith.constant 0 : i32
        %cond3A_206 = arith.cmpi ne, %convert_element_type3A_204, %cond3A_205 : i32
        scf.if %cond3A_206 {
          %dma_wait3A = arith.constant 0 : i32
          %dma_wait3A_349 = tpu.memref_slice %arg11[%dma_wait3A] : memref<1600xi32, #tpu.memory_space<vmem>> -> memref<800xi32, #tpu.memory_space<vmem>>
          %dma_wait3A_350 = tpu.memref_slice %arg5[%mul3A_18] : memref<320000xi32, #tpu.memory_space<hbm>> -> memref<800xi32, #tpu.memory_space<hbm>>
          %dma_wait3A_351 = arith.constant 0 : i32
          %dma_wait3A_352 = tpu.memref_slice %arg11[%dma_wait3A_351] : memref<1600xi32, #tpu.memory_space<vmem>> -> memref<800xi32, #tpu.memory_space<vmem>>
          %dma_wait3A_353 = tpu.memref_slice %arg5[%mul3A_18] : memref<320000xi32, #tpu.memory_space<hbm>> -> memref<800xi32, #tpu.memory_space<hbm>>
          tpu.wait_dma2 semaphore(%arg26 : memref<!tpu.dma_semaphore, #tpu.memory_space<semaphore_mem>>) src(%dma_wait3A_353 : memref<800xi32, #tpu.memory_space<hbm>>) dst(%dma_wait3A_352 : memref<800xi32, #tpu.memory_space<vmem>>)
          %dma_wait3A_354 = arith.constant 0 : i32
          %dma_wait3A_355 = tpu.memref_slice %arg11[%dma_wait3A_354] : memref<1600xi32, #tpu.memory_space<vmem>> -> memref<800xi32, #tpu.memory_space<vmem>>
          %dma_wait3A_356 = tpu.memref_slice %arg5[%mul3A_18] : memref<320000xi32, #tpu.memory_space<hbm>> -> memref<800xi32, #tpu.memory_space<hbm>>
          %dma_wait3A_357 = arith.constant 0 : i32
          %dma_wait3A_358 = tpu.memref_slice %arg11[%dma_wait3A_357] : memref<1600xi32, #tpu.memory_space<vmem>> -> memref<800xi32, #tpu.memory_space<vmem>>
          %dma_wait3A_359 = tpu.memref_slice %arg5[%mul3A_18] : memref<320000xi32, #tpu.memory_space<hbm>> -> memref<800xi32, #tpu.memory_space<hbm>>
          tpu.wait_dma2 semaphore(%arg26 : memref<!tpu.dma_semaphore, #tpu.memory_space<semaphore_mem>>) src(%dma_wait3A_359 : memref<800xi32, #tpu.memory_space<hbm>>) dst(%dma_wait3A_358 : memref<800xi32, #tpu.memory_space<vmem>>)
        } else {
        }
        %ge3A_207 = arith.constant 8 : i32
        %ge3A_208 = arith.cmpi sge, %add3A_196, %ge3A_207 : i32
        %lt3A_209 = arith.constant 508 : i32
        %lt3A_210 = arith.cmpi slt, %add3A_196, %lt3A_209 : i32
        %and3A_211 = arith.andi %ge3A_208, %lt3A_210 : i1
        %convert_element_type3A_212 = arith.extui %and3A_211 : i1 to i32
        %cond3A_213 = arith.constant 0 : i32
        %cond3A_214 = arith.cmpi ne, %convert_element_type3A_212, %cond3A_213 : i32
        scf.if %cond3A_214 {
          %dma_wait3A = arith.constant 2 : i32
          %dma_wait3A_349 = arith.constant 0 : i32
          %dma_wait3A_350 = arith.constant 0 : i32
          %dma_wait3A_351 = tpu.memref_slice %arg13[%dma_wait3A, %dma_wait3A_349, %dma_wait3A_350] : memref<4x80x128xf32, #tpu.memory_space<vmem>> -> memref<1x80x128xf32, #tpu.memory_space<vmem>>
          %dma_wait3A_352 = tpu.memref_squeeze %dma_wait3A_351 : memref<1x80x128xf32, #tpu.memory_space<vmem>> -> memref<80x128xf32, #tpu.memory_space<vmem>>
          %dma_wait3A_353 = arith.constant 0 : i32
          %dma_wait3A_354 = tpu.memref_slice %arg12[%dma_wait3A_353] : memref<1600xi32, #tpu.memory_space<vmem>> -> memref<80xi32, #tpu.memory_space<vmem>>
          %dma_wait3A_355 = arith.constant 0 : i32
          %dma_wait3A_356 = arith.constant 0 : i32
          %dma_wait3A_357 = tpu.memref_slice %arg10[%dma_wait3A_355, %dma_wait3A_356] : memref<10000x128xf32, #tpu.memory_space<vmem_shared>> -> memref<10000x128xf32, #tpu.memory_space<vmem_shared>>
          tpu.wait_indirect_dma semaphore(%arg24 : memref<!tpu.dma_semaphore, #tpu.memory_space<semaphore_mem>>) src(%dma_wait3A_352 : memref<80x128xf32, #tpu.memory_space<vmem>>) dst(%dma_wait3A_357 : memref<10000x128xf32, #tpu.memory_space<vmem_shared>>)
        } else {
        }
        %lt3A_215 = arith.constant 500 : i32
        %lt3A_216 = arith.cmpi slt, %add3A_196, %lt3A_215 : i32
        %convert_element_type3A_217 = arith.extui %lt3A_216 : i1 to i32
        %cond3A_218 = arith.constant 0 : i32
        %cond3A_219 = arith.cmpi ne, %convert_element_type3A_217, %cond3A_218 : i32
        scf.if %cond3A_219 {
          %jit3A_349 = arith.constant 20 : i32
          %div3A_350 = arith.divsi %add3A_196, %jit3A_349 : i32
          %sign3A_351 = arith.constant 0 : i32
          %sign3A_352 = arith.cmpi sgt, %add3A_196, %sign3A_351 : i32
          %sign3A_353 = arith.extui %sign3A_352 : i1 to i32
          %sign3A_354 = arith.constant 0 : i32
          %sign3A_355 = arith.cmpi slt, %add3A_196, %sign3A_354 : i32
          %sign3A_356 = arith.extui %sign3A_355 : i1 to i32
          %sign3A_357 = arith.subi %sign3A_353, %sign3A_356 : i32
          %sign3A_358 = arith.constant 0 : i32
          %sign3A_359 = arith.cmpi sgt, %jit3A_349, %sign3A_358 : i32
          %sign3A_360 = arith.extui %sign3A_359 : i1 to i32
          %sign3A_361 = arith.constant 0 : i32
          %sign3A_362 = arith.cmpi slt, %jit3A_349, %sign3A_361 : i32
          %sign3A_363 = arith.extui %sign3A_362 : i1 to i32
          %sign3A_364 = arith.subi %sign3A_360, %sign3A_363 : i32
          %ne3A_365 = arith.cmpi ne, %sign3A_357, %sign3A_364 : i32
          %rem3A_366 = arith.remsi %add3A_196, %jit3A_349 : i32
          %ne3A_367 = arith.constant 0 : i32
          %ne3A_368 = arith.cmpi ne, %rem3A_366, %ne3A_367 : i32
          %and3A_369 = arith.andi %ne3A_365, %ne3A_368 : i1
          %sub3A_370 = arith.constant 1 : i32
          %sub3A_371 = arith.subi %div3A_350, %sub3A_370 : i32
          %select_n3A_372 = arith.select %and3A_369, %sub3A_371, %div3A_350 : i32
          %jit3A_373 = arith.constant 2 : i32
          %eq3A_374 = arith.constant 0 : i32
          %eq3A_375 = arith.cmpi eq, %jit3A_373, %eq3A_374 : i32
          %jit3A_376 = arith.constant 1 : i32
          %select_n3A_377 = arith.select %eq3A_375, %jit3A_376, %jit3A_373 : i32
          %rem3A_378 = arith.remsi %select_n3A_372, %select_n3A_377 : i32
          %ne3A_379 = arith.constant 0 : i32
          %ne3A_380 = arith.cmpi ne, %rem3A_378, %ne3A_379 : i32
          %lt3A_381 = arith.constant 0 : i32
          %lt3A_382 = arith.cmpi slt, %rem3A_378, %lt3A_381 : i32
          %lt3A_383 = arith.constant 0 : i32
          %lt3A_384 = arith.cmpi slt, %select_n3A_377, %lt3A_383 : i32
          %ne3A_385 = arith.xori %lt3A_382, %lt3A_384 : i1
          %and3A_386 = arith.andi %ne3A_385, %ne3A_380 : i1
          %add3A_387 = arith.addi %rem3A_378, %select_n3A_377 : i32
          %select_n3A_388 = arith.select %and3A_386, %add3A_387, %rem3A_378 : i32
          %mul3A_389 = arith.constant 800 : i32
          %mul3A_390 = arith.muli %select_n3A_388, %mul3A_389 : i32
          %mul3A_391 = arith.constant 20 : i32
          %mul3A_392 = arith.muli %select_n3A_372, %mul3A_391 : i32
          %sub3A_393 = arith.subi %add3A_196, %mul3A_392 : i32
          %mul3A_394 = arith.constant 40 : i32
          %mul3A_395 = arith.muli %sub3A_393, %mul3A_394 : i32
          %add3A_396 = arith.addi %mul3A_390, %mul3A_395 : i32
          %dma_start3A_397 = arith.constant 2 : i32
          %dma_start3A_398 = arith.constant 0 : i32
          %dma_start3A_399 = arith.constant 0 : i32
          %dma_start3A_400 = tpu.memref_slice %arg13[%dma_start3A_397, %dma_start3A_398, %dma_start3A_399] : memref<4x80x128xf32, #tpu.memory_space<vmem>> -> memref<1x40x128xf32, #tpu.memory_space<vmem>>
          %dma_start3A_401 = tpu.memref_squeeze %dma_start3A_400 : memref<1x40x128xf32, #tpu.memory_space<vmem>> -> memref<40x128xf32, #tpu.memory_space<vmem>>
          %dma_start3A_402 = tpu.memref_slice %arg11[%add3A_396] : memref<1600xi32, #tpu.memory_space<vmem>> -> memref<40xi32, #tpu.memory_space<vmem>>
          %dma_start3A_403 = arith.constant 0 : i32
          %dma_start3A_404 = arith.constant 0 : i32
          %dma_start3A_405 = tpu.memref_slice %arg2[%dma_start3A_403, %dma_start3A_404] : memref<10000x128xf32, #tpu.memory_space<hbm>> -> memref<10000x128xf32, #tpu.memory_space<hbm>>
          tpu.enqueue_indirect_dma source(%dma_start3A_405 : memref<10000x128xf32, #tpu.memory_space<hbm>>) target(%dma_start3A_401 : memref<40x128xf32, #tpu.memory_space<vmem>>) offsets(%dma_start3A_402 : memref<40xi32, #tpu.memory_space<vmem>>) semaphore(%arg18 : memref<!tpu.dma_semaphore, #tpu.memory_space<semaphore_mem>>)
        } else {
        }
        %ge3A_220 = arith.constant 6 : i32
        %ge3A_221 = arith.cmpi sge, %add3A_196, %ge3A_220 : i32
        %lt3A_222 = arith.constant 506 : i32
        %lt3A_223 = arith.cmpi slt, %add3A_196, %lt3A_222 : i32
        %and3A_224 = arith.andi %ge3A_221, %lt3A_223 : i1
        %convert_element_type3A_225 = arith.extui %and3A_224 : i1 to i32
        %cond3A_226 = arith.constant 0 : i32
        %cond3A_227 = arith.cmpi ne, %convert_element_type3A_225, %cond3A_226 : i32
        scf.if %cond3A_227 {
          %dma_wait3A = arith.constant 0 : i32
          %dma_wait3A_349 = arith.constant 0 : i32
          %dma_wait3A_350 = arith.constant 0 : i32
          %dma_wait3A_351 = tpu.memref_slice %arg13[%dma_wait3A, %dma_wait3A_349, %dma_wait3A_350] : memref<4x80x128xf32, #tpu.memory_space<vmem>> -> memref<1x40x128xf32, #tpu.memory_space<vmem>>
          %dma_wait3A_352 = tpu.memref_squeeze %dma_wait3A_351 : memref<1x40x128xf32, #tpu.memory_space<vmem>> -> memref<40x128xf32, #tpu.memory_space<vmem>>
          %dma_wait3A_353 = arith.constant 0 : i32
          %dma_wait3A_354 = tpu.memref_slice %arg11[%dma_wait3A_353] : memref<1600xi32, #tpu.memory_space<vmem>> -> memref<40xi32, #tpu.memory_space<vmem>>
          %dma_wait3A_355 = arith.constant 0 : i32
          %dma_wait3A_356 = arith.constant 0 : i32
          %dma_wait3A_357 = tpu.memref_slice %arg2[%dma_wait3A_355, %dma_wait3A_356] : memref<10000x128xf32, #tpu.memory_space<hbm>> -> memref<10000x128xf32, #tpu.memory_space<hbm>>
          tpu.wait_indirect_dma semaphore(%arg20 : memref<!tpu.dma_semaphore, #tpu.memory_space<semaphore_mem>>) src(%dma_wait3A_357 : memref<10000x128xf32, #tpu.memory_space<hbm>>) dst(%dma_wait3A_352 : memref<40x128xf32, #tpu.memory_space<vmem>>)
          %dma_wait3A_358 = arith.constant 0 : i32
          %dma_wait3A_359 = arith.constant 0 : i32
          %dma_wait3A_360 = arith.constant 0 : i32
          %dma_wait3A_361 = tpu.memref_slice %arg13[%dma_wait3A_358, %dma_wait3A_359, %dma_wait3A_360] : memref<4x80x128xf32, #tpu.memory_space<vmem>> -> memref<1x40x128xf32, #tpu.memory_space<vmem>>
          %dma_wait3A_362 = tpu.memref_squeeze %dma_wait3A_361 : memref<1x40x128xf32, #tpu.memory_space<vmem>> -> memref<40x128xf32, #tpu.memory_space<vmem>>
          %dma_wait3A_363 = arith.constant 0 : i32
          %dma_wait3A_364 = tpu.memref_slice %arg11[%dma_wait3A_363] : memref<1600xi32, #tpu.memory_space<vmem>> -> memref<40xi32, #tpu.memory_space<vmem>>
          %dma_wait3A_365 = arith.constant 0 : i32
          %dma_wait3A_366 = arith.constant 0 : i32
          %dma_wait3A_367 = tpu.memref_slice %arg2[%dma_wait3A_365, %dma_wait3A_366] : memref<10000x128xf32, #tpu.memory_space<hbm>> -> memref<10000x128xf32, #tpu.memory_space<hbm>>
          tpu.wait_indirect_dma semaphore(%arg21 : memref<!tpu.dma_semaphore, #tpu.memory_space<semaphore_mem>>) src(%dma_wait3A_367 : memref<10000x128xf32, #tpu.memory_space<hbm>>) dst(%dma_wait3A_362 : memref<40x128xf32, #tpu.memory_space<vmem>>)
          %sub3A_368 = arith.constant 6 : i32
          %sub3A_369 = arith.subi %add3A_196, %sub3A_368 : i32
          %jit3A_370 = arith.constant 20 : i32
          %div3A_371 = arith.divsi %sub3A_369, %jit3A_370 : i32
          %sign3A_372 = arith.constant 0 : i32
          %sign3A_373 = arith.cmpi sgt, %sub3A_369, %sign3A_372 : i32
          %sign3A_374 = arith.extui %sign3A_373 : i1 to i32
          %sign3A_375 = arith.constant 0 : i32
          %sign3A_376 = arith.cmpi slt, %sub3A_369, %sign3A_375 : i32
          %sign3A_377 = arith.extui %sign3A_376 : i1 to i32
          %sign3A_378 = arith.subi %sign3A_374, %sign3A_377 : i32
          %sign3A_379 = arith.constant 0 : i32
          %sign3A_380 = arith.cmpi sgt, %jit3A_370, %sign3A_379 : i32
          %sign3A_381 = arith.extui %sign3A_380 : i1 to i32
          %sign3A_382 = arith.constant 0 : i32
          %sign3A_383 = arith.cmpi slt, %jit3A_370, %sign3A_382 : i32
          %sign3A_384 = arith.extui %sign3A_383 : i1 to i32
          %sign3A_385 = arith.subi %sign3A_381, %sign3A_384 : i32
          %ne3A_386 = arith.cmpi ne, %sign3A_378, %sign3A_385 : i32
          %rem3A_387 = arith.remsi %sub3A_369, %jit3A_370 : i32
          %ne3A_388 = arith.constant 0 : i32
          %ne3A_389 = arith.cmpi ne, %rem3A_387, %ne3A_388 : i32
          %and3A_390 = arith.andi %ne3A_386, %ne3A_389 : i1
          %sub3A_391 = arith.constant 1 : i32
          %sub3A_392 = arith.subi %div3A_371, %sub3A_391 : i32
          %select_n3A_393 = arith.select %and3A_390, %sub3A_392, %div3A_371 : i32
          %jit3A_394 = arith.constant 2 : i32
          %eq3A_395 = arith.constant 0 : i32
          %eq3A_396 = arith.cmpi eq, %jit3A_394, %eq3A_395 : i32
          %jit3A_397 = arith.constant 1 : i32
          %select_n3A_398 = arith.select %eq3A_396, %jit3A_397, %jit3A_394 : i32
          %rem3A_399 = arith.remsi %select_n3A_393, %select_n3A_398 : i32
          %ne3A_400 = arith.constant 0 : i32
          %ne3A_401 = arith.cmpi ne, %rem3A_399, %ne3A_400 : i32
          %lt3A_402 = arith.constant 0 : i32
          %lt3A_403 = arith.cmpi slt, %rem3A_399, %lt3A_402 : i32
          %lt3A_404 = arith.constant 0 : i32
          %lt3A_405 = arith.cmpi slt, %select_n3A_398, %lt3A_404 : i32
          %ne3A_406 = arith.xori %lt3A_403, %lt3A_405 : i1
          %and3A_407 = arith.andi %ne3A_406, %ne3A_401 : i1
          %add3A_408 = arith.addi %rem3A_399, %select_n3A_398 : i32
          %select_n3A_409 = arith.select %and3A_407, %add3A_408, %rem3A_399 : i32
          %mul3A_410 = arith.constant 800 : i32
          %mul3A_411 = arith.muli %select_n3A_409, %mul3A_410 : i32
          %mul3A_412 = arith.constant 20 : i32
          %mul3A_413 = arith.muli %select_n3A_393, %mul3A_412 : i32
          %sub3A_414 = arith.subi %sub3A_369, %mul3A_413 : i32
          %mul3A_415 = arith.constant 40 : i32
          %mul3A_416 = arith.muli %sub3A_414, %mul3A_415 : i32
          %add3A_417 = arith.addi %mul3A_411, %mul3A_416 : i32
          %dma_start3A_418 = arith.constant 3 : i32
          %dma_start3A_419 = arith.constant 0 : i32
          %dma_start3A_420 = arith.constant 0 : i32
          %dma_start3A_421 = tpu.memref_slice %arg13[%dma_start3A_418, %dma_start3A_419, %dma_start3A_420] : memref<4x80x128xf32, #tpu.memory_space<vmem>> -> memref<1x80x128xf32, #tpu.memory_space<vmem>>
          %dma_start3A_422 = tpu.memref_squeeze %dma_start3A_421 : memref<1x80x128xf32, #tpu.memory_space<vmem>> -> memref<80x128xf32, #tpu.memory_space<vmem>>
          %dma_start3A_423 = tpu.memref_slice %arg12[%add3A_417] : memref<1600xi32, #tpu.memory_space<vmem>> -> memref<80xi32, #tpu.memory_space<vmem>>
          %dma_start3A_424 = arith.constant 0 : i32
          %dma_start3A_425 = arith.constant 0 : i32
          %dma_start3A_426 = tpu.memref_slice %arg10[%dma_start3A_424, %dma_start3A_425] : memref<10000x128xf32, #tpu.memory_space<vmem_shared>> -> memref<10000x128xf32, #tpu.memory_space<vmem_shared>>
          tpu.enqueue_indirect_dma source(%dma_start3A_422 : memref<80x128xf32, #tpu.memory_space<vmem>>) target(%dma_start3A_426 : memref<10000x128xf32, #tpu.memory_space<vmem_shared>>) offsets(%dma_start3A_423 : memref<80xi32, #tpu.memory_space<vmem>>) semaphore(%arg25 : memref<!tpu.dma_semaphore, #tpu.memory_space<semaphore_mem>>) {add = true}
        } else {
        }
        %eq3A_228 = arith.constant 8 : i32
        %eq3A_229 = arith.cmpi eq, %rem3A_198, %eq3A_228 : i32
        %jit3A_230 = arith.constant 20 : i32
        %div3A_231 = arith.divsi %add3A_196, %jit3A_230 : i32
        %sign3A_232 = arith.constant 0 : i32
        %sign3A_233 = arith.cmpi sgt, %add3A_196, %sign3A_232 : i32
        %sign3A_234 = arith.extui %sign3A_233 : i1 to i32
        %sign3A_235 = arith.constant 0 : i32
        %sign3A_236 = arith.cmpi slt, %add3A_196, %sign3A_235 : i32
        %sign3A_237 = arith.extui %sign3A_236 : i1 to i32
        %sign3A_238 = arith.subi %sign3A_234, %sign3A_237 : i32
        %sign3A_239 = arith.constant 0 : i32
        %sign3A_240 = arith.cmpi sgt, %jit3A_230, %sign3A_239 : i32
        %sign3A_241 = arith.extui %sign3A_240 : i1 to i32
        %sign3A_242 = arith.constant 0 : i32
        %sign3A_243 = arith.cmpi slt, %jit3A_230, %sign3A_242 : i32
        %sign3A_244 = arith.extui %sign3A_243 : i1 to i32
        %sign3A_245 = arith.subi %sign3A_241, %sign3A_244 : i32
        %ne3A_246 = arith.cmpi ne, %sign3A_238, %sign3A_245 : i32
        %rem3A_247 = arith.remsi %add3A_196, %jit3A_230 : i32
        %ne3A_248 = arith.constant 0 : i32
        %ne3A_249 = arith.cmpi ne, %rem3A_247, %ne3A_248 : i32
        %and3A_250 = arith.andi %ne3A_246, %ne3A_249 : i1
        %sub3A_251 = arith.constant 1 : i32
        %sub3A_252 = arith.subi %div3A_231, %sub3A_251 : i32
        %select_n3A_253 = arith.select %and3A_250, %sub3A_252, %div3A_231 : i32
        %lt3A_254 = arith.constant 24 : i32
        %lt3A_255 = arith.cmpi slt, %select_n3A_253, %lt3A_254 : i32
        %and3A_256 = arith.andi %eq3A_229, %lt3A_255 : i1
        %convert_element_type3A_257 = arith.extui %and3A_256 : i1 to i32
        %cond3A_258 = arith.constant 0 : i32
        %cond3A_259 = arith.cmpi ne, %convert_element_type3A_257, %cond3A_258 : i32
        scf.if %cond3A_259 {
          %jit3A_349 = arith.constant 20 : i32
          %div3A_350 = arith.divsi %add3A_196, %jit3A_349 : i32
          %sign3A_351 = arith.constant 0 : i32
          %sign3A_352 = arith.cmpi sgt, %add3A_196, %sign3A_351 : i32
          %sign3A_353 = arith.extui %sign3A_352 : i1 to i32
          %sign3A_354 = arith.constant 0 : i32
          %sign3A_355 = arith.cmpi slt, %add3A_196, %sign3A_354 : i32
          %sign3A_356 = arith.extui %sign3A_355 : i1 to i32
          %sign3A_357 = arith.subi %sign3A_353, %sign3A_356 : i32
          %sign3A_358 = arith.constant 0 : i32
          %sign3A_359 = arith.cmpi sgt, %jit3A_349, %sign3A_358 : i32
          %sign3A_360 = arith.extui %sign3A_359 : i1 to i32
          %sign3A_361 = arith.constant 0 : i32
          %sign3A_362 = arith.cmpi slt, %jit3A_349, %sign3A_361 : i32
          %sign3A_363 = arith.extui %sign3A_362 : i1 to i32
          %sign3A_364 = arith.subi %sign3A_360, %sign3A_363 : i32
          %ne3A_365 = arith.cmpi ne, %sign3A_357, %sign3A_364 : i32
          %rem3A_366 = arith.remsi %add3A_196, %jit3A_349 : i32
          %ne3A_367 = arith.constant 0 : i32
          %ne3A_368 = arith.cmpi ne, %rem3A_366, %ne3A_367 : i32
          %and3A_369 = arith.andi %ne3A_365, %ne3A_368 : i1
          %sub3A_370 = arith.constant 1 : i32
          %sub3A_371 = arith.subi %div3A_350, %sub3A_370 : i32
          %select_n3A_372 = arith.select %and3A_369, %sub3A_371, %div3A_350 : i32
          %add3A_373 = arith.constant 1 : i32
          %add3A_374 = arith.addi %select_n3A_372, %add3A_373 : i32
          %jit3A_375 = arith.constant 2 : i32
          %eq3A_376 = arith.constant 0 : i32
          %eq3A_377 = arith.cmpi eq, %jit3A_375, %eq3A_376 : i32
          %jit3A_378 = arith.constant 1 : i32
          %select_n3A_379 = arith.select %eq3A_377, %jit3A_378, %jit3A_375 : i32
          %rem3A_380 = arith.remsi %add3A_374, %select_n3A_379 : i32
          %ne3A_381 = arith.constant 0 : i32
          %ne3A_382 = arith.cmpi ne, %rem3A_380, %ne3A_381 : i32
          %lt3A_383 = arith.constant 0 : i32
          %lt3A_384 = arith.cmpi slt, %rem3A_380, %lt3A_383 : i32
          %lt3A_385 = arith.constant 0 : i32
          %lt3A_386 = arith.cmpi slt, %select_n3A_379, %lt3A_385 : i32
          %ne3A_387 = arith.xori %lt3A_384, %lt3A_386 : i1
          %and3A_388 = arith.andi %ne3A_387, %ne3A_382 : i1
          %add3A_389 = arith.addi %rem3A_380, %select_n3A_379 : i32
          %select_n3A_390 = arith.select %and3A_388, %add3A_389, %rem3A_380 : i32
          %mul3A_391 = arith.constant 800 : i32
          %mul3A_392 = arith.muli %select_n3A_390, %mul3A_391 : i32
          %mul3A_393 = arith.constant 800 : i32
          %mul3A_394 = arith.muli %add3A_374, %mul3A_393 : i32
          %add3A_395 = arith.addi %mul3A_18, %mul3A_394 : i32
          %dma_start3A_396 = tpu.memref_slice %arg11[%mul3A_392] : memref<1600xi32, #tpu.memory_space<vmem>> -> memref<800xi32, #tpu.memory_space<vmem>>
          %dma_start3A_397 = tpu.memref_slice %arg5[%add3A_395] : memref<320000xi32, #tpu.memory_space<hbm>> -> memref<800xi32, #tpu.memory_space<hbm>>
          %dma_start3A_398 = tpu.memref_slice %arg11[%mul3A_392] : memref<1600xi32, #tpu.memory_space<vmem>> -> memref<800xi32, #tpu.memory_space<vmem>>
          %dma_start3A_399 = tpu.memref_slice %arg5[%add3A_395] : memref<320000xi32, #tpu.memory_space<hbm>> -> memref<800xi32, #tpu.memory_space<hbm>>
          tpu.enqueue_dma source(%dma_start3A_399 : memref<800xi32, #tpu.memory_space<hbm>>) target(%dma_start3A_398 : memref<800xi32, #tpu.memory_space<vmem>>) target_semaphore(%arg26 : memref<!tpu.dma_semaphore, #tpu.memory_space<semaphore_mem>>)
          %mul3A_400 = arith.constant 800 : i32
          %mul3A_401 = arith.muli %add3A_374, %mul3A_400 : i32
          %add3A_402 = arith.addi %mul3A_18, %mul3A_401 : i32
          %dma_start3A_403 = tpu.memref_slice %arg12[%mul3A_392] : memref<1600xi32, #tpu.memory_space<vmem>> -> memref<800xi32, #tpu.memory_space<vmem>>
          %dma_start3A_404 = tpu.memref_slice %arg6[%add3A_402] : memref<320000xi32, #tpu.memory_space<hbm>> -> memref<800xi32, #tpu.memory_space<hbm>>
          %dma_start3A_405 = tpu.memref_slice %arg12[%mul3A_392] : memref<1600xi32, #tpu.memory_space<vmem>> -> memref<800xi32, #tpu.memory_space<vmem>>
          %dma_start3A_406 = tpu.memref_slice %arg6[%add3A_402] : memref<320000xi32, #tpu.memory_space<hbm>> -> memref<800xi32, #tpu.memory_space<hbm>>
          tpu.enqueue_dma source(%dma_start3A_406 : memref<800xi32, #tpu.memory_space<hbm>>) target(%dma_start3A_405 : memref<800xi32, #tpu.memory_space<vmem>>) target_semaphore(%arg26 : memref<!tpu.dma_semaphore, #tpu.memory_space<semaphore_mem>>)
        } else {
        }
        %mul3A_260 = arith.constant 8 : i32
        %mul3A_261 = arith.muli %scan3A_46, %mul3A_260 : i32
        %add3A_262 = arith.constant 5 : i32
        %add3A_263 = arith.addi %mul3A_261, %add3A_262 : i32
        %rem3A_264 = arith.constant 20 : i32
        %rem3A_265 = arith.remsi %add3A_263, %rem3A_264 : i32
        %lt3A_266 = arith.constant 500 : i32
        %lt3A_267 = arith.cmpi slt, %add3A_263, %lt3A_266 : i32
        %convert_element_type3A_268 = arith.extui %lt3A_267 : i1 to i32
        %cond3A_269 = arith.constant 0 : i32
        %cond3A_270 = arith.cmpi ne, %convert_element_type3A_268, %cond3A_269 : i32
        scf.if %cond3A_270 {
          %jit3A_349 = arith.constant 20 : i32
          %div3A_350 = arith.divsi %add3A_263, %jit3A_349 : i32
          %sign3A_351 = arith.constant 0 : i32
          %sign3A_352 = arith.cmpi sgt, %add3A_263, %sign3A_351 : i32
          %sign3A_353 = arith.extui %sign3A_352 : i1 to i32
          %sign3A_354 = arith.constant 0 : i32
          %sign3A_355 = arith.cmpi slt, %add3A_263, %sign3A_354 : i32
          %sign3A_356 = arith.extui %sign3A_355 : i1 to i32
          %sign3A_357 = arith.subi %sign3A_353, %sign3A_356 : i32
          %sign3A_358 = arith.constant 0 : i32
          %sign3A_359 = arith.cmpi sgt, %jit3A_349, %sign3A_358 : i32
          %sign3A_360 = arith.extui %sign3A_359 : i1 to i32
          %sign3A_361 = arith.constant 0 : i32
          %sign3A_362 = arith.cmpi slt, %jit3A_349, %sign3A_361 : i32
          %sign3A_363 = arith.extui %sign3A_362 : i1 to i32
          %sign3A_364 = arith.subi %sign3A_360, %sign3A_363 : i32
          %ne3A_365 = arith.cmpi ne, %sign3A_357, %sign3A_364 : i32
          %rem3A_366 = arith.remsi %add3A_263, %jit3A_349 : i32
          %ne3A_367 = arith.constant 0 : i32
          %ne3A_368 = arith.cmpi ne, %rem3A_366, %ne3A_367 : i32
          %and3A_369 = arith.andi %ne3A_365, %ne3A_368 : i1
          %sub3A_370 = arith.constant 1 : i32
          %sub3A_371 = arith.subi %div3A_350, %sub3A_370 : i32
          %select_n3A_372 = arith.select %and3A_369, %sub3A_371, %div3A_350 : i32
          %jit3A_373 = arith.constant 2 : i32
          %eq3A_374 = arith.constant 0 : i32
          %eq3A_375 = arith.cmpi eq, %jit3A_373, %eq3A_374 : i32
          %jit3A_376 = arith.constant 1 : i32
          %select_n3A_377 = arith.select %eq3A_375, %jit3A_376, %jit3A_373 : i32
          %rem3A_378 = arith.remsi %select_n3A_372, %select_n3A_377 : i32
          %ne3A_379 = arith.constant 0 : i32
          %ne3A_380 = arith.cmpi ne, %rem3A_378, %ne3A_379 : i32
          %lt3A_381 = arith.constant 0 : i32
          %lt3A_382 = arith.cmpi slt, %rem3A_378, %lt3A_381 : i32
          %lt3A_383 = arith.constant 0 : i32
          %lt3A_384 = arith.cmpi slt, %select_n3A_377, %lt3A_383 : i32
          %ne3A_385 = arith.xori %lt3A_382, %lt3A_384 : i1
          %and3A_386 = arith.andi %ne3A_385, %ne3A_380 : i1
          %add3A_387 = arith.addi %rem3A_378, %select_n3A_377 : i32
          %select_n3A_388 = arith.select %and3A_386, %add3A_387, %rem3A_378 : i32
          %mul3A_389 = arith.constant 800 : i32
          %mul3A_390 = arith.muli %select_n3A_388, %mul3A_389 : i32
          %mul3A_391 = arith.constant 20 : i32
          %mul3A_392 = arith.muli %select_n3A_372, %mul3A_391 : i32
          %sub3A_393 = arith.subi %add3A_263, %mul3A_392 : i32
          %mul3A_394 = arith.constant 40 : i32
          %mul3A_395 = arith.muli %sub3A_393, %mul3A_394 : i32
          %add3A_396 = arith.addi %mul3A_390, %mul3A_395 : i32
          %dma_start3A_397 = arith.constant 2 : i32
          %dma_start3A_398 = arith.constant 40 : i32
          %dma_start3A_399 = arith.constant 0 : i32
          %dma_start3A_400 = tpu.memref_slice %arg13[%dma_start3A_397, %dma_start3A_398, %dma_start3A_399] : memref<4x80x128xf32, #tpu.memory_space<vmem>> -> memref<1x40x128xf32, #tpu.memory_space<vmem>>
          %dma_start3A_401 = tpu.memref_squeeze %dma_start3A_400 : memref<1x40x128xf32, #tpu.memory_space<vmem>> -> memref<40x128xf32, #tpu.memory_space<vmem>>
          %dma_start3A_402 = tpu.memref_slice %arg11[%add3A_396] : memref<1600xi32, #tpu.memory_space<vmem>> -> memref<40xi32, #tpu.memory_space<vmem>>
          %dma_start3A_403 = arith.constant 0 : i32
          %dma_start3A_404 = arith.constant 0 : i32
          %dma_start3A_405 = tpu.memref_slice %arg2[%dma_start3A_403, %dma_start3A_404] : memref<10000x128xf32, #tpu.memory_space<hbm>> -> memref<10000x128xf32, #tpu.memory_space<hbm>>
          tpu.enqueue_indirect_dma source(%dma_start3A_405 : memref<10000x128xf32, #tpu.memory_space<hbm>>) target(%dma_start3A_401 : memref<40x128xf32, #tpu.memory_space<vmem>>) offsets(%dma_start3A_402 : memref<40xi32, #tpu.memory_space<vmem>>) semaphore(%arg19 : memref<!tpu.dma_semaphore, #tpu.memory_space<semaphore_mem>>)
        } else {
        }
        %mul3A_271 = arith.constant 8 : i32
        %mul3A_272 = arith.muli %scan3A_46, %mul3A_271 : i32
        %add3A_273 = arith.constant 6 : i32
        %add3A_274 = arith.addi %mul3A_272, %add3A_273 : i32
        %rem3A_275 = arith.constant 20 : i32
        %rem3A_276 = arith.remsi %add3A_274, %rem3A_275 : i32
        %eq3A_277 = arith.constant 0 : i32
        %eq3A_278 = arith.cmpi eq, %rem3A_276, %eq3A_277 : i32
        %lt3A_279 = arith.constant 500 : i32
        %lt3A_280 = arith.cmpi slt, %add3A_274, %lt3A_279 : i32
        %and3A_281 = arith.andi %eq3A_278, %lt3A_280 : i1
        %convert_element_type3A_282 = arith.extui %and3A_281 : i1 to i32
        %cond3A_283 = arith.constant 0 : i32
        %cond3A_284 = arith.cmpi ne, %convert_element_type3A_282, %cond3A_283 : i32
        scf.if %cond3A_284 {
          %dma_wait3A = arith.constant 0 : i32
          %dma_wait3A_349 = tpu.memref_slice %arg11[%dma_wait3A] : memref<1600xi32, #tpu.memory_space<vmem>> -> memref<800xi32, #tpu.memory_space<vmem>>
          %dma_wait3A_350 = tpu.memref_slice %arg5[%mul3A_18] : memref<320000xi32, #tpu.memory_space<hbm>> -> memref<800xi32, #tpu.memory_space<hbm>>
          %dma_wait3A_351 = arith.constant 0 : i32
          %dma_wait3A_352 = tpu.memref_slice %arg11[%dma_wait3A_351] : memref<1600xi32, #tpu.memory_space<vmem>> -> memref<800xi32, #tpu.memory_space<vmem>>
          %dma_wait3A_353 = tpu.memref_slice %arg5[%mul3A_18] : memref<320000xi32, #tpu.memory_space<hbm>> -> memref<800xi32, #tpu.memory_space<hbm>>
          tpu.wait_dma2 semaphore(%arg26 : memref<!tpu.dma_semaphore, #tpu.memory_space<semaphore_mem>>) src(%dma_wait3A_353 : memref<800xi32, #tpu.memory_space<hbm>>) dst(%dma_wait3A_352 : memref<800xi32, #tpu.memory_space<vmem>>)
          %dma_wait3A_354 = arith.constant 0 : i32
          %dma_wait3A_355 = tpu.memref_slice %arg11[%dma_wait3A_354] : memref<1600xi32, #tpu.memory_space<vmem>> -> memref<800xi32, #tpu.memory_space<vmem>>
          %dma_wait3A_356 = tpu.memref_slice %arg5[%mul3A_18] : memref<320000xi32, #tpu.memory_space<hbm>> -> memref<800xi32, #tpu.memory_space<hbm>>
          %dma_wait3A_357 = arith.constant 0 : i32
          %dma_wait3A_358 = tpu.memref_slice %arg11[%dma_wait3A_357] : memref<1600xi32, #tpu.memory_space<vmem>> -> memref<800xi32, #tpu.memory_space<vmem>>
          %dma_wait3A_359 = tpu.memref_slice %arg5[%mul3A_18] : memref<320000xi32, #tpu.memory_space<hbm>> -> memref<800xi32, #tpu.memory_space<hbm>>
          tpu.wait_dma2 semaphore(%arg26 : memref<!tpu.dma_semaphore, #tpu.memory_space<semaphore_mem>>) src(%dma_wait3A_359 : memref<800xi32, #tpu.memory_space<hbm>>) dst(%dma_wait3A_358 : memref<800xi32, #tpu.memory_space<vmem>>)
        } else {
        }
        %ge3A_285 = arith.constant 8 : i32
        %ge3A_286 = arith.cmpi sge, %add3A_274, %ge3A_285 : i32
        %lt3A_287 = arith.constant 508 : i32
        %lt3A_288 = arith.cmpi slt, %add3A_274, %lt3A_287 : i32
        %and3A_289 = arith.andi %ge3A_286, %lt3A_288 : i1
        %convert_element_type3A_290 = arith.extui %and3A_289 : i1 to i32
        %cond3A_291 = arith.constant 0 : i32
        %cond3A_292 = arith.cmpi ne, %convert_element_type3A_290, %cond3A_291 : i32
        scf.if %cond3A_292 {
          %dma_wait3A = arith.constant 3 : i32
          %dma_wait3A_349 = arith.constant 0 : i32
          %dma_wait3A_350 = arith.constant 0 : i32
          %dma_wait3A_351 = tpu.memref_slice %arg13[%dma_wait3A, %dma_wait3A_349, %dma_wait3A_350] : memref<4x80x128xf32, #tpu.memory_space<vmem>> -> memref<1x80x128xf32, #tpu.memory_space<vmem>>
          %dma_wait3A_352 = tpu.memref_squeeze %dma_wait3A_351 : memref<1x80x128xf32, #tpu.memory_space<vmem>> -> memref<80x128xf32, #tpu.memory_space<vmem>>
          %dma_wait3A_353 = arith.constant 0 : i32
          %dma_wait3A_354 = tpu.memref_slice %arg12[%dma_wait3A_353] : memref<1600xi32, #tpu.memory_space<vmem>> -> memref<80xi32, #tpu.memory_space<vmem>>
          %dma_wait3A_355 = arith.constant 0 : i32
          %dma_wait3A_356 = arith.constant 0 : i32
          %dma_wait3A_357 = tpu.memref_slice %arg10[%dma_wait3A_355, %dma_wait3A_356] : memref<10000x128xf32, #tpu.memory_space<vmem_shared>> -> memref<10000x128xf32, #tpu.memory_space<vmem_shared>>
          tpu.wait_indirect_dma semaphore(%arg25 : memref<!tpu.dma_semaphore, #tpu.memory_space<semaphore_mem>>) src(%dma_wait3A_352 : memref<80x128xf32, #tpu.memory_space<vmem>>) dst(%dma_wait3A_357 : memref<10000x128xf32, #tpu.memory_space<vmem_shared>>)
        } else {
        }
        %lt3A_293 = arith.constant 500 : i32
        %lt3A_294 = arith.cmpi slt, %add3A_274, %lt3A_293 : i32
        %convert_element_type3A_295 = arith.extui %lt3A_294 : i1 to i32
        %cond3A_296 = arith.constant 0 : i32
        %cond3A_297 = arith.cmpi ne, %convert_element_type3A_295, %cond3A_296 : i32
        scf.if %cond3A_297 {
          %jit3A_349 = arith.constant 20 : i32
          %div3A_350 = arith.divsi %add3A_274, %jit3A_349 : i32
          %sign3A_351 = arith.constant 0 : i32
          %sign3A_352 = arith.cmpi sgt, %add3A_274, %sign3A_351 : i32
          %sign3A_353 = arith.extui %sign3A_352 : i1 to i32
          %sign3A_354 = arith.constant 0 : i32
          %sign3A_355 = arith.cmpi slt, %add3A_274, %sign3A_354 : i32
          %sign3A_356 = arith.extui %sign3A_355 : i1 to i32
          %sign3A_357 = arith.subi %sign3A_353, %sign3A_356 : i32
          %sign3A_358 = arith.constant 0 : i32
          %sign3A_359 = arith.cmpi sgt, %jit3A_349, %sign3A_358 : i32
          %sign3A_360 = arith.extui %sign3A_359 : i1 to i32
          %sign3A_361 = arith.constant 0 : i32
          %sign3A_362 = arith.cmpi slt, %jit3A_349, %sign3A_361 : i32
          %sign3A_363 = arith.extui %sign3A_362 : i1 to i32
          %sign3A_364 = arith.subi %sign3A_360, %sign3A_363 : i32
          %ne3A_365 = arith.cmpi ne, %sign3A_357, %sign3A_364 : i32
          %rem3A_366 = arith.remsi %add3A_274, %jit3A_349 : i32
          %ne3A_367 = arith.constant 0 : i32
          %ne3A_368 = arith.cmpi ne, %rem3A_366, %ne3A_367 : i32
          %and3A_369 = arith.andi %ne3A_365, %ne3A_368 : i1
          %sub3A_370 = arith.constant 1 : i32
          %sub3A_371 = arith.subi %div3A_350, %sub3A_370 : i32
          %select_n3A_372 = arith.select %and3A_369, %sub3A_371, %div3A_350 : i32
          %jit3A_373 = arith.constant 2 : i32
          %eq3A_374 = arith.constant 0 : i32
          %eq3A_375 = arith.cmpi eq, %jit3A_373, %eq3A_374 : i32
          %jit3A_376 = arith.constant 1 : i32
          %select_n3A_377 = arith.select %eq3A_375, %jit3A_376, %jit3A_373 : i32
          %rem3A_378 = arith.remsi %select_n3A_372, %select_n3A_377 : i32
          %ne3A_379 = arith.constant 0 : i32
          %ne3A_380 = arith.cmpi ne, %rem3A_378, %ne3A_379 : i32
          %lt3A_381 = arith.constant 0 : i32
          %lt3A_382 = arith.cmpi slt, %rem3A_378, %lt3A_381 : i32
          %lt3A_383 = arith.constant 0 : i32
          %lt3A_384 = arith.cmpi slt, %select_n3A_377, %lt3A_383 : i32
          %ne3A_385 = arith.xori %lt3A_382, %lt3A_384 : i1
          %and3A_386 = arith.andi %ne3A_385, %ne3A_380 : i1
          %add3A_387 = arith.addi %rem3A_378, %select_n3A_377 : i32
          %select_n3A_388 = arith.select %and3A_386, %add3A_387, %rem3A_378 : i32
          %mul3A_389 = arith.constant 800 : i32
          %mul3A_390 = arith.muli %select_n3A_388, %mul3A_389 : i32
          %mul3A_391 = arith.constant 20 : i32
          %mul3A_392 = arith.muli %select_n3A_372, %mul3A_391 : i32
          %sub3A_393 = arith.subi %add3A_274, %mul3A_392 : i32
          %mul3A_394 = arith.constant 40 : i32
          %mul3A_395 = arith.muli %sub3A_393, %mul3A_394 : i32
          %add3A_396 = arith.addi %mul3A_390, %mul3A_395 : i32
          %dma_start3A_397 = arith.constant 3 : i32
          %dma_start3A_398 = arith.constant 0 : i32
          %dma_start3A_399 = arith.constant 0 : i32
          %dma_start3A_400 = tpu.memref_slice %arg13[%dma_start3A_397, %dma_start3A_398, %dma_start3A_399] : memref<4x80x128xf32, #tpu.memory_space<vmem>> -> memref<1x40x128xf32, #tpu.memory_space<vmem>>
          %dma_start3A_401 = tpu.memref_squeeze %dma_start3A_400 : memref<1x40x128xf32, #tpu.memory_space<vmem>> -> memref<40x128xf32, #tpu.memory_space<vmem>>
          %dma_start3A_402 = tpu.memref_slice %arg11[%add3A_396] : memref<1600xi32, #tpu.memory_space<vmem>> -> memref<40xi32, #tpu.memory_space<vmem>>
          %dma_start3A_403 = arith.constant 0 : i32
          %dma_start3A_404 = arith.constant 0 : i32
          %dma_start3A_405 = tpu.memref_slice %arg2[%dma_start3A_403, %dma_start3A_404] : memref<10000x128xf32, #tpu.memory_space<hbm>> -> memref<10000x128xf32, #tpu.memory_space<hbm>>
          tpu.enqueue_indirect_dma source(%dma_start3A_405 : memref<10000x128xf32, #tpu.memory_space<hbm>>) target(%dma_start3A_401 : memref<40x128xf32, #tpu.memory_space<vmem>>) offsets(%dma_start3A_402 : memref<40xi32, #tpu.memory_space<vmem>>) semaphore(%arg20 : memref<!tpu.dma_semaphore, #tpu.memory_space<semaphore_mem>>)
        } else {
        }
        %ge3A_298 = arith.constant 6 : i32
        %ge3A_299 = arith.cmpi sge, %add3A_274, %ge3A_298 : i32
        %lt3A_300 = arith.constant 506 : i32
        %lt3A_301 = arith.cmpi slt, %add3A_274, %lt3A_300 : i32
        %and3A_302 = arith.andi %ge3A_299, %lt3A_301 : i1
        %convert_element_type3A_303 = arith.extui %and3A_302 : i1 to i32
        %cond3A_304 = arith.constant 0 : i32
        %cond3A_305 = arith.cmpi ne, %convert_element_type3A_303, %cond3A_304 : i32
        scf.if %cond3A_305 {
          %dma_wait3A = arith.constant 0 : i32
          %dma_wait3A_349 = arith.constant 0 : i32
          %dma_wait3A_350 = arith.constant 0 : i32
          %dma_wait3A_351 = tpu.memref_slice %arg13[%dma_wait3A, %dma_wait3A_349, %dma_wait3A_350] : memref<4x80x128xf32, #tpu.memory_space<vmem>> -> memref<1x40x128xf32, #tpu.memory_space<vmem>>
          %dma_wait3A_352 = tpu.memref_squeeze %dma_wait3A_351 : memref<1x40x128xf32, #tpu.memory_space<vmem>> -> memref<40x128xf32, #tpu.memory_space<vmem>>
          %dma_wait3A_353 = arith.constant 0 : i32
          %dma_wait3A_354 = tpu.memref_slice %arg11[%dma_wait3A_353] : memref<1600xi32, #tpu.memory_space<vmem>> -> memref<40xi32, #tpu.memory_space<vmem>>
          %dma_wait3A_355 = arith.constant 0 : i32
          %dma_wait3A_356 = arith.constant 0 : i32
          %dma_wait3A_357 = tpu.memref_slice %arg2[%dma_wait3A_355, %dma_wait3A_356] : memref<10000x128xf32, #tpu.memory_space<hbm>> -> memref<10000x128xf32, #tpu.memory_space<hbm>>
          tpu.wait_indirect_dma semaphore(%arg14 : memref<!tpu.dma_semaphore, #tpu.memory_space<semaphore_mem>>) src(%dma_wait3A_357 : memref<10000x128xf32, #tpu.memory_space<hbm>>) dst(%dma_wait3A_352 : memref<40x128xf32, #tpu.memory_space<vmem>>)
          %dma_wait3A_358 = arith.constant 0 : i32
          %dma_wait3A_359 = arith.constant 0 : i32
          %dma_wait3A_360 = arith.constant 0 : i32
          %dma_wait3A_361 = tpu.memref_slice %arg13[%dma_wait3A_358, %dma_wait3A_359, %dma_wait3A_360] : memref<4x80x128xf32, #tpu.memory_space<vmem>> -> memref<1x40x128xf32, #tpu.memory_space<vmem>>
          %dma_wait3A_362 = tpu.memref_squeeze %dma_wait3A_361 : memref<1x40x128xf32, #tpu.memory_space<vmem>> -> memref<40x128xf32, #tpu.memory_space<vmem>>
          %dma_wait3A_363 = arith.constant 0 : i32
          %dma_wait3A_364 = tpu.memref_slice %arg11[%dma_wait3A_363] : memref<1600xi32, #tpu.memory_space<vmem>> -> memref<40xi32, #tpu.memory_space<vmem>>
          %dma_wait3A_365 = arith.constant 0 : i32
          %dma_wait3A_366 = arith.constant 0 : i32
          %dma_wait3A_367 = tpu.memref_slice %arg2[%dma_wait3A_365, %dma_wait3A_366] : memref<10000x128xf32, #tpu.memory_space<hbm>> -> memref<10000x128xf32, #tpu.memory_space<hbm>>
          tpu.wait_indirect_dma semaphore(%arg15 : memref<!tpu.dma_semaphore, #tpu.memory_space<semaphore_mem>>) src(%dma_wait3A_367 : memref<10000x128xf32, #tpu.memory_space<hbm>>) dst(%dma_wait3A_362 : memref<40x128xf32, #tpu.memory_space<vmem>>)
          %sub3A_368 = arith.constant 6 : i32
          %sub3A_369 = arith.subi %add3A_274, %sub3A_368 : i32
          %jit3A_370 = arith.constant 20 : i32
          %div3A_371 = arith.divsi %sub3A_369, %jit3A_370 : i32
          %sign3A_372 = arith.constant 0 : i32
          %sign3A_373 = arith.cmpi sgt, %sub3A_369, %sign3A_372 : i32
          %sign3A_374 = arith.extui %sign3A_373 : i1 to i32
          %sign3A_375 = arith.constant 0 : i32
          %sign3A_376 = arith.cmpi slt, %sub3A_369, %sign3A_375 : i32
          %sign3A_377 = arith.extui %sign3A_376 : i1 to i32
          %sign3A_378 = arith.subi %sign3A_374, %sign3A_377 : i32
          %sign3A_379 = arith.constant 0 : i32
          %sign3A_380 = arith.cmpi sgt, %jit3A_370, %sign3A_379 : i32
          %sign3A_381 = arith.extui %sign3A_380 : i1 to i32
          %sign3A_382 = arith.constant 0 : i32
          %sign3A_383 = arith.cmpi slt, %jit3A_370, %sign3A_382 : i32
          %sign3A_384 = arith.extui %sign3A_383 : i1 to i32
          %sign3A_385 = arith.subi %sign3A_381, %sign3A_384 : i32
          %ne3A_386 = arith.cmpi ne, %sign3A_378, %sign3A_385 : i32
          %rem3A_387 = arith.remsi %sub3A_369, %jit3A_370 : i32
          %ne3A_388 = arith.constant 0 : i32
          %ne3A_389 = arith.cmpi ne, %rem3A_387, %ne3A_388 : i32
          %and3A_390 = arith.andi %ne3A_386, %ne3A_389 : i1
          %sub3A_391 = arith.constant 1 : i32
          %sub3A_392 = arith.subi %div3A_371, %sub3A_391 : i32
          %select_n3A_393 = arith.select %and3A_390, %sub3A_392, %div3A_371 : i32
          %jit3A_394 = arith.constant 2 : i32
          %eq3A_395 = arith.constant 0 : i32
          %eq3A_396 = arith.cmpi eq, %jit3A_394, %eq3A_395 : i32
          %jit3A_397 = arith.constant 1 : i32
          %select_n3A_398 = arith.select %eq3A_396, %jit3A_397, %jit3A_394 : i32
          %rem3A_399 = arith.remsi %select_n3A_393, %select_n3A_398 : i32
          %ne3A_400 = arith.constant 0 : i32
          %ne3A_401 = arith.cmpi ne, %rem3A_399, %ne3A_400 : i32
          %lt3A_402 = arith.constant 0 : i32
          %lt3A_403 = arith.cmpi slt, %rem3A_399, %lt3A_402 : i32
          %lt3A_404 = arith.constant 0 : i32
          %lt3A_405 = arith.cmpi slt, %select_n3A_398, %lt3A_404 : i32
          %ne3A_406 = arith.xori %lt3A_403, %lt3A_405 : i1
          %and3A_407 = arith.andi %ne3A_406, %ne3A_401 : i1
          %add3A_408 = arith.addi %rem3A_399, %select_n3A_398 : i32
          %select_n3A_409 = arith.select %and3A_407, %add3A_408, %rem3A_399 : i32
          %mul3A_410 = arith.constant 800 : i32
          %mul3A_411 = arith.muli %select_n3A_409, %mul3A_410 : i32
          %mul3A_412 = arith.constant 20 : i32
          %mul3A_413 = arith.muli %select_n3A_393, %mul3A_412 : i32
          %sub3A_414 = arith.subi %sub3A_369, %mul3A_413 : i32
          %mul3A_415 = arith.constant 40 : i32
          %mul3A_416 = arith.muli %sub3A_414, %mul3A_415 : i32
          %add3A_417 = arith.addi %mul3A_411, %mul3A_416 : i32
          %dma_start3A_418 = arith.constant 0 : i32
          %dma_start3A_419 = arith.constant 0 : i32
          %dma_start3A_420 = arith.constant 0 : i32
          %dma_start3A_421 = tpu.memref_slice %arg13[%dma_start3A_418, %dma_start3A_419, %dma_start3A_420] : memref<4x80x128xf32, #tpu.memory_space<vmem>> -> memref<1x80x128xf32, #tpu.memory_space<vmem>>
          %dma_start3A_422 = tpu.memref_squeeze %dma_start3A_421 : memref<1x80x128xf32, #tpu.memory_space<vmem>> -> memref<80x128xf32, #tpu.memory_space<vmem>>
          %dma_start3A_423 = tpu.memref_slice %arg12[%add3A_417] : memref<1600xi32, #tpu.memory_space<vmem>> -> memref<80xi32, #tpu.memory_space<vmem>>
          %dma_start3A_424 = arith.constant 0 : i32
          %dma_start3A_425 = arith.constant 0 : i32
          %dma_start3A_426 = tpu.memref_slice %arg10[%dma_start3A_424, %dma_start3A_425] : memref<10000x128xf32, #tpu.memory_space<vmem_shared>> -> memref<10000x128xf32, #tpu.memory_space<vmem_shared>>
          tpu.enqueue_indirect_dma source(%dma_start3A_422 : memref<80x128xf32, #tpu.memory_space<vmem>>) target(%dma_start3A_426 : memref<10000x128xf32, #tpu.memory_space<vmem_shared>>) offsets(%dma_start3A_423 : memref<80xi32, #tpu.memory_space<vmem>>) semaphore(%arg22 : memref<!tpu.dma_semaphore, #tpu.memory_space<semaphore_mem>>) {add = true}
        } else {
        }
        %eq3A_306 = arith.constant 8 : i32
        %eq3A_307 = arith.cmpi eq, %rem3A_276, %eq3A_306 : i32
        %jit3A_308 = arith.constant 20 : i32
        %div3A_309 = arith.divsi %add3A_274, %jit3A_308 : i32
        %sign3A_310 = arith.constant 0 : i32
        %sign3A_311 = arith.cmpi sgt, %add3A_274, %sign3A_310 : i32
        %sign3A_312 = arith.extui %sign3A_311 : i1 to i32
        %sign3A_313 = arith.constant 0 : i32
        %sign3A_314 = arith.cmpi slt, %add3A_274, %sign3A_313 : i32
        %sign3A_315 = arith.extui %sign3A_314 : i1 to i32
        %sign3A_316 = arith.subi %sign3A_312, %sign3A_315 : i32
        %sign3A_317 = arith.constant 0 : i32
        %sign3A_318 = arith.cmpi sgt, %jit3A_308, %sign3A_317 : i32
        %sign3A_319 = arith.extui %sign3A_318 : i1 to i32
        %sign3A_320 = arith.constant 0 : i32
        %sign3A_321 = arith.cmpi slt, %jit3A_308, %sign3A_320 : i32
        %sign3A_322 = arith.extui %sign3A_321 : i1 to i32
        %sign3A_323 = arith.subi %sign3A_319, %sign3A_322 : i32
        %ne3A_324 = arith.cmpi ne, %sign3A_316, %sign3A_323 : i32
        %rem3A_325 = arith.remsi %add3A_274, %jit3A_308 : i32
        %ne3A_326 = arith.constant 0 : i32
        %ne3A_327 = arith.cmpi ne, %rem3A_325, %ne3A_326 : i32
        %and3A_328 = arith.andi %ne3A_324, %ne3A_327 : i1
        %sub3A_329 = arith.constant 1 : i32
        %sub3A_330 = arith.subi %div3A_309, %sub3A_329 : i32
        %select_n3A_331 = arith.select %and3A_328, %sub3A_330, %div3A_309 : i32
        %lt3A_332 = arith.constant 24 : i32
        %lt3A_333 = arith.cmpi slt, %select_n3A_331, %lt3A_332 : i32
        %and3A_334 = arith.andi %eq3A_307, %lt3A_333 : i1
        %convert_element_type3A_335 = arith.extui %and3A_334 : i1 to i32
        %cond3A_336 = arith.constant 0 : i32
        %cond3A_337 = arith.cmpi ne, %convert_element_type3A_335, %cond3A_336 : i32
        scf.if %cond3A_337 {
          %jit3A_349 = arith.constant 20 : i32
          %div3A_350 = arith.divsi %add3A_274, %jit3A_349 : i32
          %sign3A_351 = arith.constant 0 : i32
          %sign3A_352 = arith.cmpi sgt, %add3A_274, %sign3A_351 : i32
          %sign3A_353 = arith.extui %sign3A_352 : i1 to i32
          %sign3A_354 = arith.constant 0 : i32
          %sign3A_355 = arith.cmpi slt, %add3A_274, %sign3A_354 : i32
          %sign3A_356 = arith.extui %sign3A_355 : i1 to i32
          %sign3A_357 = arith.subi %sign3A_353, %sign3A_356 : i32
          %sign3A_358 = arith.constant 0 : i32
          %sign3A_359 = arith.cmpi sgt, %jit3A_349, %sign3A_358 : i32
          %sign3A_360 = arith.extui %sign3A_359 : i1 to i32
          %sign3A_361 = arith.constant 0 : i32
          %sign3A_362 = arith.cmpi slt, %jit3A_349, %sign3A_361 : i32
          %sign3A_363 = arith.extui %sign3A_362 : i1 to i32
          %sign3A_364 = arith.subi %sign3A_360, %sign3A_363 : i32
          %ne3A_365 = arith.cmpi ne, %sign3A_357, %sign3A_364 : i32
          %rem3A_366 = arith.remsi %add3A_274, %jit3A_349 : i32
          %ne3A_367 = arith.constant 0 : i32
          %ne3A_368 = arith.cmpi ne, %rem3A_366, %ne3A_367 : i32
          %and3A_369 = arith.andi %ne3A_365, %ne3A_368 : i1
          %sub3A_370 = arith.constant 1 : i32
          %sub3A_371 = arith.subi %div3A_350, %sub3A_370 : i32
          %select_n3A_372 = arith.select %and3A_369, %sub3A_371, %div3A_350 : i32
          %add3A_373 = arith.constant 1 : i32
          %add3A_374 = arith.addi %select_n3A_372, %add3A_373 : i32
          %jit3A_375 = arith.constant 2 : i32
          %eq3A_376 = arith.constant 0 : i32
          %eq3A_377 = arith.cmpi eq, %jit3A_375, %eq3A_376 : i32
          %jit3A_378 = arith.constant 1 : i32
          %select_n3A_379 = arith.select %eq3A_377, %jit3A_378, %jit3A_375 : i32
          %rem3A_380 = arith.remsi %add3A_374, %select_n3A_379 : i32
          %ne3A_381 = arith.constant 0 : i32
          %ne3A_382 = arith.cmpi ne, %rem3A_380, %ne3A_381 : i32
          %lt3A_383 = arith.constant 0 : i32
          %lt3A_384 = arith.cmpi slt, %rem3A_380, %lt3A_383 : i32
          %lt3A_385 = arith.constant 0 : i32
          %lt3A_386 = arith.cmpi slt, %select_n3A_379, %lt3A_385 : i32
          %ne3A_387 = arith.xori %lt3A_384, %lt3A_386 : i1
          %and3A_388 = arith.andi %ne3A_387, %ne3A_382 : i1
          %add3A_389 = arith.addi %rem3A_380, %select_n3A_379 : i32
          %select_n3A_390 = arith.select %and3A_388, %add3A_389, %rem3A_380 : i32
          %mul3A_391 = arith.constant 800 : i32
          %mul3A_392 = arith.muli %select_n3A_390, %mul3A_391 : i32
          %mul3A_393 = arith.constant 800 : i32
          %mul3A_394 = arith.muli %add3A_374, %mul3A_393 : i32
          %add3A_395 = arith.addi %mul3A_18, %mul3A_394 : i32
          %dma_start3A_396 = tpu.memref_slice %arg11[%mul3A_392] : memref<1600xi32, #tpu.memory_space<vmem>> -> memref<800xi32, #tpu.memory_space<vmem>>
          %dma_start3A_397 = tpu.memref_slice %arg5[%add3A_395] : memref<320000xi32, #tpu.memory_space<hbm>> -> memref<800xi32, #tpu.memory_space<hbm>>
          %dma_start3A_398 = tpu.memref_slice %arg11[%mul3A_392] : memref<1600xi32, #tpu.memory_space<vmem>> -> memref<800xi32, #tpu.memory_space<vmem>>
          %dma_start3A_399 = tpu.memref_slice %arg5[%add3A_395] : memref<320000xi32, #tpu.memory_space<hbm>> -> memref<800xi32, #tpu.memory_space<hbm>>
          tpu.enqueue_dma source(%dma_start3A_399 : memref<800xi32, #tpu.memory_space<hbm>>) target(%dma_start3A_398 : memref<800xi32, #tpu.memory_space<vmem>>) target_semaphore(%arg26 : memref<!tpu.dma_semaphore, #tpu.memory_space<semaphore_mem>>)
          %mul3A_400 = arith.constant 800 : i32
          %mul3A_401 = arith.muli %add3A_374, %mul3A_400 : i32
          %add3A_402 = arith.addi %mul3A_18, %mul3A_401 : i32
          %dma_start3A_403 = tpu.memref_slice %arg12[%mul3A_392] : memref<1600xi32, #tpu.memory_space<vmem>> -> memref<800xi32, #tpu.memory_space<vmem>>
          %dma_start3A_404 = tpu.memref_slice %arg6[%add3A_402] : memref<320000xi32, #tpu.memory_space<hbm>> -> memref<800xi32, #tpu.memory_space<hbm>>
          %dma_start3A_405 = tpu.memref_slice %arg12[%mul3A_392] : memref<1600xi32, #tpu.memory_space<vmem>> -> memref<800xi32, #tpu.memory_space<vmem>>
          %dma_start3A_406 = tpu.memref_slice %arg6[%add3A_402] : memref<320000xi32, #tpu.memory_space<hbm>> -> memref<800xi32, #tpu.memory_space<hbm>>
          tpu.enqueue_dma source(%dma_start3A_406 : memref<800xi32, #tpu.memory_space<hbm>>) target(%dma_start3A_405 : memref<800xi32, #tpu.memory_space<vmem>>) target_semaphore(%arg26 : memref<!tpu.dma_semaphore, #tpu.memory_space<semaphore_mem>>)
        } else {
        }
        %mul3A_338 = arith.constant 8 : i32
        %mul3A_339 = arith.muli %scan3A_46, %mul3A_338 : i32
        %add3A_340 = arith.constant 7 : i32
        %add3A_341 = arith.addi %mul3A_339, %add3A_340 : i32
        %rem3A_342 = arith.constant 20 : i32
        %rem3A_343 = arith.remsi %add3A_341, %rem3A_342 : i32
        %lt3A_344 = arith.constant 500 : i32
        %lt3A_345 = arith.cmpi slt, %add3A_341, %lt3A_344 : i32
        %convert_element_type3A_346 = arith.extui %lt3A_345 : i1 to i32
        %cond3A_347 = arith.constant 0 : i32
        %cond3A_348 = arith.cmpi ne, %convert_element_type3A_346, %cond3A_347 : i32
        scf.if %cond3A_348 {
          %jit3A_349 = arith.constant 20 : i32
          %div3A_350 = arith.divsi %add3A_341, %jit3A_349 : i32
          %sign3A_351 = arith.constant 0 : i32
          %sign3A_352 = arith.cmpi sgt, %add3A_341, %sign3A_351 : i32
          %sign3A_353 = arith.extui %sign3A_352 : i1 to i32
          %sign3A_354 = arith.constant 0 : i32
          %sign3A_355 = arith.cmpi slt, %add3A_341, %sign3A_354 : i32
          %sign3A_356 = arith.extui %sign3A_355 : i1 to i32
          %sign3A_357 = arith.subi %sign3A_353, %sign3A_356 : i32
          %sign3A_358 = arith.constant 0 : i32
          %sign3A_359 = arith.cmpi sgt, %jit3A_349, %sign3A_358 : i32
          %sign3A_360 = arith.extui %sign3A_359 : i1 to i32
          %sign3A_361 = arith.constant 0 : i32
          %sign3A_362 = arith.cmpi slt, %jit3A_349, %sign3A_361 : i32
          %sign3A_363 = arith.extui %sign3A_362 : i1 to i32
          %sign3A_364 = arith.subi %sign3A_360, %sign3A_363 : i32
          %ne3A_365 = arith.cmpi ne, %sign3A_357, %sign3A_364 : i32
          %rem3A_366 = arith.remsi %add3A_341, %jit3A_349 : i32
          %ne3A_367 = arith.constant 0 : i32
          %ne3A_368 = arith.cmpi ne, %rem3A_366, %ne3A_367 : i32
          %and3A_369 = arith.andi %ne3A_365, %ne3A_368 : i1
          %sub3A_370 = arith.constant 1 : i32
          %sub3A_371 = arith.subi %div3A_350, %sub3A_370 : i32
          %select_n3A_372 = arith.select %and3A_369, %sub3A_371, %div3A_350 : i32
          %jit3A_373 = arith.constant 2 : i32
          %eq3A_374 = arith.constant 0 : i32
          %eq3A_375 = arith.cmpi eq, %jit3A_373, %eq3A_374 : i32
          %jit3A_376 = arith.constant 1 : i32
          %select_n3A_377 = arith.select %eq3A_375, %jit3A_376, %jit3A_373 : i32
          %rem3A_378 = arith.remsi %select_n3A_372, %select_n3A_377 : i32
          %ne3A_379 = arith.constant 0 : i32
          %ne3A_380 = arith.cmpi ne, %rem3A_378, %ne3A_379 : i32
          %lt3A_381 = arith.constant 0 : i32
          %lt3A_382 = arith.cmpi slt, %rem3A_378, %lt3A_381 : i32
          %lt3A_383 = arith.constant 0 : i32
          %lt3A_384 = arith.cmpi slt, %select_n3A_377, %lt3A_383 : i32
          %ne3A_385 = arith.xori %lt3A_382, %lt3A_384 : i1
          %and3A_386 = arith.andi %ne3A_385, %ne3A_380 : i1
          %add3A_387 = arith.addi %rem3A_378, %select_n3A_377 : i32
          %select_n3A_388 = arith.select %and3A_386, %add3A_387, %rem3A_378 : i32
          %mul3A_389 = arith.constant 800 : i32
          %mul3A_390 = arith.muli %select_n3A_388, %mul3A_389 : i32
          %mul3A_391 = arith.constant 20 : i32
          %mul3A_392 = arith.muli %select_n3A_372, %mul3A_391 : i32
          %sub3A_393 = arith.subi %add3A_341, %mul3A_392 : i32
          %mul3A_394 = arith.constant 40 : i32
          %mul3A_395 = arith.muli %sub3A_393, %mul3A_394 : i32
          %add3A_396 = arith.addi %mul3A_390, %mul3A_395 : i32
          %dma_start3A_397 = arith.constant 3 : i32
          %dma_start3A_398 = arith.constant 40 : i32
          %dma_start3A_399 = arith.constant 0 : i32
          %dma_start3A_400 = tpu.memref_slice %arg13[%dma_start3A_397, %dma_start3A_398, %dma_start3A_399] : memref<4x80x128xf32, #tpu.memory_space<vmem>> -> memref<1x40x128xf32, #tpu.memory_space<vmem>>
          %dma_start3A_401 = tpu.memref_squeeze %dma_start3A_400 : memref<1x40x128xf32, #tpu.memory_space<vmem>> -> memref<40x128xf32, #tpu.memory_space<vmem>>
          %dma_start3A_402 = tpu.memref_slice %arg11[%add3A_396] : memref<1600xi32, #tpu.memory_space<vmem>> -> memref<40xi32, #tpu.memory_space<vmem>>
          %dma_start3A_403 = arith.constant 0 : i32
          %dma_start3A_404 = arith.constant 0 : i32
          %dma_start3A_405 = tpu.memref_slice %arg2[%dma_start3A_403, %dma_start3A_404] : memref<10000x128xf32, #tpu.memory_space<hbm>> -> memref<10000x128xf32, #tpu.memory_space<hbm>>
          tpu.enqueue_indirect_dma source(%dma_start3A_405 : memref<10000x128xf32, #tpu.memory_space<hbm>>) target(%dma_start3A_401 : memref<40x128xf32, #tpu.memory_space<vmem>>) offsets(%dma_start3A_402 : memref<40xi32, #tpu.memory_space<vmem>>) semaphore(%arg21 : memref<!tpu.dma_semaphore, #tpu.memory_space<semaphore_mem>>)
        } else {
        }
      }
      %scan3A_38 = arith.constant 64 : i32
      %barrier3A_39 = arith.constant 0 : index
      tpu.barrier barrier_id(%barrier3A_39)
      %scan3A_40 = arith.constant 0 : i32
      %scan3A_41 = arith.constant 0 : i32
      %scan3A_42 = arith.constant 8 : i32
      %scan3A_43 = arith.addi %scan3A_41, %scan3A_42 : i32
      %scan3A_44 = arith.constant 1 : i32
      scf.for %scan3A_46 = %scan3A_41 to %scan3A_43 step %scan3A_44  : i32 {
        %mul3A_47 = arith.constant 16 : i32
        %mul3A_48 = arith.muli %scan3A_46, %mul3A_47 : i32
        %add3A_49 = arith.addi %arg1, %mul3A_48 : i32
        %lt3A = arith.constant 125 : i32
        %lt3A_50 = arith.cmpi slt, %add3A_49, %lt3A : i32
        %convert_element_type3A_51 = arith.extui %lt3A_50 : i1 to i32
        %cond3A_52 = arith.constant 0 : i32
        %cond3A_53 = arith.cmpi ne, %convert_element_type3A_51, %cond3A_52 : i32
        scf.if %cond3A_53 {
          %mul3A_54 = arith.constant 80 : i32
          %mul3A_55 = arith.muli %add3A_49, %mul3A_54 : i32
          "tpu.region"() ({
            %run_scoped3A = tpu.sem_alloc : memref<!tpu.dma_semaphore, #tpu.memory_space<semaphore_mem>>
            %dma_start3A_56 = arith.constant 0 : i32
            %dma_start3A_57 = tpu.memref_slice %arg9[%mul3A_55, %dma_start3A_56] : memref<10000x128xf32, #tpu.memory_space<hbm>> -> memref<80x128xf32, #tpu.memory_space<hbm>>
            %dma_start3A_58 = arith.constant 0 : i32
            %dma_start3A_59 = tpu.memref_slice %arg10[%mul3A_55, %dma_start3A_58] : memref<10000x128xf32, #tpu.memory_space<vmem_shared>> -> memref<80x128xf32, #tpu.memory_space<vmem_shared>>
            tpu.enqueue_dma source(%dma_start3A_59 : memref<80x128xf32, #tpu.memory_space<vmem_shared>>) target(%dma_start3A_57 : memref<80x128xf32, #tpu.memory_space<hbm>>) target_semaphore(%run_scoped3A : memref<!tpu.dma_semaphore, #tpu.memory_space<semaphore_mem>>)
            %dma_wait3A = arith.constant 0 : i32
            %dma_wait3A_60 = tpu.memref_slice %arg9[%mul3A_55, %dma_wait3A] : memref<10000x128xf32, #tpu.memory_space<hbm>> -> memref<80x128xf32, #tpu.memory_space<hbm>>
            %dma_wait3A_61 = arith.constant 0 : i32
            %dma_wait3A_62 = tpu.memref_slice %arg10[%mul3A_55, %dma_wait3A_61] : memref<10000x128xf32, #tpu.memory_space<vmem_shared>> -> memref<80x128xf32, #tpu.memory_space<vmem_shared>>
            tpu.wait_dma2 semaphore(%run_scoped3A : memref<!tpu.dma_semaphore, #tpu.memory_space<semaphore_mem>>) src(%dma_wait3A_62 : memref<80x128xf32, #tpu.memory_space<vmem_shared>>) dst(%dma_wait3A_60 : memref<80x128xf32, #tpu.memory_space<hbm>>)
            tpu.yield
          }) : () -> ()
        } else {
        }
      }
      %scan3A_45 = arith.constant 8 : i32
    } else {
    }
    return
  }
}

module attributes {stable_mosaic.version = 14 : i64} {
  func.func @body(%arg0: memref<2x320000xi32, #tpu.memory_space<vmem>>, %arg1: memref<320000xi32, #tpu.memory_space<vmem>>, %arg2: memref<320000xi32, #tpu.memory_space<vmem>>) attributes {dimension_semantics = [], scalar_prefetch = 0 : i64, scratch_operands = 0 : i64, tpu.core_type = #tpu.core_type<tc>} {
    %get3A = arith.constant 0 : index
    %get3A_0 = arith.constant 0 : index
    %get3A_1 = vector.load %arg0[%get3A, %get3A_0] : memref<2x320000xi32, #tpu.memory_space<vmem>>, vector<1x320000xi32>
    %get3A_2 = vector.shape_cast %get3A_1 : vector<1x320000xi32> to vector<320000xi32>
    %swap3A = arith.constant 0 : index
    %swap3A_3 = vector.load %arg1[%swap3A] : memref<320000xi32, #tpu.memory_space<vmem>>, vector<320000xi32>
    tpu.vector_store %arg1[%swap3A], %get3A_2 {strides = array<i32>} : memref<320000xi32, #tpu.memory_space<vmem>>, vector<320000xi32>,
    %get3A_4 = arith.constant 1 : index
    %get3A_5 = arith.constant 0 : index
    %get3A_6 = vector.load %arg0[%get3A_4, %get3A_5] : memref<2x320000xi32, #tpu.memory_space<vmem>>, vector<1x320000xi32>
    %get3A_7 = vector.shape_cast %get3A_6 : vector<1x320000xi32> to vector<320000xi32>
    %swap3A_8 = arith.constant 0 : index
    %swap3A_9 = vector.load %arg2[%swap3A_8] : memref<320000xi32, #tpu.memory_space<vmem>>, vector<320000xi32>
    tpu.vector_store %arg2[%swap3A_8], %get3A_7 {strides = array<i32>} : memref<320000xi32, #tpu.memory_space<vmem>>, vector<320000xi32>,
    return
  }
}

module attributes {stable_mosaic.version = 14 : i64} {
  func.func @mm(%arg0: i32, %arg1: memref<2000x128xf32, #tpu.memory_space<vmem>>, %arg2: memref<2000x128xf32, #tpu.memory_space<vmem>>, %arg3: memref<2000x128xf32, #tpu.memory_space<vmem>>, %arg4: memref<384x128xf32, #tpu.memory_space<vmem>>, %arg5: memref<1x128xf32, #tpu.memory_space<vmem>>, %arg6: memref<2000x128xf32, #tpu.memory_space<vmem>>) attributes {dimension_semantics = [#tpu.dimension_semantics<arbitrary>], iteration_bounds = array<i64: 5>, scalar_prefetch = 0 : i64, scratch_operands = 0 : i64, tpu.core_type = #tpu.core_type<tc>, window_params = [{transform_indices = @transform_0, window_bounds = array<i64: 2000, 128>}, {transform_indices = @transform_1, window_bounds = array<i64: 2000, 128>}, {transform_indices = @transform_2, window_bounds = array<i64: 2000, 128>}, {pipeline_mode = #tpu.pipeline_mode<synchronous>, transform_indices = @transform_3, window_bounds = array<i64: 384, 128>}, {pipeline_mode = #tpu.pipeline_mode<synchronous>, transform_indices = @transform_4, window_bounds = array<i64: 1, 128>}, {transform_indices = @transform_5, window_bounds = array<i64: 2000, 128>}]} {
    %get3A = arith.constant 0 : index
    %get3A_0 = arith.constant 0 : index
    %get3A_1 = vector.load %arg1[%get3A, %get3A_0] : memref<2000x128xf32, #tpu.memory_space<vmem>>, vector<2000x128xf32>
    %get3A_2 = arith.constant 0 : index
    %get3A_3 = arith.constant 0 : index
    %get3A_4 = vector.load %arg4[%get3A_2, %get3A_3] : memref<384x128xf32, #tpu.memory_space<vmem>>, vector<128x128xf32>
    %dot_general3A = arith.constant dense<0.000000e+00> : vector<2000x128xf32>
    %dot_general3A_5 = tpu.matmul %get3A_1, %get3A_4, %dot_general3A {dimension_numbers = #tpu.dot_dimension_numbers<[1], [0], [0], [1], [0, 0, 1, 1], [], []>, transpose_lhs_hint = false} : vector<2000x128xf32>, vector<128x128xf32>, vector<2000x128xf32> -> vector<2000x128xf32>
    %get3A_6 = arith.constant 0 : index
    %get3A_7 = arith.constant 0 : index
    %get3A_8 = vector.load %arg2[%get3A_6, %get3A_7] : memref<2000x128xf32, #tpu.memory_space<vmem>>, vector<2000x128xf32>
    %get3A_9 = arith.constant 128 : index
    %get3A_10 = arith.constant 0 : index
    %get3A_11 = vector.load %arg4[%get3A_9, %get3A_10] : memref<384x128xf32, #tpu.memory_space<vmem>>, vector<128x128xf32>
    %dot_general3A_12 = arith.constant dense<0.000000e+00> : vector<2000x128xf32>
    %dot_general3A_13 = tpu.matmul %get3A_8, %get3A_11, %dot_general3A_12 {dimension_numbers = #tpu.dot_dimension_numbers<[1], [0], [0], [1], [0, 0, 1, 1], [], []>, transpose_lhs_hint = false} : vector<2000x128xf32>, vector<128x128xf32>, vector<2000x128xf32> -> vector<2000x128xf32>
    %add3A = arith.addf %dot_general3A_5, %dot_general3A_13 : vector<2000x128xf32>
    %get3A_14 = arith.constant 0 : index
    %get3A_15 = arith.constant 0 : index
    %get3A_16 = vector.load %arg3[%get3A_14, %get3A_15] : memref<2000x128xf32, #tpu.memory_space<vmem>>, vector<2000x128xf32>
    %get3A_17 = arith.constant 256 : index
    %get3A_18 = arith.constant 0 : index
    %get3A_19 = vector.load %arg4[%get3A_17, %get3A_18] : memref<384x128xf32, #tpu.memory_space<vmem>>, vector<128x128xf32>
    %dot_general3A_20 = arith.constant dense<0.000000e+00> : vector<2000x128xf32>
    %dot_general3A_21 = tpu.matmul %get3A_16, %get3A_19, %dot_general3A_20 {dimension_numbers = #tpu.dot_dimension_numbers<[1], [0], [0], [1], [0, 0, 1, 1], [], []>, transpose_lhs_hint = false} : vector<2000x128xf32>, vector<128x128xf32>, vector<2000x128xf32> -> vector<2000x128xf32>
    %add3A_22 = arith.addf %add3A, %dot_general3A_21 : vector<2000x128xf32>
    %get3A_23 = arith.constant 0 : index
    %get3A_24 = arith.constant 0 : index
    %get3A_25 = vector.load %arg5[%get3A_23, %get3A_24] : memref<1x128xf32, #tpu.memory_space<vmem>>, vector<1x128xf32>
    %add3A_26 = vector.broadcast %get3A_25 : vector<1x128xf32> to vector<2000x128xf32>
    %add3A_27 = arith.addf %add3A_22, %add3A_26 : vector<2000x128xf32>
    %swap3A = arith.constant 0 : index
    %swap3A_28 = arith.constant 0 : index
    %swap3A_29 = vector.load %arg6[%swap3A, %swap3A_28] : memref<2000x128xf32, #tpu.memory_space<vmem>>, vector<2000x128xf32>
    tpu.vector_store %arg6[%swap3A, %swap3A_28], %add3A_27 {strides = array<i32>} : memref<2000x128xf32, #tpu.memory_space<vmem>>, vector<2000x128xf32>,
    return
  }
  func.func @transform_0(%arg0: i32) -> (i32, i32) {
    %c0_i32 = arith.constant 0 : i32
    %c0_i32_0 = arith.constant 0 : i32
    return %arg0, %c0_i32 : i32, i32
  }
  func.func @transform_1(%arg0: i32) -> (i32, i32) {
    %c0_i32 = arith.constant 0 : i32
    %c0_i32_0 = arith.constant 0 : i32
    return %arg0, %c0_i32 : i32, i32
  }
  func.func @transform_2(%arg0: i32) -> (i32, i32) {
    %c0_i32 = arith.constant 0 : i32
    %c0_i32_0 = arith.constant 0 : i32
    return %arg0, %c0_i32 : i32, i32
  }
  func.func @transform_3(%arg0: i32) -> (i32, i32) {
    %c0_i32 = arith.constant 0 : i32
    %c0_i32_0 = arith.constant 0 : i32
    %c0_i32_1 = arith.constant 0 : i32
    return %c0_i32, %c0_i32_0 : i32, i32
  }
  func.func @transform_4(%arg0: i32) -> (i32, i32) {
    %c0_i32 = arith.constant 0 : i32
    %c0_i32_0 = arith.constant 0 : i32
    %c0_i32_1 = arith.constant 0 : i32
    return %c0_i32, %c0_i32_0 : i32, i32
  }
  func.func @transform_5(%arg0: i32) -> (i32, i32) {
    %c0_i32 = arith.constant 0 : i32
    %c0_i32_0 = arith.constant 0 : i32
    return %arg0, %c0_i32 : i32, i32
  }
}

</mosaic_0001>

<sc_bundles>
// kernel: kernel.6.cloned.1.call-start
scs
__scs_entry_jumppad:
0x0: {  	(pc) =	sbr.rel $0x88, $3  }
0x1: {  	(tag) =	ssettag $0x0;
	lr =	simm.s32 $0x1  }
0x2: {  	[smem:$0x3F9C] =	sst lr;
	_ =	strace $0xD0000000  }
0x3: {  	_ = 	snop  }
0x4: {  	_ = 	snop  }
0x5: {  	_ = 	snop  }
0x6: {  	_ = 	snop  }
0x7: {  	_ = 	snop  }
__scs_overlays_trampoline_lowered:
0x8: {  	[smem:$0x3FAB] =	sst s0  }
0x9: {  	[smem:$0x3FAC] =	sst s1  }
0xa: {  	[smem:$0x3FAD] =	sst s2  }
0xb: {  	[smem:$0x3FAE] =	sst s3  }
0xc: {  	[smem:$0x3FAF] =	sst s4  }
0xd: {  	[smem:$0x3FB0] =	sst s5  }
0xe: {  	[smem:$0x3FB1] =	sst s6  }
0xf: {  	[smem:$0x3FB2] =	sst s7  }
0x10: {  	[smem:$0x3FB3] =	sst s8  }
0x11: {  	[smem:$0x3FB4] =	sst s9;
	s0 =	simm.s32 @!p0 $0x0  }
0x12: {  	s1 =	sld [smem:$0x3F9A];
	s0 =	simm.s32 @p0 $0x1  }
0x13: {  	[smem:$0x3FB5] =	sst s0;
	s0 =	simm.s32 @!p1 $0x0  }
0x14: {  	s2 =	sld [smem:$0x3F99];
	s0 =	simm.s32 @p1 $0x1  }
0x15: {  	[smem:$0x3FB6] =	sst s0;
	s0 =	simm.s32 @!p2 $0x0  }
0x16: {  	s3 =	sld [smem:$0x3FDB];
	s0 =	simm.s32 @p2 $0x1  }
0x17: {  	s4 =	simm.s32 $0x1BF5;
	[smem:$0x3FB8] =	sst s0  }
0x18: {  	s0 =	sld [smem:$0x3F9B];
	_ =	swait.ge [sflag:s4], $0x0  }
0x19: {  	s7 =	sld [smem:$0x3F9C]  }
0x1a: {  	s8 =	sadd.s32 $0xFFFFE003, lr  }
0x1b: {  	s9 =	sadd.s32 $0xFFFFFEF7, lr;
	s5 =	simm.s32 $0xFFFFFFFF;
	p2 =	slt.u32 s8, $0xFFFFF086  }
0x1c: {  	p1 =	slt.u32 s9, $0xF7A;
	s5 =	simm.s32 @!p2 $0x0  }
0x1d: {  	s5 =	simm.s32 @p1 $0x1;
	p0 =	seq.s32 s7, s2  }
0x1e: {  	s7 =	smul.u32 @!p0 $0xF7A, s2;
	p2 =	seq.s32 @!p0 s5, $0x0  }
0x1f: {  	s9 =	smul.u32 $0xF7A, s1;
	s8 =	simm.s32 @!p0 $0x1BF5;
	p2 =	por !p2, p0  }
0x20: {  	[sflag:s8] =	ssyncset.s32 @!p0 $0xFFFFF086;
	s6 =	sadd.s32 @!p0 s3, s7;
	s7 =	simm.s32 @!p0 $0x108  }
0x21: {  	s3 =	sadd.s32 s3, s9;
	s6 =	sadd.s32 @!p0 $0x88, s6;
	s7 =	simm.s32 @p2 $0x1082  }
0x22: {  	[simem:s7], [sflag:s8] =	dma.local @!p0 [hbm:s6], $0xF7A  }
0x23: {  	s9 =	sor.u32 $0xD0000000, s2;
	s6 =	simm.s32 $0x108;
	_ =	swait.ge @!p0 [sflag:s8], $0x0  }
0x24: {  	s3 =	sadd.s32 $0x88, s3;
	s6 =	simm.s32 @!p1 $0x1082;
	[sflag:s4] =	ssyncset.s32 $0xFFFFF086  }
0x25: {  	[simem:s6], [sflag:s4] =	dma.local [hbm:s3], $0xF7A  }
0x26: {  	[smem:$0x3F9C] =	sst s1;
	(tag) =	ssettag s2;
	_ =	strace s9  }
0x27: {  	s1 =	sld [smem:$0x3FAC]  }
0x28: {  	s2 =	sld [smem:$0x3FAD]  }
0x29: {  	s4 =	sld [smem:$0x3FAF]  }
0x2a: {  	p0 =	seq.s32 s5, $0x0;
	s5 =	sld [smem:$0x3FB0]  }
0x2b: {  	s6 =	sld [smem:$0x3FB1]  }
0x2c: {  	s7 =	sld [smem:$0x3FB2]  }
0x2d: {  	s3 =	simm.s32 $0x108;
	s8 =	sld [smem:$0x3FB3]  }
0x2e: {  	s3 =	simm.s32 @!p0 $0x1082;
	s9 =	sld [smem:$0x3FB4]  }
0x2f: {  	lr =	sadd.s32 s0, s3;
	s0 =	sld [smem:$0x3FAB]  }
0x30: {  	s3 =	sld [smem:$0x3FAE]  }
0x31: {  	[smem:$0x3FB7] =	sst s10  }
0x32: {  	s10 =	sld [smem:$0x3FB5];
	_ =	sdelay $0x3  }
0x33: {  	p0 =	seq.s32 s10, $0x1;
	s10 =	sld [smem:$0x3FB7];
	_ =	sdelay $0x3  }
0x34: {  	[smem:$0x3FB7] =	sst s10  }
0x35: {  	s10 =	sld [smem:$0x3FB6];
	_ =	sdelay $0x3  }
0x36: {  	p1 =	seq.s32 s10, $0x1;
	s10 =	sld [smem:$0x3FB7];
	_ =	sdelay $0x3  }
0x37: {  	[smem:$0x3FB7] =	sst s10  }
0x38: {  	s10 =	sld [smem:$0x3FB8]  }
0x39: {  	_ = 	snop;
	(pc) =	sbr.ind lr, $3  }
0x3a: {  	_ = 	snop  }
0x3b: {  	_ = 	snop  }
0x3c: {  	p2 =	seq.s32 s10, $0x1;
	s10 =	sld [smem:$0x3FB7]  }
0x3d: {  	_ =	shalt  }
0x3e: {  	_ =	shalt  }
0x3f: {  	_ =	shalt  }
0x40: {  	_ =	shalt  }
0x41: {  	_ =	shalt  }
0x42: {  	_ =	shalt  }
0x43: {  	_ =	shalt  }
0x44: {  	_ =	shalt  }
0x45: {  	_ =	shalt  }
0x46: {  	_ =	shalt  }
0x47: {  	_ =	shalt  }
0x48: {  	_ =	shalt  }
0x49: {  	_ =	shalt  }
0x4a: {  	_ =	shalt  }
0x4b: {  	_ =	shalt  }
0x4c: {  	_ =	shalt  }
0x4d: {  	_ =	shalt  }
0x4e: {  	_ =	shalt  }
0x4f: {  	_ =	shalt  }
0x50: {  	_ =	shalt  }
0x51: {  	_ =	shalt  }
0x52: {  	_ =	shalt  }
0x53: {  	_ =	shalt  }
0x54: {  	_ =	shalt  }
0x55: {  	_ =	shalt  }
0x56: {  	_ =	shalt  }
0x57: {  	_ =	shalt  }
0x58: {  	_ =	shalt  }
0x59: {  	_ =	shalt  }
0x5a: {  	_ =	shalt  }
0x5b: {  	_ =	shalt  }
0x5c: {  	_ =	shalt  }
0x5d: {  	_ =	shalt  }
0x5e: {  	_ =	shalt  }
0x5f: {  	_ =	shalt  }
0x60: {  	_ =	shalt  }
0x61: {  	_ =	shalt  }
0x62: {  	_ =	shalt  }
0x63: {  	_ =	shalt  }
0x64: {  	_ =	shalt  }
0x65: {  	_ =	shalt  }
0x66: {  	_ =	shalt  }
0x67: {  	_ =	shalt  }
0x68: {  	_ =	shalt  }
0x69: {  	_ =	shalt  }
0x6a: {  	_ =	shalt  }
0x6b: {  	_ =	shalt  }
0x6c: {  	_ =	shalt  }
0x6d: {  	_ =	shalt  }
0x6e: {  	_ =	shalt  }
0x6f: {  	_ =	shalt  }
0x70: {  	_ =	shalt  }
0x71: {  	_ =	shalt  }
0x72: {  	_ =	shalt  }
0x73: {  	_ =	shalt  }
0x74: {  	_ =	shalt  }
0x75: {  	_ =	shalt  }
0x76: {  	_ =	shalt  }
0x77: {  	_ =	shalt  }
0x78: {  	_ =	shalt  }
0x79: {  	_ =	shalt  }
0x7a: {  	_ =	shalt  }
0x7b: {  	_ =	shalt  }
0x7c: {  	_ =	shalt  }
0x7d: {  	_ =	shalt  }
0x7e: {  	_ =	shalt  }
0x7f: {  	_ =	shalt  }
0x80: {  	_ =	shalt  }
0x81: {  	_ =	shalt  }
0x82: {  	_ =	shalt  }
0x83: {  	_ =	shalt  }
0x84: {  	_ =	shalt  }
0x85: {  	_ =	shalt  }
0x86: {  	_ =	shalt  }
0x87: {  	_ =	shalt  }
.Lfunc_end0:
.L_simem_size_0:
called_computation_lowered:
.L_overlay_start_0:
0x88: {  	s2 =	sld [smem:$0x3FD9]  }
0x89: {  	s3 =	sld [smem:$0x3FFE];
	_ =	sdelay $0x1  }
0x8a: {  	s1 =	srdreg.scid  }
0x8b: {  	s0 =	sand.u32 $0x1, s1  }
0x8c: {  	s17 =	sshll.u32 s0, $0xA;
	s2 =	sadd.s32 s3, s2  }
0x8d: {  	s2 =	sadd.s32 s2, s17  }
0x8e: {  	[smem:$0x3FC3] =	sst s2  }
0x8f: {  	_ = 	snop  }
0x90: {  	s2 =	sld [smem:$0x3FC9]  }
0x91: {  	s18 =	sld [smem:$0x3FD0];
	(tm) =	ssettm $0x1  }
0x92: {  	s4 =	sld [smem:$0x3FFB];
	_ =	sdelay $0x3  }
0x93: {  	_ =	strace s4  }
0x94: {  	s4 =	sld [smem:$0x3FFC];
	_ =	sdelay $0x3  }
0x95: {  	_ =	strace s4  }
0x96: {  	s4 =	sld [smem:$0x3FFD];
	_ =	sdelay $0x3  }
0x97: {  	_ =	strace s4  }
0x98: {  	_ =	strace $0x8FFFFFFF  }
0x99: {  	s19 =	sld [smem:$0x3FDB];
	_ =	sdelay $0x1  }
0x9a: {  	s5 =	simm.s32 $_scs_section_size  }
0x9b: {  	s6 =	simm.s32 $_size__tile_overlayer_lowered;
	s7 =	simm.s32 $_tile_overlayer_lowered  }
0x9c: {  	s22 =	simm.s32 $0x1BFF;
	s21 =	sshll.u32 s7, $0x1;
	s4 =	sadd.s32 s5, s19  }
0x9d: {  	s8 =	simm.s32 $0x0;
	s20 =	sshll.u32 s6, $0x1;
	s6 =	sadd.s32 s21, s4  }
0x9e: {  	[timem:s8], [sflag:s22] =	dma.local [hbm:s6], s20  }
0x9f: {  	_ =	swait.ge [sflag:s22], s20  }
0xa0: {  	s5 =	ssub.s32 $0x0, s20;
	[sflag:s22] =	ssyncset.done $0x0  }
0xa1: {  	[sflag:s22] =	ssyncadd.s32 s5;
	_ =	sdelay $0x1  }
0xa2: {  	s23 =	simm.s32 $0x1B8B  }
0xa3: {  	_ =	swait.ge [sflag:s23], $0x1  }
0xa4: {  	[sflag:s23] =	ssyncset.done $0x0  }
0xa5: {  	s25 =	simm.s32 $0x1B8E;
	s24 =	sld [smem:$0x3FFE];
	[sflag:s23] =	ssyncadd.s32 $0xFFFFFFFF  }
0xa6: {  	s26 =	simm.s32 $execute0_lowered;
	[smem:$0x3FD2] =	sst s25  }
0xa7: {  	s6 =	sshll.u32 s26, $0x1;
	_ =	strace $0x80000046;
	[dreg:$0x1] =	wrdreg $0xFFFFFFFF  }
0xa8: {  	s28 =	simm.s32 $_size_execute0_lowered;
	s4 =	sadd.s32 s4, s6;
	[dreg:$0x0] =	wrdreg $0x0  }
0xa9: {  	s6 =	sshll.u32 s28, $0x1;
	[dreg:$0x2] =	wrdreg s4  }
0xaa: {  	[dreg:$0x3] =	wrdreg s6  }
0xab: {  	[dreg:$0x4] =	wrdreg $0xC0  }
0xac: {  	_ =	task [dreg:s8], $0x5FFFF  }
0xad: {  	[dreg:$0x1] =	wrdreg $0xFFFFFFFF  }
0xae: {  	[dreg:$0x0] =	wrdreg $0x60  }
0xaf: {  	[dreg:$0x2] =	wrdreg s2  }
0xb0: {  	[dreg:$0x3] =	wrdreg s24  }
0xb1: {  	[dreg:$0x4] =	wrdreg s18  }
0xb2: {  	[dreg:$0x5] =	wrdreg $0x0  }
0xb3: {  	[dreg:$0x6] =	wrdreg $0x9  }
0xb4: {  	_ =	task.clear_ibuf [dreg:s8], $0x7FFFF;
	_ =	strace $0x90000046  }
0xb5: {  	s29 =	simm.s32 $0x9;
	_ =	strace $0x80000048  }
0xb6: {  	_ =	swait.ge [sflag:s29], $0x1  }
0xb7: {  	[sflag:s29] =	ssyncadd.s32 $0xFFFFFFFF  }
0xb8: {  	_ =	strace $0x90000048  }
0xb9: {  	_ =	sfence  }
0xba: {  	s30 =	sld [smem:$0x0];
	_ =	sdelay $0x2  }
0xbb: {  	s31 =	sshll.u32 s1, $0xD;
	s1 =	sshrl.u32 s1, $0x2  }
0xbc: {  	s3 =	sand.u32 $0x4000, s31;
	s1 =	sadd.s32 s1, s30  }
0xbd: {  	s0 =	sor.u32 s3, s0;
	s1 =	sshll.u32 s1, $0x11  }
0xbe: {  	s0 =	sor.u32 s1, s0  }
0xbf: {  	s0 =	sadd.s32 $0x8F2B, s0  }
0xc0: {  	[sflag:s0] =	ssyncadd.remote.s32 $0x1  }
0xc1: {  	_ =	sfence.sel $0xFFFF  }
0xc2: {  	[dreg:$0x0] =	wrdreg $0xFFFFFFFF;
	(pc) =	sbr.abs _section_cstart, $3  }
0xc3: {  	[dreg:$0x1] =	wrdreg $0xFFFFFFFF  }
0xc4: {  	_ =	task.clear_ibuf [dreg:s8], $0x2FFFF;
	_ =	strace $0x9FFFFFFF  }
0xc5: {  	(tm) =	ssettm $0x7FFFFFFF  }
tec
execute0_lowered:
.L_overlay_start_1:
0x0: {  	(tag) =	ssettag $0x1  }
0x1: {  	s1 =	rddreg [dreg:$0x0]  }
0x2: {  	s0 =	rddreg [dreg:$0x1]  }
0x3: {  	s4 =	rddreg [dreg:$0x2]  }
0x4: {  	s3 =	rddreg [dreg:$0x3]  }
0x5: {  	s2 =	simm.s32 $0x0;
	s25 =	srdreg.scid;
	s19 =	stileid.u32  }
0x6: {  	[smem:$0x7FF] =	sst s2;
	s6 =	sadd.s32 $0x16400, s0;
	s7 =	sadd.s32 $0x20200, s0  }
0x7: {  	s8 =	sadd.s32 $0x2800, s0;
	s2 =	sand.u32 $0x1, s25;
	s9 =	sadd.s32 $0xC600, s0  }
0x8: {  	s10 =	smul.u32 $0x4E20, s19;
	s11 =	sadd.s32 $0x2A000, s0;
	s16 =	sor.u32 $0x10, s19  }
0x9: {  	_ =	strace $0x80000047;
	[dreg:$0x5] =	wrdreg s11;
	s11 =	smul.u32 $0xA000, s19  }
0xa: {  	s20 =	sadd.s32 $0x2A600, s0;
	s13 =	sor.u32 $0x20, s19;
	s17 =	smul.u32 $0xA000, s16  }
0xb: {  	s15 =	sor.u32 $0x30, s19;
	s5 =	ssub.s32 $0x2, s2;
	s18 =	smul.u32 $0xA000, s13  }
0xc: {  	p0 =	seq.s32 s2, $0x1;
	s21 =	smul.u32 $0xA000, s15;
	[dreg:$0x6] =	wrdreg s20  }
0xd: {  	s26 =	sshrl.u32 s5, $0x1;
	s2 =	simm.s32 @!p0 $0x0;
	s28 =	sshrl.u32 s10, $0x3  }
0xe: {  	s0 =	ssub.s32 s5, s26;
	s2 =	simm.s32 @p0 $0x1;
	s31 =	sadd.s32 s6, s28  }
0xf: {  	s12 =	sadd.s32 s7, s28;
	s14 =	sadd.s32 s8, s28;
	s22 =	sshrl.u32 s11, $0x2  }
0x10: {  	s23 =	sshrl.u32 s17, $0x2;
	s11 =	smul.u32 $0x500, s16;
	[smem:$0x7F7] =	sst s2  }
0x11: {  	s25 =	sshrl.u32 s18, $0x2;
	s26 =	sor.u32 $0x40, s19;
	[dreg:$0x7] =	wrdreg s31  }
0x12: {  	s16 =	sor.u32 $0x60, s19;
	s17 =	sor.u32 $0x70, s19;
	[dreg:$0x8] =	wrdreg s12  }
0x13: {  	[dreg:$0x9] =	wrdreg s14;
	s2 =	sadd.s32 s9, s28;
	s0 =	smax.u32 s0, $0x1  }
0x14: {  	s24 =	sadd.s32 s23, s3;
	s5 =	sadd.s32 s25, s3;
	s28 =	smul.u32 $0xA000, s26  }
0x15: {  	s31 =	sor.u32 $0x50, s19;
	s25 =	smul.u32 $0x500, s19;
	[dreg:$0xa] =	wrdreg s2  }
0x16: {  	s12 =	smul.u32 $0x500, s16;
	p1 =	sgt.u32 s17, $0x7C;
	[dreg:$0xb] =	wrdreg s0  }
0x17: {  	p0 =	slt.u32 s17, $0x7D;
	s2 =	sadd.s32 s22, s3;
	[dreg:$0xd] =	wrdreg s24  }
0x18: {  	[dreg:$0xe] =	wrdreg s5;
	s0 =	sshrl.u32 s21, $0x2;
	s18 =	smul.u32 $0xA000, s31  }
0x19: {  	s14 =	smul.u32 $0x500, s31;
	s31 =	sadd.s32 s4, s11;
	[dreg:$0xc] =	wrdreg s2  }
0x1a: {  	s21 =	smul.u32 $0xA000, s16;
	s0 =	sadd.s32 s0, s3;
	[dreg:$0x17] =	wrdreg s31  }
0x1b: {  	s5 =	sshrl.u32 s28, $0x2;
	s28 =	sadd.s32 s4, s25;
	[dreg:$0xf] =	wrdreg s0  }
0x1c: {  	s2 =	smul.u32 $0x500, s13;
	s31 =	sadd.s32 s20, s12;
	[dreg:$0x15] =	wrdreg s28  }
0x1d: {  	s13 =	smul.u32 $0x500, s15;
	s5 =	sadd.s32 s5, s3;
	[smem:$0x7FB] =	sst s31  }
0x1e: {  	s15 =	sshrl.u32 s18, $0x2;
	s28 =	sadd.s32 s4, s12;
	[dreg:$0x10] =	wrdreg s5  }
0x1f: {  	s0 =	sshrl.u32 s21, $0x2;
	s22 =	sadd.s32 s15, s3;
	[smem:$0x7FA] =	sst s28  }
0x20: {  	s18 =	smul.u32 $0xA000, s17;
	s0 =	sadd.s32 s0, s3;
	[dreg:$0x11] =	wrdreg s22  }
0x21: {  	s5 =	smul.u32 $0x500, s26;
	s16 =	sadd.s32 s4, s2;
	[dreg:$0x12] =	wrdreg s0  }
0x22: {  	s26 =	smul.u32 $0x500, s17;
	s17 =	sadd.s32 s20, s2;
	[dreg:$0x19] =	wrdreg s16  }
0x23: {  	s15 =	simm.s32 @!p0 $0x0;
	s21 =	sadd.s32 s20, s13;
	[dreg:$0x1a] =	wrdreg s17  }
0x24: {  	s15 =	simm.s32 @p0 $0x1;
	[dreg:$0x1c] =	wrdreg s21  }
0x25: {  	[smem:$0x7F8] =	sst s15  }
0x26: {  	s0 =	sadd.s32 s20, s25;
	[dreg:$0x14] =	wrdreg s26  }
0x27: {  	s23 =	sshrl.u32 s18, $0x2;
	s18 =	sadd.s32 s4, s13;
	[dreg:$0x16] =	wrdreg s0  }
0x28: {  	s25 =	sadd.s32 s20, s14;
	[dreg:$0x1b] =	wrdreg s18  }
0x29: {  	s29 =	simm.s32 $0x8;
	s24 =	sadd.s32 s23, s3;
	[smem:$0x7F9] =	sst s25  }
0x2a: {  	s30 =	simm.s32 $0x1;
	s15 =	sadd.s32 s20, s11;
	[dreg:$0x13] =	wrdreg s24  }
0x2b: {  	p3 =	sgt.u32 s19, $0xC;
	s22 =	sadd.s32 s4, s5;
	[dreg:$0x18] =	wrdreg s15  }
.Ltmp0:
0x2c: {  	s23 =	sadd.s32 s20, s5;
	[dreg:$0x1d] =	wrdreg s22;
	(pc) =	sbr.rel .LBB2_1-.Ltmp0, $4  }
0x2d: {  	s12 =	simm.s32 $0x0;
	s26 =	sshll.u32 s19, $0x6;
	[dreg:$0x1e] =	wrdreg s23  }
0x2e: {  	s5 =	simm.s32 $0x28;
	s24 =	sadd.s32 s4, s14;
	[smem:$0x7FC] =	sst s26  }
0x2f: {  	s19 =	simm.s32 $0x2;
	s0 =	sor.u32 $0x1C0D, s26;
	[dreg:$0x1f] =	wrdreg s24  }
0x30: {  	s26 =	simm.s32 $0x7;
	[smem:$0x7FD] =	sst s0;
	s0 =	simm.s32 $0xD  }
.LBB2_40:
0x31: {  	s28 =	sld [smem:$0x7FC]  }
0x32: {  	s4 =	rddreg [dreg:$0x14]  }
0x33: {  	s11 =	rddreg [dreg:$0x13];
	s31 =	simm.s32 $0xE  }
0x34: {  	s2 =	sadd.s32 s2, s4;
	s11 =	sshrl.u32 s11, $0x3;
	s4 =	sor.u32 $0x1C0E, s28  }
0x35: {  	[hbm:s2], [sflag:s4] =	dma.local [spmem:s11], $0x500  }
0x36: {  	_ =	swait.ge [sflag:s31], $0x500  }
0x37: {  	[sflag:s31] =	ssyncset.done $0x0  }
0x38: {  	[sflag:s31] =	ssyncadd.s32 $0xFFFFFB00  }
.LBB2_41:
0x39: {  	s12 =	sadd.s32 $0x1, s12;
	s2 =	rddreg [dreg:$0xb]  }
0x3a: {  	p0 =	sne.s32 s12, s2  }
.Ltmp1:
0x3b: {  	_ = 	snop;
	(pc) =	sbr.rel @!p0 .LBB2_42-.Ltmp1, $1  }
0x3c: {  	_ =	sdelay $0x3  }
.LBB2_1:
0x3d: {  	[smem:$0x7EF] =	sst s12  }
0x3e: {  	s2 =	rddreg [dreg:$0xc]  }
0x3f: {  	s11 =	sld [smem:$0x7FD]  }
0x40: {  	s4 =	rddreg [dreg:$0x5];
	s2 =	sshrl.u32 s2, $0x3  }
0x41: {  	[smem:$0x7F0] =	sst s2  }
0x42: {  	[spmem:s2], [sflag:s11] =	dma.local [hbm:s4], $0x500  }
0x43: {  	s2 =	rddreg [dreg:$0xd]  }
0x44: {  	s2 =	sshrl.u32 s2, $0x3  }
0x45: {  	[smem:$0x7F1] =	sst s2  }
0x46: {  	[spmem:s2], [sflag:s11] =	dma.local [hbm:s4], $0x500  }
0x47: {  	s2 =	rddreg [dreg:$0xe]  }
0x48: {  	s2 =	sshrl.u32 s2, $0x3  }
0x49: {  	[smem:$0x7F2] =	sst s2  }
0x4a: {  	[spmem:s2], [sflag:s11] =	dma.local [hbm:s4], $0x500  }
0x4b: {  	s2 =	rddreg [dreg:$0xf]  }
0x4c: {  	s2 =	sshrl.u32 s2, $0x3  }
0x4d: {  	[smem:$0x7F3] =	sst s2  }
0x4e: {  	[spmem:s2], [sflag:s11] =	dma.local [hbm:s4], $0x500  }
0x4f: {  	s2 =	rddreg [dreg:$0x10]  }
0x50: {  	s2 =	sshrl.u32 s2, $0x3  }
0x51: {  	[smem:$0x7F4] =	sst s2  }
0x52: {  	[spmem:s2], [sflag:s11] =	dma.local [hbm:s4], $0x500  }
0x53: {  	s2 =	rddreg [dreg:$0x11]  }
0x54: {  	s2 =	sshrl.u32 s2, $0x3  }
0x55: {  	[smem:$0x7F5] =	sst s2  }
0x56: {  	[spmem:s2], [sflag:s11] =	dma.local [hbm:s4], $0x500  }
0x57: {  	s2 =	rddreg [dreg:$0x12]  }
0x58: {  	s2 =	sshrl.u32 s2, $0x3  }
0x59: {  	[smem:$0x7F6] =	sst s2  }
0x5a: {  	[spmem:s2], [sflag:s11] =	dma.local [hbm:s4], $0x500  }
0x5b: {  	s2 =	rddreg [dreg:$0x13]  }
0x5c: {  	s2 =	sshrl.u32 @!p1 s2, $0x3  }
0x5d: {  	[spmem:s2], [sflag:s11] =	dma.local @!p1 [hbm:s4], $0x500  }
0x5e: {  	_ =	swait.ge [sflag:s0], $0x500  }
0x5f: {  	[sflag:s0] =	ssyncset.done $0x0  }
0x60: {  	[sflag:s0] =	ssyncadd.s32 $0xFFFFFB00  }
0x61: {  	_ =	swait.ge [sflag:s0], $0x500  }
0x62: {  	[sflag:s0] =	ssyncset.done $0x0  }
0x63: {  	[sflag:s0] =	ssyncadd.s32 $0xFFFFFB00  }
0x64: {  	_ =	swait.ge [sflag:s0], $0x500  }
0x65: {  	[sflag:s0] =	ssyncset.done $0x0  }
0x66: {  	[sflag:s0] =	ssyncadd.s32 $0xFFFFFB00  }
0x67: {  	_ =	swait.ge [sflag:s0], $0x500  }
0x68: {  	[sflag:s0] =	ssyncset.done $0x0  }
0x69: {  	[sflag:s0] =	ssyncadd.s32 $0xFFFFFB00  }
0x6a: {  	_ =	swait.ge [sflag:s0], $0x500  }
0x6b: {  	[sflag:s0] =	ssyncset.done $0x0  }
0x6c: {  	[sflag:s0] =	ssyncadd.s32 $0xFFFFFB00  }
0x6d: {  	_ =	swait.ge [sflag:s0], $0x500  }
0x6e: {  	[sflag:s0] =	ssyncset.done $0x0  }
0x6f: {  	[sflag:s0] =	ssyncadd.s32 $0xFFFFFB00  }
0x70: {  	_ =	swait.ge [sflag:s0], $0x500  }
0x71: {  	[sflag:s0] =	ssyncset.done $0x0  }
0x72: {  	s2 =	simm.s32 @!p3 $0xD;
	[sflag:s0] =	ssyncadd.s32 $0xFFFFFB00  }
0x73: {  	_ =	swait.ge @!p3 [sflag:s2], $0x500  }
0x74: {  	[sflag:s2] =	ssyncset.done @!p3 $0x0  }
0x75: {  	[sflag:s2] =	ssyncadd.s32 @!p3 $0xFFFFFB00  }
0x76: {  	[bflag:$0x0] =	sbarrier.arrive $0xFFFF  }
0x77: {  	s31 =	sld [smem:$0x7F7];
	_ =	sdelay $0x2  }
0x78: {  	p0 =	seq.s32 s31, $0x1  }
.Ltmp2:
0x79: {  	_ = 	snop;
	(pc) =	sbr.rel @!p0 .LBB2_2-.Ltmp2, $2  }
0x7a: {  	_ =	sdelay $0x2  }
0x7b: {  	s28 =	simm.s32 $0x0  }
0x7c: {  	s2 =	rddreg [dreg:$0x9];
	s4 =	simm.s32 $0x13880;
	s23 =	simm.s32 $0x13F00  }
.Ltmp3:
0x7d: {  	s25 =	rddreg [dreg:$0xa];
	s24 =	simm.s32 $0x6;
	(pc) =	sbr.rel .LBB2_22-.Ltmp3, $4  }
0x7e: {  	[tilespmem:s4], [sflag:$0xD] =	stream.linear.gather [hbm4b:s2+s28], $0x320, $0x38;
	[tilespmem:$0x1E580] =	vst v63  }
0x7f: {  	s22 =	simm.s32 $0x5;
	s11 =	simm.s32 $0x4;
	s18 =	simm.s32 $0xFFF8  }
0x80: {  	[tilespmem:s23], [sflag:$0xD] =	stream.linear.gather [hbm4b:s25+s28], $0x320, $0x38;
	[tilespmem:$0x1E580] =	vst v63  }
0x81: {  	s21 =	simm.s32 $0x0;
	s31 =	simm.s32 $0x0;
	s25 =	simm.s32 $0x7  }
.LBB2_35:
0x82: {  	s2 =	smul.u32 $0xCCCD, s2  }
0x83: {  	s4 =	smulhi.u32 $0xCCCCCCCD, s22  }
0x84: {  	s2 =	sshrl.u32 s2, $0x14  }
0x85: {  	s4 =	sshrl.u32 s4, $0x4;
	s2 =	sand.u32 $0x1, s2  }
0x86: {  	s4 =	smul.u32 $0xFFFFF380, s4;
	p0 =	seq.s32 s2, $0x1;
	s2 =	simm.s32 $0xC80  }
0x87: {  	s2 =	simm.s32 @!p0 $0x0  }
0x88: {  	s4 =	sshra.s32 s4, $0x2;
	s2 =	sadd.s32 s2, s21  }
0x89: {  	s4 =	sadd.s32 $0x13948, s4;
	s2 =	sshra.s32 s2, $0x2  }
0x8a: {  	s14 =	simm.s32 $0x1A980;
	s2 =	sadd.s32 s2, s4  }
0x8b: {  	[tilespmem:s14], [sflag:$0x6] =	stream.indirect.gather [hbm4b:s1+s5], $0x80, s2, s5, $0xb8;
	[tilespmem:$0x1E580] =	vst v63  }
0x8c: {  	s4 =	simm.s32 @p5 $0xC;
	s14 =	sadd.s32 $0x6, s28  }
0x8d: {  	_ =	swait.ge @p5 [sflag:s4], $0x2800;
	s16 =	smul.u32 $0xCCCD, s14  }
0x8e: {  	s12 =	smulhi.u32 $0xCCCCCCCD, s24;
	[sflag:s4] =	ssyncset.done @p5 $0x0  }
0x8f: {  	[sflag:s4] =	ssyncadd.s32 @p5 $0xFFFFD800;
	s4 =	sshrl.u32 s16, $0x14  }
0x90: {  	s12 =	sshrl.u32 s12, $0x4;
	s4 =	sand.u32 $0x1, s4  }
0x91: {  	s15 =	smul.u32 $0xFFFFF380, s12;
	p0 =	seq.s32 s4, $0x1;
	s4 =	simm.s32 $0xC80  }
0x92: {  	s4 =	simm.s32 @!p0 $0x0  }
0x93: {  	s2 =	sshra.s32 s15, $0x2;
	s4 =	sadd.s32 s4, s21  }
0x94: {  	s2 =	sadd.s32 $0x13970, s2;
	s4 =	sshra.s32 s4, $0x2  }
0x95: {  	s17 =	simm.s32 $0x1BD80;
	s2 =	sadd.s32 s4, s2  }
0x96: {  	[tilespmem:s17], [sflag:$0x7] =	stream.indirect.gather [hbm4b:s1+s5], $0x80, s2, s5, $0xb8;
	[tilespmem:$0x1E580] =	vst v63  }
.LBB2_37:
0x97: {  	_ =	swait.ge [sflag:s30], $0x1400  }
0x98: {  	[sflag:s30] =	ssyncset.done $0x0  }
0x99: {  	[sflag:s30] =	ssyncadd.s32 $0xFFFFEC00  }
0x9a: {  	_ =	swait.ge [sflag:s19], $0x1400  }
0x9b: {  	s2 =	sadd.s32 $0x13F00, s13;
	s4 =	simm.s32 $0x50;
	[sflag:s19] =	ssyncset.done $0x0  }
0x9c: {  	s12 =	simm.s32 $0x14580;
	s2 =	sadd.s32 s20, s2;
	[sflag:s19] =	ssyncadd.s32 $0xFFFFEC00  }
0x9d: {  	[spmem:s3] =	stream.indirect.scatter.add.f32 [tilespmem:s12], [sflag:$0x9], $0x80, s2, s4, $0xb8;
	[tilespmem:$0x1E580] =	vst v63  }
.LBB2_38:
0x9e: {  	s2 =	sadd.s32 $0x7, s28  }
0x9f: {  	p4 =	sgt.u32 s2, $0x1F3  }
0xa0: {  	s2 =	smul.u32 @!p4 $0xCCCD, s2  }
0xa1: {  	s4 =	smulhi.u32 $0xCCCCCCCD, s25  }
0xa2: {  	s31 =	sadd.s32 $0x1, s31;
	s28 =	sadd.s32 $0x8, s28;
	s2 =	sshrl.u32 @!p4 s2, $0x14  }
0xa3: {  	s24 =	sadd.s32 $0x8, s24;
	s25 =	sadd.s32 $0x8, s25;
	s2 =	sand.u32 @!p4 $0x1, s2  }
0xa4: {  	s22 =	sadd.s32 $0x8, s22;
	s4 =	sshrl.u32 s4, $0x4;
	p0 =	seq.s32 @!p4 s2, $0x1  }
0xa5: {  	s20 =	smul.u32 $0xFFFFF380, s4;
	s4 =	simm.s32 @!p4 $0xC80;
	p0 =	por !p0, p4  }
0xa6: {  	s11 =	sadd.s32 $0x8, s11;
	s23 =	sadd.s32 $0x140, s23;
	s4 =	simm.s32 @p0 $0x0  }
0xa7: {  	s18 =	sadd.s32 $0x8, s18;
	s2 =	sshra.s32 s20, $0x2;
	s4 =	sadd.s32 @!p4 s4, s21  }
0xa8: {  	s12 =	simm.s32 @!p4 $0x1D180;
	s2 =	sadd.s32 $0x13998, s2;
	s4 =	sshra.s32 @!p4 s4, $0x2  }
0xa9: {  	s21 =	sadd.s32 $0x500, s21;
	s2 =	sadd.s32 @!p4 s4, s2;
	s4 =	simm.s32 @!p4 $0x28  }
0xaa: {  	[tilespmem:s12], [sflag:$0x8] =	stream.indirect.gather @!p4 [hbm4b:s1+s4], $0x80, s2, s4, $0xb8;
	[tilespmem:$0x1E580] =	vst v63  }
.LBB2_22:
0xab: {  	s2 =	smul.u32 $0xCCCD, s28;
	_ =	sdelay $0x1  }
0xac: {  	s20 =	sshrl.u32 s2, $0x14  }
0xad: {  	s2 =	smul.u32 $0x14, s20;
	_ =	sdelay $0x1  }
0xae: {  	s14 =	ssub.s32 s28, s2  }
0xaf: {  	s2 =	sand.u32 $0xFFFF, s14  }
0xb0: {  	p0 =	sne.s32 s2, $0x0  }
0xb1: {  	s2 =	simm.s32 @!p0 $0xD  }
0xb2: {  	_ =	swait.ge @!p0 [sflag:s2], $0x320  }
0xb3: {  	[sflag:s2] =	ssyncset.done @!p0 $0x0  }
0xb4: {  	s4 =	smulhi.u32 $0xCCCCCCCD, s28;
	[sflag:s2] =	ssyncadd.s32 @!p0 $0xFFFFFCE0  }
0xb5: {  	p5 =	seq.s32 s21, $0x13B00;
	s12 =	sadd.s32 $0xFFFFFFF8, s28;
	_ =	swait.ge @!p0 [sflag:s2], $0x320  }
0xb6: {  	p6 =	sgt.u32 s12, $0x1F3;
	s13 =	sand.u32 @!p5 $0x1, s20;
	[sflag:s2] =	ssyncset.done @!p0 $0x0  }
0xb7: {  	s4 =	sshrl.u32 s4, $0x4;
	[sflag:s2] =	ssyncadd.s32 @!p0 $0xFFFFFCE0;
	p0 =	seq.s32 @!p5 s13, $0x1  }
0xb8: {  	s4 =	smul.u32 $0xFFFFF380, s4;
	s2 =	simm.s32 @!p5 $0xC80;
	p0 =	por !p0, p5  }
0xb9: {  	s15 =	simm.s32 @!p5 $0x14580;
	s12 =	simm.s32 @!p6 $0x9;
	s2 =	simm.s32 @p0 $0x0  }
0xba: {  	s13 =	sshra.s32 s4, $0x2;
	_ =	swait.ge @!p6 [sflag:s12], $0x2800;
	s4 =	sadd.s32 @!p5 s2, s21  }
0xbb: {  	[sflag:s12] =	ssyncset.done @!p6 $0x0;
	s2 =	sadd.s32 $0x13880, s13;
	s4 =	sshra.s32 @!p5 s4, $0x2  }
0xbc: {  	[sflag:s12] =	ssyncadd.s32 @!p6 $0xFFFFD800;
	s12 =	simm.s32 @!p5 $0x28;
	s4 =	sadd.s32 @!p5 s4, s2  }
0xbd: {  	[tilespmem:s15], [sflag:$0x1] =	stream.indirect.gather @!p5 [hbm4b:s1+s12], $0x80, s4, s12, $0xb8;
	[tilespmem:$0x1E580] =	vst v63  }
0xbe: {  	s4 =	smul.u32 @!p6 $0xCCCD, s28  }
0xbf: {  	s16 =	sand.u32 $0xFFFF, s18;
	p0 =	seq.s32 @!p6 s21, $0x0  }
0xc0: {  	p0 =	por !p0, p6;
	s12 =	simm.s32 @!p6 $0x1;
	s4 =	sadd.s32 @!p6 $0xFFFB3332, s4  }
0xc1: {  	s17 =	sadd.s32 $0x2, s16;
	s12 =	simm.s32 @p0 $0x0;
	s4 =	sshrl.u32 @!p6 s4, $0x14  }
0xc2: {  	s15 =	smulhi.u32 $0xCCCCCCD, s17;
	s17 =	simm.s32 @!p6 $0x3;
	s4 =	sadd.s32 @!p6 s12, s4  }
0xc3: {  	_ =	swait.ge @!p6 [sflag:s17], $0x1400;
	s4 =	sand.u32 @!p6 $0x1, s4  }
0xc4: {  	[sflag:s17] =	ssyncset.done @!p6 $0x0;
	p0 =	seq.s32 @!p6 s4, $0x1;
	s4 =	ssub.s32 @!p6 s15, s12  }
0xc5: {  	s12 =	simm.s32 @!p6 $0xC80;
	p0 =	por !p0, p6;
	s4 =	smul.u32 @!p6 $0xC80, s4  }
0xc6: {  	[sflag:s17] =	ssyncadd.s32 @!p6 $0xFFFFEC00;
	s15 =	simm.s32 @!p6 $0x4;
	s12 =	simm.s32 @p0 $0x0  }
0xc7: {  	_ =	swait.ge @!p6 [sflag:s15], $0x1400;
	s4 =	ssub.s32 @!p6 s12, s4  }
0xc8: {  	[sflag:s15] =	ssyncset.done @!p6 $0x0;
	s4 =	sshra.s32 @!p6 s4, $0x2  }
0xc9: {  	p4 =	sgt.u32 s31, $0x3B;
	[sflag:s15] =	ssyncadd.s32 @!p6 $0xFFFFEC00;
	s4 =	sadd.s32 @!p6 s4, s23  }
0xca: {  	s12 =	simm.s32 @!p6 $0x50;
	s15 =	simm.s32 @!p6 $0x16D80;
	s4 =	sadd.s32 @!p6 $0xFFFFFF10, s4  }
0xcb: {  	[spmem:s3] =	stream.indirect.scatter.add.f32 @!p6 [tilespmem:s15], [sflag:$0xA], $0x80, s4, s12, $0xb8;
	[tilespmem:$0x1E580] =	vst v63  }
0xcc: {  	s4 =	sand.u32 @!p4 $0xFFFF, s14  }
0xcd: {  	p0 =	sne.s32 @!p4 s4, $0x8  }
0xce: {  	p0 =	por p4, p0  }
.Ltmp4:
0xcf: {  	_ = 	snop;
	(pc) =	sbr.rel @p0 .LBB2_24-.Ltmp4, $1  }
0xd0: {  	_ =	sdelay $0x3  }
0xd1: {  	s4 =	sadd.s32 $0x1, s20  }
0xd2: {  	s12 =	smul.u32 $0x320, s4  }
0xd3: {  	s4 =	sand.u32 $0x1, s4  }
0xd4: {  	p0 =	seq.s32 s4, $0x1;
	s4 =	simm.s32 $0x320;
	s12 =	sadd.s32 s10, s12  }
0xd5: {  	s4 =	simm.s32 @!p0 $0x0;
	s12 =	sshrl.u32 s12, $0x3  }
0xd6: {  	s17 =	simm.s32 $0x0;
	s14 =	sor.u32 $0x13880, s4;
	s15 =	sadd.s32 s8, s12  }
0xd7: {  	[tilespmem:s14], [sflag:$0xD] =	stream.linear.gather [hbm4b:s15+s17], $0x320, $0x38;
	[tilespmem:$0x1E580] =	vst v63  }
0xd8: {  	s4 =	sadd.s32 $0x13F00, s4;
	s12 =	sadd.s32 s9, s12  }
0xd9: {  	[tilespmem:s4], [sflag:$0xD] =	stream.linear.gather [hbm4b:s12+s17], $0x320, $0x38;
	[tilespmem:$0x1E580] =	vst v63  }
.LBB2_25:
0xda: {  	s4 =	sand.u32 $0x1, s20  }
0xdb: {  	p0 =	seq.s32 s4, $0x1;
	s4 =	simm.s32 $0xC80  }
0xdc: {  	s4 =	simm.s32 @!p0 $0x0  }
0xdd: {  	s4 =	sadd.s32 s4, s21  }
0xde: {  	s4 =	sshra.s32 s4, $0x2  }
0xdf: {  	s4 =	sadd.s32 s4, s2  }
0xe0: {  	s12 =	simm.s32 $0x15980;
	s4 =	sadd.s32 $0x28, s4  }
0xe1: {  	[tilespmem:s12], [sflag:$0x2] =	stream.indirect.gather [hbm4b:s1+s5], $0x80, s4, s5, $0xb8;
	[tilespmem:$0x1E580] =	vst v63  }
.LBB2_26:
.Ltmp5:
0xe2: {  	(pc) =	sbr.rel @p5 .LBB2_39-.Ltmp5, $4  }
0xe3: {  	s4 =	simm.s32 @!p6 $0xA  }
0xe4: {  	_ =	swait.ge @!p6 [sflag:s4], $0x2800  }
0xe5: {  	[sflag:s4] =	ssyncset.done @!p6 $0x0  }
0xe6: {  	[sflag:s4] =	ssyncadd.s32 @!p6 $0xFFFFD800  }
0xe7: {  	s4 =	sand.u32 $0x1, s20  }
0xe8: {  	p0 =	seq.s32 s4, $0x1;
	s4 =	simm.s32 $0x320  }
0xe9: {  	s4 =	simm.s32 @!p0 $0x0  }
0xea: {  	s4 =	sshll.u32 s4, $0x2  }
0xeb: {  	s4 =	sadd.s32 s4, s21  }
0xec: {  	s20 =	sshra.s32 s4, $0x2;
	s4 =	sadd.s32 $0xFFFFFFFC, s28  }
0xed: {  	s2 =	sadd.s32 s20, s2;
	p5 =	sgt.u32 s4, $0x1F3  }
0xee: {  	s15 =	simm.s32 $0x16D80;
	s12 =	sadd.s32 $0x50, s2;
	s14 =	smul.u32 @!p5 $0xFFFFCCCD, s4  }
0xef: {  	[tilespmem:s15], [sflag:$0x3] =	stream.indirect.gather [hbm4b:s1+s5], $0x80, s12, s5, $0xb8;
	[tilespmem:$0x1E580] =	vst v63  }
0xf0: {  	s12 =	sand.u32 @!p5 $0xFFFC, s14  }
0xf1: {  	s14 =	sshll.u32 @!p5 s14, $0xE;
	s12 =	sshrl.u32 @!p5 s12, $0x2  }
0xf2: {  	s12 =	sor.u32 @!p5 s14, s12  }
0xf3: {  	s12 =	sand.u32 @!p5 $0xFFFF, s12  }
0xf4: {  	p0 =	seq.s32 @!p5 s21, $0x0;
	p2 =	sgt.u32 @!p5 s12, $0xCCC  }
0xf5: {  	p0 =	por @!p5 !p0, !p2  }
0xf6: {  	s4 =	smul.u32 @!p5 $0xCCCD, s4;
	p0 =	por @!p5 !p0, !p0  }
0xf7: {  	s12 =	simm.s32 @!p5 $0x1;
	p0 =	por !p0, p5  }
0xf8: {  	s15 =	simm.s32 @!p5 $0x5;
	s4 =	sshrl.u32 @!p5 s4, $0x14;
	s12 =	simm.s32 @p0 $0x0  }
0xf9: {  	s16 =	sadd.s32 $0x4, s16;
	_ =	swait.ge @!p5 [sflag:s15], $0x1400;
	s4 =	sadd.s32 @!p5 s4, s12  }
0xfa: {  	[sflag:s15] =	ssyncset.done @!p5 $0x0;
	s14 =	smulhi.u32 $0xCCCCCCD, s16;
	s4 =	sand.u32 @!p5 $0x1, s4  }
0xfb: {  	[sflag:s15] =	ssyncadd.s32 @!p5 $0xFFFFEC00;
	p0 =	seq.s32 @!p5 s4, $0x1  }
0xfc: {  	s4 =	ssub.s32 @!p5 s14, s12;
	s12 =	simm.s32 @!p5 $0xC80;
	s14 =	simm.s32 @!p5 $0x6  }
0xfd: {  	p0 =	por !p0, p5;
	s4 =	smul.u32 @!p5 $0xC80, s4;
	_ =	swait.ge @!p5 [sflag:s14], $0x1400  }
0xfe: {  	s12 =	simm.s32 @p0 $0x0;
	[sflag:s14] =	ssyncset.done @!p5 $0x0  }
0xff: {  	s4 =	ssub.s32 @!p5 s12, s4;
	[sflag:s14] =	ssyncadd.s32 @!p5 $0xFFFFEC00;
	s14 =	sadd.s32 $0x4, s28  }
0x100: {  	s4 =	sshra.s32 @!p5 s4, $0x2;
	s17 =	smul.u32 $0xCCCD, s14  }
0x101: {  	s15 =	simm.s32 @!p5 $0x19580;
	s4 =	sadd.s32 @!p5 s4, s23  }
0x102: {  	s12 =	simm.s32 @!p5 $0x50;
	s4 =	sadd.s32 @!p5 $0xFFFFFF60, s4;
	s16 =	sshrl.u32 s17, $0x14  }
0x103: {  	[spmem:s3] =	stream.indirect.scatter.add.f32 @!p5 [tilespmem:s15], [sflag:$0xB], $0x80, s4, s12, $0xb8;
	[tilespmem:$0x1E580] =	vst v63  }
0x104: {  	s2 =	sadd.s32 $0x78, s2;
	s17 =	simm.s32 $0x18180;
	s15 =	smul.u32 $0x14, s16  }
0x105: {  	[tilespmem:s17], [sflag:$0x4] =	stream.indirect.gather [hbm4b:s1+s5], $0x80, s2, s5, $0xb8;
	[tilespmem:$0x1E580] =	vst v63  }
0x106: {  	p2 =	sgt.u32 s14, $0x1F3;
	s2 =	ssub.s32 s14, s15  }
0x107: {  	s4 =	sand.u32 @!p2 $0xFFFF, s2  }
0x108: {  	p0 =	sne.s32 @!p2 s4, $0x0  }
0x109: {  	p0 =	por p2, p0  }
.Ltmp6:
0x10a: {  	_ = 	snop;
	(pc) =	sbr.rel @p0 .LBB2_29-.Ltmp6, $1  }
0x10b: {  	_ =	sdelay $0x3  }
0x10c: {  	_ =	swait.ge [sflag:s0], $0x320  }
0x10d: {  	[sflag:s0] =	ssyncset.done $0x0  }
0x10e: {  	[sflag:s0] =	ssyncadd.s32 $0xFFFFFCE0  }
0x10f: {  	_ =	swait.ge [sflag:s0], $0x320  }
0x110: {  	[sflag:s0] =	ssyncset.done $0x0  }
0x111: {  	s4 =	simm.s32 @!p5 $0xB;
	[sflag:s0] =	ssyncadd.s32 $0xFFFFFCE0  }
0x112: {  	p0 =	por @!p5 $0x1, $0x1;
	_ =	swait.ge @!p5 [sflag:s4], $0x2800  }
0x113: {  	s2 =	simm.s32 @!p5 $0x0;
	p6 =	por $0x0, $0x0;
	[sflag:s4] =	ssyncset.done @!p5 $0x0  }
0x114: {  	s2 =	simm.s32 @p5 $0x0;
	p6 =	por @!p5 p0, p0;
	[sflag:s4] =	ssyncadd.s32 @!p5 $0xFFFFD800  }
.LBB2_32:
0x115: {  	s4 =	smulhi.u32 $0xCCCCCCCD, s11;
	_ =	sdelay $0x1  }
0x116: {  	s12 =	sand.u32 $0x1, s16;
	s4 =	sshrl.u32 s4, $0x4  }
0x117: {  	p0 =	seq.s32 s12, $0x1;
	s12 =	simm.s32 $0xC80;
	s4 =	smul.u32 $0xFFFFF380, s4  }
.Ltmp7:
0x118: {  	s12 =	simm.s32 @!p0 $0x0;
	(pc) =	sbr.rel @!p6 .LBB2_34-.Ltmp7, $4  }
0x119: {  	s12 =	sadd.s32 s12, s21;
	s4 =	sshra.s32 s4, $0x2  }
0x11a: {  	s12 =	sshra.s32 s12, $0x2;
	s4 =	sadd.s32 $0x13920, s4  }
0x11b: {  	s17 =	simm.s32 $0x19580;
	p5 =	por $0x0, $0x0;
	s4 =	sadd.s32 s12, s4  }
0x11c: {  	[tilespmem:s17], [sflag:$0x5] =	stream.indirect.gather [hbm4b:s1+s5], $0x80, s4, s5, $0xb8;
	[tilespmem:$0x1E580] =	vst v63  }
.LBB2_33:
0x11d: {  	s4 =	smul.u32 $0x6667, s28;
	_ =	sdelay $0x1  }
0x11e: {  	s4 =	sadd.s32 $0xFFFF3332, s4  }
0x11f: {  	s12 =	sshrl.u32 s4, $0x1F;
	s4 =	sshra.s32 s4, $0x13  }
0x120: {  	p0 =	seq.s32 s21, $0x0;
	s4 =	sadd.s32 s12, s4;
	s12 =	simm.s32 $0x1  }
0x121: {  	s4 =	sand.u32 $0xFFFF, s4;
	s12 =	simm.s32 @!p0 $0x0  }
0x122: {  	s4 =	ssub.s32 s4, s12  }
0x123: {  	_ =	swait.ge [sflag:s26], $0x1400;
	s12 =	sand.u32 $0x1, s4  }
0x124: {  	s4 =	smul.u32 $0xC80, s4;
	p0 =	seq.s32 s12, $0x1;
	s12 =	simm.s32 $0xC80  }
0x125: {  	[sflag:s26] =	ssyncset.done $0x0;
	s12 =	simm.s32 @!p0 $0x0  }
0x126: {  	[sflag:s26] =	ssyncadd.s32 $0xFFFFEC00;
	s4 =	ssub.s32 s12, s4  }
0x127: {  	s17 =	simm.s32 $0x50;
	_ =	swait.ge [sflag:s29], $0x1400;
	s4 =	sadd.s32 s4, s21  }
0x128: {  	s14 =	simm.s32 $0x1BD80;
	[sflag:s29] =	ssyncset.done $0x0;
	s4 =	sshra.s32 s4, $0x2  }
0x129: {  	p5 =	por $0x1, $0x1;
	[sflag:s29] =	ssyncadd.s32 $0xFFFFEC00;
	s4 =	sadd.s32 $0x13EB0, s4  }
0x12a: {  	[spmem:s3] =	stream.indirect.scatter.add.f32 [tilespmem:s14], [sflag:$0xC], $0x80, s4, s17, $0xb8;
	[tilespmem:$0x1E580] =	vst v63  }
.LBB2_34:
0x12b: {  	p0 =	sne.s32 @!p4 s2, $0x8  }
0x12c: {  	p6 =	por p0, p4  }
0x12d: {  	s2 =	sadd.s32 @!p6 $0x1, s16  }
0x12e: {  	s4 =	sand.u32 @!p6 $0x1, s2;
	s2 =	smul.u32 @!p6 $0x320, s2  }
0x12f: {  	p2 =	seq.s32 @!p6 s4, $0x1  }
0x130: {  	p0 =	por @!p4 !p2, p0;
	s2 =	sand.u32 @!p6 $0xFFE0, s2  }
0x131: {  	s4 =	simm.s32 @!p6 $0x320;
	p0 =	por !p0, p4;
	s2 =	sadd.s32 @!p6 s2, s10  }
0x132: {  	s4 =	simm.s32 @!p0 $0x0;
	s2 =	sshrl.u32 @!p6 s2, $0x3  }
0x133: {  	s15 =	simm.s32 @!p6 $0x0;
	s12 =	sor.u32 @!p6 $0x13880, s4;
	s14 =	sadd.s32 @!p6 s8, s2  }
0x134: {  	[tilespmem:s12], [sflag:$0xD] =	stream.linear.gather @!p6 [hbm4b:s14+s15], $0x320, $0x38;
	[tilespmem:$0x1E580] =	vst v63  }
0x135: {  	s4 =	sadd.s32 @!p6 $0x13F00, s4;
	s2 =	sadd.s32 @!p6 s9, s2  }
0x136: {  	[tilespmem:s4], [sflag:$0xD] =	stream.linear.gather @!p6 [hbm4b:s2+s15], $0x320, $0x38;
	[tilespmem:$0x1E580] =	vst v63  }
0x137: {  	s2 =	sadd.s32 $0x5, s28  }
0x138: {  	p0 =	sgt.u32 s2, $0x1F3  }
.Ltmp8:
0x139: {  	_ = 	snop;
	(pc) =	sbr.rel @!p0 .LBB2_35-.Ltmp8, $1  }
0x13a: {  	_ =	sdelay $0x3  }
0x13b: {  	p0 =	sgt.u32 s31, $0x3E  }
.Ltmp9:
0x13c: {  	_ = 	snop;
	(pc) =	sbr.rel @p0 .LBB2_38-.Ltmp9, $4  }
.Ltmp10:
0x13d: {  	s2 =	simm.s32 @p5 $0xC;
	(pc) =	sbr.rel @!p0 .LBB2_37-.Ltmp10, $4  }
0x13e: {  	_ =	swait.ge @p5 [sflag:s2], $0x2800  }
0x13f: {  	[sflag:s2] =	ssyncset.done @p5 $0x0  }
0x140: {  	[sflag:s2] =	ssyncadd.s32 @p5 $0xFFFFD800  }
0x141: {  	_ = 	snop  }
.LBB2_24:
.Ltmp11:
0x142: {  	(pc) =	sbr.rel @p5 .LBB2_26-.Ltmp11, $4  }
.Ltmp12:
0x143: {  	(pc) =	sbr.rel @!p5 .LBB2_25-.Ltmp12, $4  }
0x144: {  	_ = 	snop  }
0x145: {  	_ = 	snop  }
0x146: {  	_ = 	snop  }
0x147: {  	_ = 	snop  }
.LBB2_29:
.Ltmp13:
0x148: {  	(pc) =	sbr.rel @p5 .LBB2_31-.Ltmp13, $2  }
0x149: {  	_ =	sdelay $0x2  }
0x14a: {  	s2 =	sand.u32 $0xFFFF, s2  }
0x14b: {  	p0 =	slt.u32 s14, $0x1F4  }
.Ltmp14:
0x14c: {  	_ = 	snop;
	(pc) =	sbr.rel @p0 .LBB2_32-.Ltmp14, $4  }
.Ltmp15:
0x14d: {  	s4 =	simm.s32 $0xB;
	(pc) =	sbr.rel @!p0 .LBB2_33-.Ltmp15, $4  }
0x14e: {  	_ =	swait.ge [sflag:s4], $0x2800  }
0x14f: {  	[sflag:s4] =	ssyncset.done $0x0  }
0x150: {  	p6 =	por $0x1, $0x1;
	[sflag:s4] =	ssyncadd.s32 $0xFFFFD800  }
0x151: {  	_ = 	snop  }
.LBB2_31:
.Ltmp16:
0x152: {  	(pc) =	sbr.rel @p2 .LBB2_34-.Ltmp16, $4  }
.Ltmp17:
0x153: {  	(pc) =	sbr.rel @!p2 .LBB2_32-.Ltmp17, $4  }
0x154: {  	_ = 	snop  }
0x155: {  	_ = 	snop  }
0x156: {  	p6 =	por $0x0, $0x0;
	p5 =	por $0x0, $0x0  }
0x157: {  	_ = 	snop  }
.LBB2_2:
0x158: {  	s2 =	rddreg [dreg:$0x7];
	s4 =	simm.s32 $0x13880;
	s23 =	simm.s32 $0x13F00  }
.Ltmp18:
0x159: {  	s25 =	rddreg [dreg:$0x8];
	s24 =	simm.s32 $0x6;
	(pc) =	sbr.rel .LBB2_3-.Ltmp18, $4  }
0x15a: {  	[tilespmem:s4], [sflag:$0xD] =	stream.linear.gather [hbm4b:s2+s28], $0x320, $0x38;
	[tilespmem:$0x1E580] =	vst v63  }
0x15b: {  	s22 =	simm.s32 $0x5;
	s11 =	simm.s32 $0x4;
	s18 =	simm.s32 $0xFFF8  }
0x15c: {  	[tilespmem:s23], [sflag:$0xD] =	stream.linear.gather [hbm4b:s25+s28], $0x320, $0x38;
	[tilespmem:$0x1E580] =	vst v63  }
0x15d: {  	s21 =	simm.s32 $0x0;
	s31 =	simm.s32 $0x0;
	s25 =	simm.s32 $0x7  }
.LBB2_16:
0x15e: {  	s2 =	smul.u32 $0xCCCD, s2  }
0x15f: {  	s4 =	smulhi.u32 $0xCCCCCCCD, s22  }
0x160: {  	s2 =	sshrl.u32 s2, $0x14  }
0x161: {  	s4 =	sshrl.u32 s4, $0x4;
	s2 =	sand.u32 $0x1, s2  }
0x162: {  	s4 =	smul.u32 $0xFFFFF380, s4;
	p0 =	seq.s32 s2, $0x1;
	s2 =	simm.s32 $0xC80  }
0x163: {  	s2 =	simm.s32 @!p0 $0x0  }
0x164: {  	s4 =	sshra.s32 s4, $0x2;
	s2 =	sadd.s32 s2, s21  }
0x165: {  	s4 =	sadd.s32 $0x13948, s4;
	s2 =	sshra.s32 s2, $0x2  }
0x166: {  	s14 =	simm.s32 $0x1A980;
	s2 =	sadd.s32 s2, s4  }
0x167: {  	[tilespmem:s14], [sflag:$0x6] =	stream.indirect.gather [hbm4b:s1+s5], $0x80, s2, s5, $0xb8;
	[tilespmem:$0x1E580] =	vst v63  }
0x168: {  	s4 =	simm.s32 @p5 $0xC;
	s14 =	sadd.s32 $0x6, s28  }
0x169: {  	_ =	swait.ge @p5 [sflag:s4], $0x2800;
	s16 =	smul.u32 $0xCCCD, s14  }
0x16a: {  	s12 =	smulhi.u32 $0xCCCCCCCD, s24;
	[sflag:s4] =	ssyncset.done @p5 $0x0  }
0x16b: {  	[sflag:s4] =	ssyncadd.s32 @p5 $0xFFFFD800;
	s4 =	sshrl.u32 s16, $0x14  }
0x16c: {  	s12 =	sshrl.u32 s12, $0x4;
	s4 =	sand.u32 $0x1, s4  }
0x16d: {  	s15 =	smul.u32 $0xFFFFF380, s12;
	p0 =	seq.s32 s4, $0x1;
	s4 =	simm.s32 $0xC80  }
0x16e: {  	s4 =	simm.s32 @!p0 $0x0  }
0x16f: {  	s2 =	sshra.s32 s15, $0x2;
	s4 =	sadd.s32 s4, s21  }
0x170: {  	s2 =	sadd.s32 $0x13970, s2;
	s4 =	sshra.s32 s4, $0x2  }
0x171: {  	s17 =	simm.s32 $0x1BD80;
	s2 =	sadd.s32 s4, s2  }
0x172: {  	[tilespmem:s17], [sflag:$0x7] =	stream.indirect.gather [hbm4b:s1+s5], $0x80, s2, s5, $0xb8;
	[tilespmem:$0x1E580] =	vst v63  }
.LBB2_18:
0x173: {  	_ =	swait.ge [sflag:s30], $0x1400  }
0x174: {  	[sflag:s30] =	ssyncset.done $0x0  }
0x175: {  	[sflag:s30] =	ssyncadd.s32 $0xFFFFEC00  }
0x176: {  	_ =	swait.ge [sflag:s19], $0x1400  }
0x177: {  	s2 =	sadd.s32 $0x13F00, s13;
	s4 =	simm.s32 $0x50;
	[sflag:s19] =	ssyncset.done $0x0  }
0x178: {  	s12 =	simm.s32 $0x14580;
	s2 =	sadd.s32 s20, s2;
	[sflag:s19] =	ssyncadd.s32 $0xFFFFEC00  }
0x179: {  	[spmem:s3] =	stream.indirect.scatter.add.f32 [tilespmem:s12], [sflag:$0x9], $0x80, s2, s4, $0xb8;
	[tilespmem:$0x1E580] =	vst v63  }
.LBB2_19:
0x17a: {  	s2 =	sadd.s32 $0x7, s28  }
0x17b: {  	p4 =	sgt.u32 s2, $0x1F3  }
0x17c: {  	s2 =	smul.u32 @!p4 $0xCCCD, s2  }
0x17d: {  	s4 =	smulhi.u32 $0xCCCCCCCD, s25  }
0x17e: {  	s31 =	sadd.s32 $0x1, s31;
	s28 =	sadd.s32 $0x8, s28;
	s2 =	sshrl.u32 @!p4 s2, $0x14  }
0x17f: {  	s24 =	sadd.s32 $0x8, s24;
	s25 =	sadd.s32 $0x8, s25;
	s2 =	sand.u32 @!p4 $0x1, s2  }
0x180: {  	s22 =	sadd.s32 $0x8, s22;
	s4 =	sshrl.u32 s4, $0x4;
	p0 =	seq.s32 @!p4 s2, $0x1  }
0x181: {  	s20 =	smul.u32 $0xFFFFF380, s4;
	s4 =	simm.s32 @!p4 $0xC80;
	p0 =	por !p0, p4  }
0x182: {  	s11 =	sadd.s32 $0x8, s11;
	s23 =	sadd.s32 $0x140, s23;
	s4 =	simm.s32 @p0 $0x0  }
0x183: {  	s18 =	sadd.s32 $0x8, s18;
	s2 =	sshra.s32 s20, $0x2;
	s4 =	sadd.s32 @!p4 s4, s21  }
0x184: {  	s12 =	simm.s32 @!p4 $0x1D180;
	s2 =	sadd.s32 $0x13998, s2;
	s4 =	sshra.s32 @!p4 s4, $0x2  }
0x185: {  	s21 =	sadd.s32 $0x500, s21;
	s2 =	sadd.s32 @!p4 s4, s2;
	s4 =	simm.s32 @!p4 $0x28  }
0x186: {  	[tilespmem:s12], [sflag:$0x8] =	stream.indirect.gather @!p4 [hbm4b:s1+s4], $0x80, s2, s4, $0xb8;
	[tilespmem:$0x1E580] =	vst v63  }
.LBB2_3:
0x187: {  	s2 =	smul.u32 $0xCCCD, s28;
	_ =	sdelay $0x1  }
0x188: {  	s20 =	sshrl.u32 s2, $0x14  }
0x189: {  	s2 =	smul.u32 $0x14, s20;
	_ =	sdelay $0x1  }
0x18a: {  	s14 =	ssub.s32 s28, s2  }
0x18b: {  	s2 =	sand.u32 $0xFFFF, s14  }
0x18c: {  	p2 =	sne.s32 s2, $0x0  }
0x18d: {  	s2 =	simm.s32 @!p2 $0xD  }
0x18e: {  	_ =	swait.ge @!p2 [sflag:s2], $0x320  }
0x18f: {  	[sflag:s2] =	ssyncset.done @!p2 $0x0  }
0x190: {  	s13 =	smulhi.u32 $0xCCCCCCCD, s28;
	s16 =	sadd.s32 $0xFFFFFFF8, s28;
	[sflag:s2] =	ssyncadd.s32 @!p2 $0xFFFFFCE0  }
0x191: {  	p5 =	seq.s32 s21, $0x13B00;
	p6 =	sgt.u32 s16, $0x1F3;
	_ =	swait.ge @!p2 [sflag:s2], $0x320  }
0x192: {  	s13 =	sshrl.u32 s13, $0x4;
	s15 =	sand.u32 @!p5 $0x1, s20;
	[sflag:s2] =	ssyncset.done @!p2 $0x0  }
0x193: {  	s13 =	smul.u32 $0xFFFFF380, s13;
	[sflag:s2] =	ssyncadd.s32 @!p2 $0xFFFFFCE0;
	p2 =	seq.s32 @!p5 s15, $0x1  }
0x194: {  	s15 =	simm.s32 @!p6 $0x9;
	s2 =	simm.s32 @!p5 $0xC80;
	p2 =	por !p2, p5  }
0x195: {  	_ =	swait.ge @!p6 [sflag:s15], $0x2800;
	s2 =	simm.s32 @p2 $0x0  }
0x196: {  	s13 =	sshra.s32 s13, $0x2;
	[sflag:s15] =	ssyncset.done @!p6 $0x0;
	s16 =	sadd.s32 @!p5 s2, s21  }
0x197: {  	s2 =	sadd.s32 $0x13880, s13;
	[sflag:s15] =	ssyncadd.s32 @!p6 $0xFFFFD800;
	s15 =	sshra.s32 @!p5 s16, $0x2  }
0x198: {  	s17 =	simm.s32 @!p5 $0x14580;
	s16 =	simm.s32 @!p5 $0x28;
	s15 =	sadd.s32 @!p5 s15, s2  }
0x199: {  	[tilespmem:s17], [sflag:$0x1] =	stream.indirect.gather @!p5 [hbm4b:s1+s16], $0x80, s15, s16, $0xb8;
	[tilespmem:$0x1E580] =	vst v63  }
0x19a: {  	p2 =	seq.s32 @!p6 s21, $0x0;
	s15 =	smul.u32 @!p6 $0xCCCD, s28  }
0x19b: {  	p2 =	por !p2, p6  }
0x19c: {  	s16 =	sand.u32 $0xFFFF, s18;
	s17 =	simm.s32 @!p6 $0x1;
	s15 =	sadd.s32 @!p6 $0xFFFB3332, s15  }
0x19d: {  	s12 =	sadd.s32 $0x2, s16;
	s17 =	simm.s32 @p2 $0x0;
	s15 =	sshrl.u32 @!p6 s15, $0x14  }
0x19e: {  	s4 =	simm.s32 @!p6 $0x3;
	s12 =	smulhi.u32 $0xCCCCCCD, s12;
	s15 =	sadd.s32 @!p6 s17, s15  }
0x19f: {  	_ =	swait.ge @!p6 [sflag:s4], $0x1400;
	s15 =	sand.u32 @!p6 $0x1, s15  }
0x1a0: {  	[sflag:s4] =	ssyncset.done @!p6 $0x0;
	s12 =	ssub.s32 @!p6 s12, s17;
	p2 =	seq.s32 @!p6 s15, $0x1  }
0x1a1: {  	s12 =	smul.u32 @!p6 $0xC80, s12;
	s15 =	simm.s32 @!p6 $0xC80;
	p2 =	por !p2, p6  }
0x1a2: {  	[sflag:s4] =	ssyncadd.s32 @!p6 $0xFFFFEC00;
	s4 =	simm.s32 @!p6 $0x4;
	s15 =	simm.s32 @p2 $0x0  }
0x1a3: {  	_ =	swait.ge @!p6 [sflag:s4], $0x1400;
	s12 =	ssub.s32 @!p6 s15, s12  }
0x1a4: {  	[sflag:s4] =	ssyncset.done @!p6 $0x0;
	s12 =	sshra.s32 @!p6 s12, $0x2  }
0x1a5: {  	p4 =	sgt.u32 s31, $0x3B;
	[sflag:s4] =	ssyncadd.s32 @!p6 $0xFFFFEC00;
	s4 =	sadd.s32 @!p6 s12, s23  }
0x1a6: {  	s15 =	simm.s32 @!p6 $0x16D80;
	s12 =	simm.s32 @!p6 $0x50;
	s4 =	sadd.s32 @!p6 $0xFFFFFF10, s4  }
0x1a7: {  	[spmem:s3] =	stream.indirect.scatter.add.f32 @!p6 [tilespmem:s15], [sflag:$0xA], $0x80, s4, s12, $0xb8;
	[tilespmem:$0x1E580] =	vst v63  }
0x1a8: {  	s4 =	sand.u32 @!p4 $0xFFFF, s14  }
0x1a9: {  	p2 =	sne.s32 @!p4 s4, $0x8  }
0x1aa: {  	p2 =	por p4, p2  }
.Ltmp19:
0x1ab: {  	_ = 	snop;
	(pc) =	sbr.rel @p2 .LBB2_5-.Ltmp19, $1  }
0x1ac: {  	_ =	sdelay $0x3  }
0x1ad: {  	s4 =	sadd.s32 $0x1, s20  }
0x1ae: {  	s12 =	smul.u32 $0x320, s4  }
0x1af: {  	s4 =	sand.u32 $0x1, s4  }
0x1b0: {  	p2 =	seq.s32 s4, $0x1;
	s4 =	simm.s32 $0x320;
	s12 =	sadd.s32 s10, s12  }
0x1b1: {  	s4 =	simm.s32 @!p2 $0x0;
	s12 =	sshrl.u32 s12, $0x3  }
0x1b2: {  	s17 =	simm.s32 $0x0;
	s14 =	sor.u32 $0x13880, s4;
	s15 =	sadd.s32 s6, s12  }
0x1b3: {  	[tilespmem:s14], [sflag:$0xD] =	stream.linear.gather [hbm4b:s15+s17], $0x320, $0x38;
	[tilespmem:$0x1E580] =	vst v63  }
0x1b4: {  	s4 =	sadd.s32 $0x13F00, s4;
	s12 =	sadd.s32 s7, s12  }
0x1b5: {  	[tilespmem:s4], [sflag:$0xD] =	stream.linear.gather [hbm4b:s12+s17], $0x320, $0x38;
	[tilespmem:$0x1E580] =	vst v63  }
.LBB2_6:
0x1b6: {  	s4 =	sand.u32 $0x1, s20  }
0x1b7: {  	p2 =	seq.s32 s4, $0x1;
	s4 =	simm.s32 $0xC80  }
0x1b8: {  	s4 =	simm.s32 @!p2 $0x0  }
0x1b9: {  	s4 =	sadd.s32 s4, s21  }
0x1ba: {  	s4 =	sshra.s32 s4, $0x2  }
0x1bb: {  	s4 =	sadd.s32 s4, s2  }
0x1bc: {  	s12 =	simm.s32 $0x15980;
	s4 =	sadd.s32 $0x28, s4  }
0x1bd: {  	[tilespmem:s12], [sflag:$0x2] =	stream.indirect.gather [hbm4b:s1+s5], $0x80, s4, s5, $0xb8;
	[tilespmem:$0x1E580] =	vst v63  }
.LBB2_7:
.Ltmp20:
0x1be: {  	(pc) =	sbr.rel @p5 .LBB2_20-.Ltmp20, $4  }
0x1bf: {  	s4 =	simm.s32 @!p6 $0xA  }
0x1c0: {  	_ =	swait.ge @!p6 [sflag:s4], $0x2800  }
0x1c1: {  	[sflag:s4] =	ssyncset.done @!p6 $0x0  }
0x1c2: {  	[sflag:s4] =	ssyncadd.s32 @!p6 $0xFFFFD800  }
0x1c3: {  	s4 =	sand.u32 $0x1, s20  }
0x1c4: {  	p2 =	seq.s32 s4, $0x1;
	s4 =	simm.s32 $0x320  }
0x1c5: {  	s4 =	simm.s32 @!p2 $0x0  }
0x1c6: {  	s4 =	sshll.u32 s4, $0x2  }
0x1c7: {  	s4 =	sadd.s32 s4, s21  }
0x1c8: {  	s20 =	sshra.s32 s4, $0x2;
	s4 =	sadd.s32 $0xFFFFFFFC, s28  }
0x1c9: {  	s2 =	sadd.s32 s20, s2;
	p5 =	sgt.u32 s4, $0x1F3  }
0x1ca: {  	s15 =	simm.s32 $0x16D80;
	s12 =	sadd.s32 $0x50, s2;
	s14 =	smul.u32 @!p5 $0xFFFFCCCD, s4  }
0x1cb: {  	[tilespmem:s15], [sflag:$0x3] =	stream.indirect.gather [hbm4b:s1+s5], $0x80, s12, s5, $0xb8;
	[tilespmem:$0x1E580] =	vst v63  }
0x1cc: {  	s12 =	sand.u32 @!p5 $0xFFFC, s14  }
0x1cd: {  	s14 =	sshll.u32 @!p5 s14, $0xE;
	s12 =	sshrl.u32 @!p5 s12, $0x2  }
0x1ce: {  	s12 =	sor.u32 @!p5 s14, s12  }
0x1cf: {  	s12 =	sand.u32 @!p5 $0xFFFF, s12  }
0x1d0: {  	p2 =	seq.s32 @!p5 s21, $0x0;
	p6 =	sgt.u32 @!p5 s12, $0xCCC  }
0x1d1: {  	p2 =	por @!p5 !p2, !p6  }
0x1d2: {  	s4 =	smul.u32 @!p5 $0xCCCD, s4;
	p2 =	por @!p5 !p2, !p2  }
0x1d3: {  	s12 =	simm.s32 @!p5 $0x1;
	p2 =	por !p2, p5  }
0x1d4: {  	s15 =	simm.s32 @!p5 $0x5;
	s4 =	sshrl.u32 @!p5 s4, $0x14;
	s12 =	simm.s32 @p2 $0x0  }
0x1d5: {  	s16 =	sadd.s32 $0x4, s16;
	_ =	swait.ge @!p5 [sflag:s15], $0x1400;
	s4 =	sadd.s32 @!p5 s4, s12  }
0x1d6: {  	[sflag:s15] =	ssyncset.done @!p5 $0x0;
	s14 =	smulhi.u32 $0xCCCCCCD, s16;
	s4 =	sand.u32 @!p5 $0x1, s4  }
0x1d7: {  	[sflag:s15] =	ssyncadd.s32 @!p5 $0xFFFFEC00;
	p2 =	seq.s32 @!p5 s4, $0x1  }
0x1d8: {  	s4 =	ssub.s32 @!p5 s14, s12;
	s12 =	simm.s32 @!p5 $0xC80;
	s14 =	simm.s32 @!p5 $0x6  }
0x1d9: {  	p2 =	por !p2, p5;
	s4 =	smul.u32 @!p5 $0xC80, s4;
	_ =	swait.ge @!p5 [sflag:s14], $0x1400  }
0x1da: {  	s12 =	simm.s32 @p2 $0x0;
	[sflag:s14] =	ssyncset.done @!p5 $0x0  }
0x1db: {  	s4 =	ssub.s32 @!p5 s12, s4;
	[sflag:s14] =	ssyncadd.s32 @!p5 $0xFFFFEC00;
	s14 =	sadd.s32 $0x4, s28  }
0x1dc: {  	s4 =	sshra.s32 @!p5 s4, $0x2;
	s17 =	smul.u32 $0xCCCD, s14  }
0x1dd: {  	s15 =	simm.s32 @!p5 $0x19580;
	s4 =	sadd.s32 @!p5 s4, s23  }
0x1de: {  	s12 =	simm.s32 @!p5 $0x50;
	s4 =	sadd.s32 @!p5 $0xFFFFFF60, s4;
	s16 =	sshrl.u32 s17, $0x14  }
0x1df: {  	[spmem:s3] =	stream.indirect.scatter.add.f32 @!p5 [tilespmem:s15], [sflag:$0xB], $0x80, s4, s12, $0xb8;
	[tilespmem:$0x1E580] =	vst v63  }
0x1e0: {  	s2 =	sadd.s32 $0x78, s2;
	s17 =	simm.s32 $0x18180;
	s15 =	smul.u32 $0x14, s16  }
0x1e1: {  	[tilespmem:s17], [sflag:$0x4] =	stream.indirect.gather [hbm4b:s1+s5], $0x80, s2, s5, $0xb8;
	[tilespmem:$0x1E580] =	vst v63  }
0x1e2: {  	p2 =	sgt.u32 s14, $0x1F3;
	s2 =	ssub.s32 s14, s15  }
0x1e3: {  	s4 =	sand.u32 @!p2 $0xFFFF, s2  }
0x1e4: {  	p6 =	sne.s32 @!p2 s4, $0x0  }
0x1e5: {  	p6 =	por p2, p6  }
.Ltmp21:
0x1e6: {  	_ = 	snop;
	(pc) =	sbr.rel @p6 .LBB2_10-.Ltmp21, $1  }
0x1e7: {  	_ =	sdelay $0x3  }
0x1e8: {  	_ =	swait.ge [sflag:s0], $0x320  }
0x1e9: {  	[sflag:s0] =	ssyncset.done $0x0  }
0x1ea: {  	[sflag:s0] =	ssyncadd.s32 $0xFFFFFCE0  }
0x1eb: {  	_ =	swait.ge [sflag:s0], $0x320  }
0x1ec: {  	[sflag:s0] =	ssyncset.done $0x0  }
0x1ed: {  	s4 =	simm.s32 @!p5 $0xB;
	[sflag:s0] =	ssyncadd.s32 $0xFFFFFCE0  }
0x1ee: {  	p2 =	por @!p5 $0x1, $0x1;
	_ =	swait.ge @!p5 [sflag:s4], $0x2800  }
0x1ef: {  	s2 =	simm.s32 @!p5 $0x0;
	p6 =	por $0x0, $0x0;
	[sflag:s4] =	ssyncset.done @!p5 $0x0  }
0x1f0: {  	s2 =	simm.s32 @p5 $0x0;
	p6 =	por @!p5 p2, p2;
	[sflag:s4] =	ssyncadd.s32 @!p5 $0xFFFFD800  }
.LBB2_13:
0x1f1: {  	s4 =	smulhi.u32 $0xCCCCCCCD, s11;
	_ =	sdelay $0x1  }
0x1f2: {  	s12 =	sand.u32 $0x1, s16;
	s4 =	sshrl.u32 s4, $0x4  }
0x1f3: {  	p2 =	seq.s32 s12, $0x1;
	s12 =	simm.s32 $0xC80;
	s4 =	smul.u32 $0xFFFFF380, s4  }
.Ltmp22:
0x1f4: {  	s12 =	simm.s32 @!p2 $0x0;
	(pc) =	sbr.rel @!p6 .LBB2_15-.Ltmp22, $4  }
0x1f5: {  	s12 =	sadd.s32 s12, s21;
	s4 =	sshra.s32 s4, $0x2  }
0x1f6: {  	s12 =	sshra.s32 s12, $0x2;
	s4 =	sadd.s32 $0x13920, s4  }
0x1f7: {  	s17 =	simm.s32 $0x19580;
	p5 =	por $0x0, $0x0;
	s4 =	sadd.s32 s12, s4  }
0x1f8: {  	[tilespmem:s17], [sflag:$0x5] =	stream.indirect.gather [hbm4b:s1+s5], $0x80, s4, s5, $0xb8;
	[tilespmem:$0x1E580] =	vst v63  }
.LBB2_14:
0x1f9: {  	s4 =	smul.u32 $0x6667, s28;
	_ =	sdelay $0x1  }
0x1fa: {  	s4 =	sadd.s32 $0xFFFF3332, s4  }
0x1fb: {  	s12 =	sshrl.u32 s4, $0x1F;
	s4 =	sshra.s32 s4, $0x13  }
0x1fc: {  	p2 =	seq.s32 s21, $0x0;
	s4 =	sadd.s32 s12, s4;
	s12 =	simm.s32 $0x1  }
0x1fd: {  	s4 =	sand.u32 $0xFFFF, s4;
	s12 =	simm.s32 @!p2 $0x0  }
0x1fe: {  	s4 =	ssub.s32 s4, s12  }
0x1ff: {  	_ =	swait.ge [sflag:s26], $0x1400;
	s12 =	sand.u32 $0x1, s4  }
0x200: {  	s4 =	smul.u32 $0xC80, s4;
	p2 =	seq.s32 s12, $0x1;
	s12 =	simm.s32 $0xC80  }
0x201: {  	[sflag:s26] =	ssyncset.done $0x0;
	s12 =	simm.s32 @!p2 $0x0  }
0x202: {  	[sflag:s26] =	ssyncadd.s32 $0xFFFFEC00;
	s4 =	ssub.s32 s12, s4  }
0x203: {  	s17 =	simm.s32 $0x50;
	_ =	swait.ge [sflag:s29], $0x1400;
	s4 =	sadd.s32 s4, s21  }
0x204: {  	s14 =	simm.s32 $0x1BD80;
	[sflag:s29] =	ssyncset.done $0x0;
	s4 =	sshra.s32 s4, $0x2  }
0x205: {  	p5 =	por $0x1, $0x1;
	[sflag:s29] =	ssyncadd.s32 $0xFFFFEC00;
	s4 =	sadd.s32 $0x13EB0, s4  }
0x206: {  	[spmem:s3] =	stream.indirect.scatter.add.f32 [tilespmem:s14], [sflag:$0xC], $0x80, s4, s17, $0xb8;
	[tilespmem:$0x1E580] =	vst v63  }
.LBB2_15:
0x207: {  	p2 =	sne.s32 @!p4 s2, $0x8  }
0x208: {  	p6 =	por p2, p4  }
0x209: {  	s2 =	sadd.s32 @!p6 $0x1, s16  }
0x20a: {  	s4 =	sand.u32 @!p6 $0x1, s2;
	s2 =	smul.u32 @!p6 $0x320, s2  }
0x20b: {  	p0 =	seq.s32 @!p6 s4, $0x1  }
0x20c: {  	p0 =	por @!p4 !p0, p2;
	s2 =	sand.u32 @!p6 $0xFFE0, s2  }
0x20d: {  	s4 =	simm.s32 @!p6 $0x320;
	p0 =	por !p0, p4;
	s2 =	sadd.s32 @!p6 s2, s10  }
0x20e: {  	s4 =	simm.s32 @!p0 $0x0;
	s2 =	sshrl.u32 @!p6 s2, $0x3  }
0x20f: {  	s15 =	simm.s32 @!p6 $0x0;
	s12 =	sor.u32 @!p6 $0x13880, s4;
	s14 =	sadd.s32 @!p6 s6, s2  }
0x210: {  	[tilespmem:s12], [sflag:$0xD] =	stream.linear.gather @!p6 [hbm4b:s14+s15], $0x320, $0x38;
	[tilespmem:$0x1E580] =	vst v63  }
0x211: {  	s4 =	sadd.s32 @!p6 $0x13F00, s4;
	s2 =	sadd.s32 @!p6 s7, s2  }
0x212: {  	[tilespmem:s4], [sflag:$0xD] =	stream.linear.gather @!p6 [hbm4b:s2+s15], $0x320, $0x38;
	[tilespmem:$0x1E580] =	vst v63  }
0x213: {  	s2 =	sadd.s32 $0x5, s28  }
0x214: {  	p0 =	sgt.u32 s2, $0x1F3  }
.Ltmp23:
0x215: {  	_ = 	snop;
	(pc) =	sbr.rel @!p0 .LBB2_16-.Ltmp23, $1  }
0x216: {  	_ =	sdelay $0x3  }
0x217: {  	p0 =	sgt.u32 s31, $0x3E  }
.Ltmp24:
0x218: {  	_ = 	snop;
	(pc) =	sbr.rel @p0 .LBB2_19-.Ltmp24, $4  }
.Ltmp25:
0x219: {  	s2 =	simm.s32 @p5 $0xC;
	(pc) =	sbr.rel @!p0 .LBB2_18-.Ltmp25, $4  }
0x21a: {  	_ =	swait.ge @p5 [sflag:s2], $0x2800  }
0x21b: {  	[sflag:s2] =	ssyncset.done @p5 $0x0  }
0x21c: {  	[sflag:s2] =	ssyncadd.s32 @p5 $0xFFFFD800  }
0x21d: {  	_ = 	snop  }
.LBB2_5:
.Ltmp26:
0x21e: {  	(pc) =	sbr.rel @p5 .LBB2_7-.Ltmp26, $4  }
.Ltmp27:
0x21f: {  	(pc) =	sbr.rel @!p5 .LBB2_6-.Ltmp27, $4  }
0x220: {  	_ = 	snop  }
0x221: {  	_ = 	snop  }
0x222: {  	_ = 	snop  }
0x223: {  	_ = 	snop  }
.LBB2_10:
.Ltmp28:
0x224: {  	(pc) =	sbr.rel @p5 .LBB2_12-.Ltmp28, $2  }
0x225: {  	_ =	sdelay $0x2  }
0x226: {  	s2 =	sand.u32 $0xFFFF, s2  }
0x227: {  	p2 =	slt.u32 s14, $0x1F4  }
.Ltmp29:
0x228: {  	_ = 	snop;
	(pc) =	sbr.rel @p2 .LBB2_13-.Ltmp29, $4  }
.Ltmp30:
0x229: {  	s4 =	simm.s32 $0xB;
	(pc) =	sbr.rel @!p2 .LBB2_14-.Ltmp30, $4  }
0x22a: {  	_ =	swait.ge [sflag:s4], $0x2800  }
0x22b: {  	[sflag:s4] =	ssyncset.done $0x0  }
0x22c: {  	p6 =	por $0x1, $0x1;
	[sflag:s4] =	ssyncadd.s32 $0xFFFFD800  }
0x22d: {  	_ = 	snop  }
.LBB2_12:
.Ltmp31:
0x22e: {  	(pc) =	sbr.rel @p2 .LBB2_15-.Ltmp31, $4  }
.Ltmp32:
0x22f: {  	(pc) =	sbr.rel @!p2 .LBB2_13-.Ltmp32, $4  }
0x230: {  	_ = 	snop  }
0x231: {  	_ = 	snop  }
0x232: {  	p6 =	por $0x0, $0x0;
	p5 =	por $0x0, $0x0  }
0x233: {  	_ = 	snop  }
.LBB2_39:
0x234: {  	[bflag:$0x0] =	sbarrier.arrive $0xFFFF  }
0x235: {  	s2 =	sld [smem:$0x7FC]  }
0x236: {  	s11 =	sld [smem:$0x7F0];
	_ =	sdelay $0x1  }
0x237: {  	s15 =	simm.s32 $0xE;
	s4 =	rddreg [dreg:$0x16];
	s2 =	sor.u32 $0x1C0E, s2  }
0x238: {  	[hbm:s4], [sflag:s2] =	dma.local [spmem:s11], $0x500  }
0x239: {  	_ =	swait.ge [sflag:s15], $0x500  }
0x23a: {  	s12 =	sld [smem:$0x7F1]  }
0x23b: {  	[sflag:s15] =	ssyncset.done $0x0  }
0x23c: {  	s16 =	rddreg [dreg:$0x18];
	[sflag:s15] =	ssyncadd.s32 $0xFFFFFB00  }
0x23d: {  	[hbm:s16], [sflag:s2] =	dma.local [spmem:s12], $0x500  }
0x23e: {  	_ =	swait.ge [sflag:s15], $0x500  }
0x23f: {  	s18 =	sld [smem:$0x7F2]  }
0x240: {  	[sflag:s15] =	ssyncset.done $0x0  }
0x241: {  	s17 =	rddreg [dreg:$0x1a];
	[sflag:s15] =	ssyncadd.s32 $0xFFFFFB00  }
0x242: {  	[hbm:s17], [sflag:s2] =	dma.local [spmem:s18], $0x500  }
0x243: {  	_ =	swait.ge [sflag:s15], $0x500  }
0x244: {  	s21 =	sld [smem:$0x7F3]  }
0x245: {  	[sflag:s15] =	ssyncset.done $0x0  }
0x246: {  	s20 =	rddreg [dreg:$0x1c];
	[sflag:s15] =	ssyncadd.s32 $0xFFFFFB00  }
0x247: {  	[hbm:s20], [sflag:s2] =	dma.local [spmem:s21], $0x500  }
0x248: {  	_ =	swait.ge [sflag:s15], $0x500  }
0x249: {  	s23 =	sld [smem:$0x7F4]  }
0x24a: {  	[sflag:s15] =	ssyncset.done $0x0  }
0x24b: {  	s22 =	rddreg [dreg:$0x1e];
	[sflag:s15] =	ssyncadd.s32 $0xFFFFFB00  }
0x24c: {  	[hbm:s22], [sflag:s2] =	dma.local [spmem:s23], $0x500  }
0x24d: {  	_ =	swait.ge [sflag:s15], $0x500  }
0x24e: {  	s24 =	sld [smem:$0x7F9]  }
0x24f: {  	s25 =	sld [smem:$0x7F5]  }
0x250: {  	[sflag:s15] =	ssyncset.done $0x0  }
0x251: {  	[sflag:s15] =	ssyncadd.s32 $0xFFFFFB00  }
0x252: {  	[hbm:s24], [sflag:s2] =	dma.local [spmem:s25], $0x500  }
0x253: {  	_ =	swait.ge [sflag:s15], $0x500  }
0x254: {  	s28 =	sld [smem:$0x7FB]  }
0x255: {  	s31 =	sld [smem:$0x7F6]  }
0x256: {  	[sflag:s15] =	ssyncset.done $0x0  }
0x257: {  	[sflag:s15] =	ssyncadd.s32 $0xFFFFFB00  }
0x258: {  	[hbm:s28], [sflag:s2] =	dma.local [spmem:s31], $0x500  }
.Ltmp33:
0x259: {  	_ = 	snop;
	(pc) =	sbr.rel @p1 .LBB2_41-.Ltmp33, $4  }
.Ltmp34:
0x25a: {  	_ = 	snop;
	(pc) =	sbr.rel @!p1 .LBB2_40-.Ltmp34, $4  }
0x25b: {  	_ =	swait.ge [sflag:s15], $0x500  }
0x25c: {  	[sflag:s15] =	ssyncset.done $0x0;
	s12 =	sld [smem:$0x7EF]  }
0x25d: {  	s2 =	rddreg [dreg:$0x6];
	[sflag:s15] =	ssyncadd.s32 $0xFFFFFB00  }
0x25e: {  	_ = 	snop  }
.LBB2_20:
0x25f: {  	[bflag:$0x0] =	sbarrier.arrive $0xFFFF  }
0x260: {  	s2 =	sld [smem:$0x7FC]  }
0x261: {  	s11 =	sld [smem:$0x7F0];
	_ =	sdelay $0x1  }
0x262: {  	s14 =	simm.s32 $0xE;
	s4 =	rddreg [dreg:$0x15];
	s2 =	sor.u32 $0x1C0E, s2  }
0x263: {  	[hbm:s4], [sflag:s2] =	dma.local [spmem:s11], $0x500  }
0x264: {  	_ =	swait.ge [sflag:s14], $0x500  }
0x265: {  	s12 =	sld [smem:$0x7F1]  }
0x266: {  	[sflag:s14] =	ssyncset.done $0x0  }
0x267: {  	s15 =	rddreg [dreg:$0x17];
	[sflag:s14] =	ssyncadd.s32 $0xFFFFFB00  }
0x268: {  	[hbm:s15], [sflag:s2] =	dma.local [spmem:s12], $0x500  }
0x269: {  	_ =	swait.ge [sflag:s14], $0x500  }
0x26a: {  	s17 =	sld [smem:$0x7F2]  }
0x26b: {  	[sflag:s14] =	ssyncset.done $0x0  }
0x26c: {  	s16 =	rddreg [dreg:$0x19];
	[sflag:s14] =	ssyncadd.s32 $0xFFFFFB00  }
0x26d: {  	[hbm:s16], [sflag:s2] =	dma.local [spmem:s17], $0x500  }
0x26e: {  	_ =	swait.ge [sflag:s14], $0x500  }
0x26f: {  	s20 =	sld [smem:$0x7F3]  }
0x270: {  	[sflag:s14] =	ssyncset.done $0x0  }
0x271: {  	s18 =	rddreg [dreg:$0x1b];
	[sflag:s14] =	ssyncadd.s32 $0xFFFFFB00  }
0x272: {  	[hbm:s18], [sflag:s2] =	dma.local [spmem:s20], $0x500  }
0x273: {  	_ =	swait.ge [sflag:s14], $0x500  }
0x274: {  	s22 =	sld [smem:$0x7F4]  }
0x275: {  	[sflag:s14] =	ssyncset.done $0x0  }
0x276: {  	s21 =	rddreg [dreg:$0x1d];
	[sflag:s14] =	ssyncadd.s32 $0xFFFFFB00  }
0x277: {  	[hbm:s21], [sflag:s2] =	dma.local [spmem:s22], $0x500  }
0x278: {  	_ =	swait.ge [sflag:s14], $0x500  }
0x279: {  	s24 =	sld [smem:$0x7F5]  }
0x27a: {  	[sflag:s14] =	ssyncset.done $0x0  }
0x27b: {  	s23 =	rddreg [dreg:$0x1f];
	[sflag:s14] =	ssyncadd.s32 $0xFFFFFB00  }
0x27c: {  	[hbm:s23], [sflag:s2] =	dma.local [spmem:s24], $0x500  }
0x27d: {  	_ =	swait.ge [sflag:s14], $0x500  }
0x27e: {  	s25 =	sld [smem:$0x7FA]  }
0x27f: {  	s28 =	sld [smem:$0x7F6]  }
0x280: {  	[sflag:s14] =	ssyncset.done $0x0  }
0x281: {  	[sflag:s14] =	ssyncadd.s32 $0xFFFFFB00  }
0x282: {  	[hbm:s25], [sflag:s2] =	dma.local [spmem:s28], $0x500  }
0x283: {  	_ =	swait.ge [sflag:s14], $0x500  }
0x284: {  	s31 =	sld [smem:$0x7F8];
	_ =	sdelay $0x2  }
0x285: {  	p0 =	seq.s32 s31, $0x1  }
.Ltmp35:
0x286: {  	_ = 	snop;
	(pc) =	sbr.rel @p0 .LBB2_40-.Ltmp35, $4  }
.Ltmp36:
0x287: {  	_ = 	snop;
	(pc) =	sbr.rel @!p0 .LBB2_41-.Ltmp36, $4  }
0x288: {  	[sflag:s14] =	ssyncset.done $0x0  }
0x289: {  	s12 =	sld [smem:$0x7EF];
	[sflag:s14] =	ssyncadd.s32 $0xFFFFFB00  }
0x28a: {  	s2 =	rddreg [dreg:$0x2]  }
0x28b: {  	_ = 	snop  }
.LBB2_42:
0x28c: {  	_ =	sfence.sel $0x180000  }
0x28d: {  	[bflag:$0x0] =	sbarrier.arrive $0xFFFF  }
0x28e: {  	_ =	strace $0x90000047  }
0x28f: {  	s0 =	stileid.u32;
	[bflag:$0x2] =	sbarrier.arrive $0xFFFF  }
0x290: {  	p0 =	sne.s32 s0, $0x0;
	s0 =	rddreg [dreg:$0x4]  }
0x291: {  	s0 =	sadd.s32 @!p0 $0x100000, s0  }
0x292: {  	[sflag:s0] =	ssyncadd.tile.s32 @!p0 $0x1;
	_ =	shalt  }
.Lfunc_end2:
_tile_overlayer_lowered:
.L_overlay_start_2:
0x293: {  	(tag) =	ssettag $0x2  }
0x294: {  	s0 =	rddreg [dreg:$0x0];
	s2 =	stileid.u32  }
0x295: {  	s1 =	rddreg [dreg:$0x1];
	p0 =	sne.s32 s2, $0x0  }
0x296: {  	s3 =	rddreg [dreg:$0x2];
	[bflag:$0x3] =	sbarrier.arrive $0xFFFF;
	s2 =	simm.s32 @!p0 $0x1C0E  }
0x297: {  	[timem:s3], [sflag:s2] =	dma.local @!p0 [hbm:s0], s1  }
0x298: {  	s0 =	simm.s32 @!p0 $0xE  }
0x299: {  	_ =	swait.ge @!p0 [sflag:s0], s1  }
0x29a: {  	s1 =	ssub.s32 @!p0 $0x0, s1;
	[sflag:s0] =	ssyncset.done @!p0 $0x0  }
0x29b: {  	[sflag:s0] =	ssyncadd.s32 @!p0 s1  }
0x29c: {  	[bflag:$0x3] =	sbarrier.arrive $0xFFFF  }
0x29d: {  	_ =	shalt  }

</sc_bundles>
